<compile_context>
chip_gen: v7x
topology: tpu7x:2x2x1
jax: 0.10.2.dev20260603
libtpu: 0.0.44.dev20260713+nightly
codegen_flags: <defaults>
</compile_context>

<pallas_src>
import functools

import jax
import jax.numpy as jnp
from jax import lax
from jax.experimental import pallas as pl
from jax.experimental.pallas import tpu as pltpu
from jax.experimental.pallas import tpu_sc as plsc

_N = 10000
_E = 320000
_D = 128
_H = 64
_G = 64
_NC = 2
_NS = 16
_NW = _NC * _NS
_NPAD = 10240
_JUNK = 10200
_CH = 128
_NCHUNK = 79
_EPT = _CH * _NCHUNK
_SLOTS = _NW * _EPT

_mesh = plsc.VectorSubcoreMesh(core_axis_name="c", subcore_axis_name="s")


@functools.partial(
    pl.kernel,
    out_type=jax.ShapeDtypeStruct((_NC, _NPAD, 16), jnp.float32),
    mesh=_mesh,
    compiler_params=pltpu.CompilerParams(needs_layout_passes=False,
                                         use_tc_tiling_on_sc=False),
    scratch_types=[
        pltpu.VMEM_SHARED((_NPAD, 16), jnp.float32),
        pltpu.VMEM((_NCHUNK, _CH), jnp.int32),
        pltpu.VMEM((_CH, 16), jnp.float32),
        pltpu.VMEM((_CH, 16), jnp.float32),
    ],
)
def _sc_hist(dst_hbm, hist_hbm, acc_sh, idx_v, ones_v, zbuf):
    c = lax.axis_index("c")
    s = lax.axis_index("s")
    wid = s * _NC + c

    def _fill(i, carry):
        ones_v[i, pl.ds(0, 16)] = jnp.ones((16,), jnp.float32)
        zbuf[i, pl.ds(0, 16)] = jnp.zeros((16,), jnp.float32)
        return carry

    lax.fori_loop(0, _CH, _fill, 0)
    for k in range(_NPAD // _NS // _CH):
        pltpu.sync_copy(zbuf, acc_sh.at[pl.ds(s * (_NPAD // _NS) + k * _CH, _CH)])
    plsc.subcore_barrier()
    pltpu.sync_copy(dst_hbm.at[wid], idx_v)

    def _chunk(j, carry):
        pltpu.sync_copy(ones_v, acc_sh.at[idx_v.at[j]], add=True)
        return carry

    lax.fori_loop(0, _NCHUNK, _chunk, 0)
    plsc.subcore_barrier()
    for k in range(_NPAD // _NS // _CH):
        r0 = s * (_NPAD // _NS) + k * _CH
        pltpu.sync_copy(acc_sh.at[pl.ds(r0, _CH)],
                        hist_hbm.at[c].at[pl.ds(r0, _CH)])


@functools.partial(
    pl.kernel,
    out_type=jax.ShapeDtypeStruct((_NC, _NPAD, _H), jnp.float32),
    mesh=_mesh,
    compiler_params=pltpu.CompilerParams(needs_layout_passes=False,
                                         use_tc_tiling_on_sc=False),
    scratch_types=[
        pltpu.VMEM_SHARED((_NPAD, _H), jnp.float32),
        pltpu.VMEM((_NCHUNK, _CH), jnp.int32),
        pltpu.VMEM((_NCHUNK, _CH), jnp.int32),
        pltpu.VMEM((_CH, _H), jnp.float32),
        pltpu.VMEM((_CH, _H), jnp.float32),
        pltpu.VMEM((_CH, _H), jnp.float32),
        pltpu.SemaphoreType.DMA,
        pltpu.SemaphoreType.DMA,
    ],
)
def _sc_agg(z_hbm, src_hbm, dst_hbm, part_hbm, acc_sh, src_v, dst_v, r0, r1,
            zbuf, sg0, sg1):
    c = lax.axis_index("c")
    s = lax.axis_index("s")
    wid = s * _NC + c

    def _zero(i, carry):
        zbuf[i // (_H // 16), pl.ds((i % (_H // 16)) * 16, 16)] = jnp.zeros(
            (16,), jnp.float32)
        return carry

    lax.fori_loop(0, _CH * _H // 16, _zero, 0)
    for k in range(_NPAD // _NS // _CH):
        pltpu.sync_copy(zbuf, acc_sh.at[pl.ds(s * (_NPAD // _NS) + k * _CH, _CH)])
    plsc.subcore_barrier()

    pltpu.sync_copy(src_hbm.at[wid], src_v)
    pltpu.sync_copy(dst_hbm.at[wid], dst_v)

    npair = _NCHUNK // 2
    pltpu.async_copy(z_hbm.at[src_v.at[0]], r0, sg0)

    def _pair(j, carry):
        pltpu.make_async_copy(z_hbm.at[src_v.at[2 * j]], r0, sg0).wait()
        pltpu.async_copy(z_hbm.at[src_v.at[2 * j + 1]], r1, sg1)
        pltpu.sync_copy(r0, acc_sh.at[dst_v.at[2 * j]], add=True)
        pltpu.make_async_copy(z_hbm.at[src_v.at[2 * j + 1]], r1, sg1).wait()
        pltpu.async_copy(z_hbm.at[src_v.at[2 * j + 2]], r0, sg0)
        pltpu.sync_copy(r1, acc_sh.at[dst_v.at[2 * j + 1]], add=True)
        return carry

    lax.fori_loop(0, npair, _pair, 0)
    pltpu.make_async_copy(z_hbm.at[src_v.at[_NCHUNK - 1]], r0, sg0).wait()
    pltpu.sync_copy(r0, acc_sh.at[dst_v.at[_NCHUNK - 1]], add=True)
    plsc.subcore_barrier()
    for k in range(_NPAD // _NS // _CH):
        r0 = s * (_NPAD // _NS) + k * _CH
        pltpu.sync_copy(acc_sh.at[pl.ds(r0, _CH)],
                        part_hbm.at[c].at[pl.ds(r0, _CH)])


def _tc_dis_body(hist_ref, dis_ref):
    p = hist_ref[...]
    deg = p[0, :, 0] + p[1, :, 0] + 1.0
    dis_ref[...] = 1.0 / jnp.sqrt(deg)


_tc_dis = pl.pallas_call(
    _tc_dis_body, out_shape=jax.ShapeDtypeStruct((_NPAD,), jnp.float32))


def _mm_default(a, b):
    return jnp.dot(a, b, precision=lax.Precision.HIGHEST,
                   preferred_element_type=jnp.float32)


def _tc_z1_body(x_ref, w_ref, dis_ref, z_ref):
    xw = _mm_default(x_ref[...], w_ref[...])
    z_ref[...] = xw * dis_ref[...]


_tc_z1 = pl.pallas_call(
    _tc_z1_body, out_shape=jax.ShapeDtypeStruct((_N, _H), jnp.float32))


def _tc_prestats_body(p_ref, z_ref, dis_ref, b_ref, batchr_ref, h_ref,
                      mean_ref, cnt_ref):
    p = p_ref[...]
    agg = p[0, :_N, :] + p[1, :_N, :] + z_ref[...]
    h = dis_ref[...] * agg + b_ref[...]
    h_ref[...] = h
    iota_g = lax.broadcasted_iota(jnp.int32, (_G, _N), 0)
    oht = jnp.where(batchr_ref[...] == iota_g, 1.0, 0.0).astype(jnp.float32)
    cnt = jnp.maximum(_mm_default(oht, jnp.ones((_N, 1), jnp.float32)), 1.0)
    mean_ref[...] = _mm_default(oht, h) / cnt
    cnt_ref[...] = cnt


_tc_prestats = pl.pallas_call(
    _tc_prestats_body,
    out_shape=(jax.ShapeDtypeStruct((_N, _H), jnp.float32),
               jax.ShapeDtypeStruct((_G, _H), jnp.float32),
               jax.ShapeDtypeStruct((_G, 1), jnp.float32)))


def _tc_centervar_body(h_ref, mean_ref, cnt_ref, ms_ref, batch_ref,
                       batchr_ref, out_ref, std_ref):
    iota_n = lax.broadcasted_iota(jnp.int32, (_N, _G), 1)
    onehot = jnp.where(batch_ref[...] == iota_n, 1.0, 0.0).astype(jnp.float32)
    o = h_ref[...] - ms_ref[...] * _mm_default(onehot, mean_ref[...])
    out_ref[...] = o
    iota_g = lax.broadcasted_iota(jnp.int32, (_G, _N), 0)
    oht = jnp.where(batchr_ref[...] == iota_g, 1.0, 0.0).astype(jnp.float32)
    var = _mm_default(oht, o * o) / cnt_ref[...]
    std_ref[...] = jnp.sqrt(var + 1e-5)


_tc_centervar = pl.pallas_call(
    _tc_centervar_body,
    out_shape=(jax.ShapeDtypeStruct((_N, _H), jnp.float32),
               jax.ShapeDtypeStruct((_G, _H), jnp.float32)))


def _tc_apply_body(out_ref, std_ref, w_ref, bias_ref, batch_ref, w2_ref,
                   dis_ref, z2_ref):
    iota_n = lax.broadcasted_iota(jnp.int32, (_N, _G), 1)
    onehot = jnp.where(batch_ref[...] == iota_n, 1.0, 0.0).astype(jnp.float32)
    stdb = _mm_default(onehot, std_ref[...])
    res = w_ref[...] * (out_ref[...] / stdb) + bias_ref[...]
    res = jnp.maximum(res, 0.0)
    z2_ref[...] = _mm_default(res, w2_ref[...]) * dis_ref[...]


_tc_apply = pl.pallas_call(
    _tc_apply_body, out_shape=jax.ShapeDtypeStruct((_N, _H), jnp.float32))


def _tc_applypool_body(out_ref, std_ref, w_ref, bias_ref, batch_ref,
                       batchr_ref, cnt_ref, g_ref):
    iota_n = lax.broadcasted_iota(jnp.int32, (_N, _G), 1)
    onehot = jnp.where(batch_ref[...] == iota_n, 1.0, 0.0).astype(jnp.float32)
    stdb = _mm_default(onehot, std_ref[...])
    res = w_ref[...] * (out_ref[...] / stdb) + bias_ref[...]
    res = jnp.maximum(res, 0.0)
    iota_g = lax.broadcasted_iota(jnp.int32, (_G, _N), 0)
    oht = jnp.where(batchr_ref[...] == iota_g, 1.0, 0.0).astype(jnp.float32)
    g_ref[...] = _mm_default(oht, res) / cnt_ref[...]


_tc_applypool = pl.pallas_call(
    _tc_applypool_body, out_shape=jax.ShapeDtypeStruct((_G, _H), jnp.float32))


def _graph_norm_tc(p, z, dis2d, b_row, w_row, bias_row, ms_row, batch2d,
                   batch_row, w2=None):
    h, mean, cnt = _tc_prestats(p, z, dis2d, b_row, batch_row)
    out, std = _tc_centervar(h, mean, cnt, ms_row, batch2d, batch_row)
    if w2 is None:
        return _tc_applypool(out, std, w_row, bias_row, batch2d, batch_row,
                             cnt)
    return _tc_apply(out, std, w_row, bias_row, batch2d, w2, dis2d)


def kernel(x, edge_index, batch, W1, b1, gn1_w, gn1_b, gn1_ms,
           W2, b2, gn2_w, gn2_b, gn2_ms):
    src = edge_index[0].astype(jnp.int32)
    dst = edge_index[1].astype(jnp.int32)
    pad = _SLOTS - _E
    src3 = jnp.concatenate([src, jnp.zeros((pad,), jnp.int32)]).reshape(
        _NW, _NCHUNK, _CH)
    junk = _N + jnp.arange(pad, dtype=jnp.int32) % (_NPAD - _N)
    dst3 = jnp.concatenate([dst, junk]).reshape(_NW, _NCHUNK, _CH)
    batch2d = batch.astype(jnp.int32).reshape(_N, 1)
    batch_row = batch.astype(jnp.int32).reshape(1, _N)

    hist = _sc_hist(dst3)
    dis2d = _tc_dis(hist)[:_N].reshape(_N, 1)
    z1 = _tc_z1(x, W1, dis2d)
    p1 = _sc_agg(z1, src3, dst3)
    z2 = _graph_norm_tc(p1, z1, dis2d, b1.reshape(1, _H), gn1_w.reshape(1, _H),
                        gn1_b.reshape(1, _H), gn1_ms.reshape(1, _H), batch2d,
                        batch_row, W2)
    p2 = _sc_agg(z2, src3, dst3)
    g = _graph_norm_tc(p2, z2, dis2d, b2.reshape(1, _H), gn2_w.reshape(1, _H),
                       gn2_b.reshape(1, _H), gn2_ms.reshape(1, _H), batch2d,
                       batch_row)
    return g

# --- scband reference (transcript-rebuilt; emitter-appended) ---
"""Pipeline reference for scband-encoder-75831942578735 (READ-ONLY COPY).

The authoritative reference and input builder live on the scoring server;
editing this copy changes nothing except your own understanding.
"""

import jax, jax.numpy as jnp
import numpy as np

N = 10000
E = 320000
D = 128
H = 64
EMB = 64
G = 64


def setup_inputs(seed: int = 0) -> dict:
    key = jax.random.key(seed)
    ks = jax.random.split(key, 12)
    x = jax.random.normal(ks[0], (N, D), dtype=jnp.float32)
    edge_index = jax.random.randint(ks[1], (2, E), 0, N, dtype=jnp.int64)
    batch = jnp.sort(jax.random.randint(ks[2], (N,), 0, G, dtype=jnp.int64))
    # GCNConv1 params (glorot-ish)
    W1 = jax.random.normal(ks[3], (D, H), dtype=jnp.float32) * (1.0 / np.sqrt(D))
    b1 = jnp.zeros((H,), dtype=jnp.float32)
    gn1_w = jnp.ones((H,), dtype=jnp.float32)
    gn1_b = jnp.zeros((H,), dtype=jnp.float32)
    gn1_ms = jnp.ones((H,), dtype=jnp.float32)
    # GCNConv2 params
    W2 = jax.random.normal(ks[4], (H, EMB), dtype=jnp.float32) * (1.0 / np.sqrt(H))
    b2 = jnp.zeros((EMB,), dtype=jnp.float32)
    gn2_w = jnp.ones((EMB,), dtype=jnp.float32)
    gn2_b = jnp.zeros((EMB,), dtype=jnp.float32)
    gn2_ms = jnp.ones((EMB,), dtype=jnp.float32)
    return {"x": x, "edge_index": edge_index, "batch": batch,
            "W1": W1, "b1": b1, "gn1_w": gn1_w, "gn1_b": gn1_b, "gn1_ms": gn1_ms,
            "W2": W2, "b2": b2, "gn2_w": gn2_w, "gn2_b": gn2_b, "gn2_ms": gn2_ms}


def _gcn_conv(x, edge_index, W, b, num_nodes):
    # PyG GCNConv: add self-loops, symmetric normalization, then aggregate
    loop = jnp.arange(num_nodes, dtype=edge_index.dtype)
    src = jnp.concatenate([edge_index[0], loop])
    dst = jnp.concatenate([edge_index[1], loop])
    deg = jnp.zeros((num_nodes,), dtype=jnp.float32).at[dst].add(1.0)
    dis = jnp.where(deg > 0, 1.0 / jnp.sqrt(deg), 0.0)
    norm = dis[src] * dis[dst]
    xw = x @ W
    msg = xw[src] * norm[:, None]
    out = jnp.zeros((num_nodes, W.shape[1]), dtype=x.dtype).at[dst].add(msg)
    return out + b


def _graph_norm(x, batch, weight, bias, mean_scale, num_graphs, eps=1e-5):
    cnt = jnp.zeros((num_graphs,), dtype=jnp.float32).at[batch].add(1.0)
    cnt = jnp.maximum(cnt, 1.0)
    mean = jax.ops.segment_sum(x, batch, num_segments=num_graphs) / cnt[:, None]
    out = x - mean_scale * mean[batch]
    var = jax.ops.segment_sum(out * out, batch, num_segments=num_graphs) / cnt[:, None]
    std = jnp.sqrt(var + eps)
    return weight * (out / std[batch]) + bias


def _global_mean_pool(x, batch, num_graphs):
    cnt = jnp.zeros((num_graphs,), dtype=jnp.float32).at[batch].add(1.0)
    cnt = jnp.maximum(cnt, 1.0)
    s = jax.ops.segment_sum(x, batch, num_segments=num_graphs)
    return s / cnt[:, None]


def reference(x, edge_index, batch, W1, b1, gn1_w, gn1_b, gn1_ms, W2, b2, gn2_w, gn2_b, gn2_ms):
    h = _gcn_conv(x, edge_index, W1, b1, N)
    h = _graph_norm(h, batch, gn1_w, gn1_b, gn1_ms, G)
    h = jax.nn.relu(h)
    # dropout is identity at inference (training=False)
    h = _gcn_conv(h, edge_index, W2, b2, N)
    h = _graph_norm(h, batch, gn2_w, gn2_b, gn2_ms, G)
    h = jax.nn.relu(h)
    g = _global_mean_pool(h, batch, G)
    return g

if __name__ == "__main__":
    import jax
    _d = setup_inputs()
    print(jax.jit(kernel)(*tuple(_d.values())))

</pallas_src>

<mosaic_0001>
#map = affine_map<(d0, d1) -> (0, 0)>
#map1 = affine_map<(d0, d1) -> (0, 0, 0)>
module attributes {stable_mosaic.version = 14 : i64} {
  func.func @_sc_agg(%arg0: i32, %arg1: i32, %arg2: memref<10000x64xf32, #tpu.memory_space<hbm>>, %arg3: memref<32x79x128xi32, #tpu.memory_space<hbm>>, %arg4: memref<32x79x128xi32, #tpu.memory_space<hbm>>, %arg5: memref<2x10240x64xf32, #tpu.memory_space<hbm>>, %arg6: memref<10240x64xf32, #tpu.memory_space<vmem_shared>>, %arg7: memref<79x128xi32, #tpu.memory_space<vmem>>, %arg8: memref<79x128xi32, #tpu.memory_space<vmem>>, %arg9: memref<128x64xf32, #tpu.memory_space<vmem>>, %arg10: memref<128x64xf32, #tpu.memory_space<vmem>>, %arg11: memref<128x64xf32, #tpu.memory_space<vmem>>, %arg12: memref<!tpu.dma_semaphore, #tpu.memory_space<semaphore_mem>>, %arg13: memref<!tpu.dma_semaphore, #tpu.memory_space<semaphore_mem>>) attributes {dimension_semantics = [#tpu.dimension_semantics<core_parallel>, #tpu.dimension_semantics<subcore_parallel>], iteration_bounds = array<i64: 2, 16>, scalar_prefetch = 0 : i64, scratch_operands = 8 : i64, tpu.core_type = #tpu.core_type<sc_vector_subcore>, window_params = [{transform_indices = #map}, {transform_indices = #map1}, {transform_indices = #map1}, {transform_indices = #map1}]} {
    %mul3A = arith.constant 2 : i32
    %mul3A_0 = arith.muli %arg1, %mul3A : i32
    %add3A = arith.addi %mul3A_0, %arg0 : i32
    %scan3A = arith.constant 0 : i32
    %scan3A_1 = arith.constant 0 : i32
    %scan3A_2 = arith.constant 512 : i32
    %scan3A_3 = arith.addi %scan3A_1, %scan3A_2 : i32
    %scan3A_4 = arith.constant 1 : i32
    scf.for %scan3A_65 = %scan3A_1 to %scan3A_3 step %scan3A_4  : i32 {
      %broadcast_in_dim3A = arith.constant 0.000000e+00 : f32
      %broadcast_in_dim3A_66 = vector.broadcast %broadcast_in_dim3A : f32 to vector<16xf32>
      %jit3A = arith.constant 4 : i32
      %div3A = arith.divsi %scan3A_65, %jit3A : i32
      %sign3A = arith.constant 0 : i32
      %sign3A_67 = arith.cmpi sgt, %scan3A_65, %sign3A : i32
      %sign3A_68 = arith.extui %sign3A_67 : i1 to i32
      %sign3A_69 = arith.constant 0 : i32
      %sign3A_70 = arith.cmpi slt, %scan3A_65, %sign3A_69 : i32
      %sign3A_71 = arith.extui %sign3A_70 : i1 to i32
      %sign3A_72 = arith.subi %sign3A_68, %sign3A_71 : i32
      %sign3A_73 = arith.constant 0 : i32
      %sign3A_74 = arith.cmpi sgt, %jit3A, %sign3A_73 : i32
      %sign3A_75 = arith.extui %sign3A_74 : i1 to i32
      %sign3A_76 = arith.constant 0 : i32
      %sign3A_77 = arith.cmpi slt, %jit3A, %sign3A_76 : i32
      %sign3A_78 = arith.extui %sign3A_77 : i1 to i32
      %sign3A_79 = arith.subi %sign3A_75, %sign3A_78 : i32
      %ne3A = arith.cmpi ne, %sign3A_72, %sign3A_79 : i32
      %rem3A = arith.remsi %scan3A_65, %jit3A : i32
      %ne3A_80 = arith.constant 0 : i32
      %ne3A_81 = arith.cmpi ne, %rem3A, %ne3A_80 : i32
      %and3A = arith.andi %ne3A, %ne3A_81 : i1
      %sub3A = arith.constant 1 : i32
      %sub3A_82 = arith.subi %div3A, %sub3A : i32
      %select_n3A = arith.select %and3A, %sub3A_82, %div3A : i32
      %jit3A_83 = arith.constant 4 : i32
      %eq3A = arith.constant 0 : i32
      %eq3A_84 = arith.cmpi eq, %jit3A_83, %eq3A : i32
      %jit3A_85 = arith.constant 1 : i32
      %select_n3A_86 = arith.select %eq3A_84, %jit3A_85, %jit3A_83 : i32
      %rem3A_87 = arith.remsi %scan3A_65, %select_n3A_86 : i32
      %ne3A_88 = arith.constant 0 : i32
      %ne3A_89 = arith.cmpi ne, %rem3A_87, %ne3A_88 : i32
      %lt3A = arith.constant 0 : i32
      %lt3A_90 = arith.cmpi slt, %rem3A_87, %lt3A : i32
      %lt3A_91 = arith.constant 0 : i32
      %lt3A_92 = arith.cmpi slt, %select_n3A_86, %lt3A_91 : i32
      %ne3A_93 = arith.xori %lt3A_90, %lt3A_92 : i1
      %and3A_94 = arith.andi %ne3A_93, %ne3A_89 : i1
      %add3A_95 = arith.addi %rem3A_87, %select_n3A_86 : i32
      %select_n3A_96 = arith.select %and3A_94, %add3A_95, %rem3A_87 : i32
      %mul3A_97 = arith.constant 16 : i32
      %mul3A_98 = arith.muli %select_n3A_96, %mul3A_97 : i32
      %swap3A = arith.index_cast %select_n3A : i32 to index
      %swap3A_99 = arith.index_cast %mul3A_98 : i32 to index
      %swap3A_100 = tpu.vector_load %arg11[%swap3A, %swap3A_99] {strides = array<i32>} : memref<128x64xf32, #tpu.memory_space<vmem>>, vector<16xf32>,
      tpu.vector_store %arg11[%swap3A, %swap3A_99], %broadcast_in_dim3A_66 {strides = array<i32>} : memref<128x64xf32, #tpu.memory_space<vmem>>, vector<16xf32>,
    }
    %scan3A_5 = arith.constant 512 : i32
    %mul3A_6 = arith.constant 640 : i32
    %mul3A_7 = arith.muli %arg1, %mul3A_6 : i32
    %add3A_8 = arith.constant 0 : i32
    %add3A_9 = arith.addi %mul3A_7, %add3A_8 : i32
    "tpu.region"() ({
      %run_scoped3A_65 = tpu.sem_alloc : memref<!tpu.dma_semaphore, #tpu.memory_space<semaphore_mem>>
      %dma_start3A_66 = arith.constant 0 : i32
      %dma_start3A_67 = tpu.memref_slice %arg6[%add3A_9, %dma_start3A_66] : memref<10240x64xf32, #tpu.memory_space<vmem_shared>> -> memref<128x64xf32, #tpu.memory_space<vmem_shared>>
      %dma_start3A_68 = arith.constant 0 : i32
      %dma_start3A_69 = tpu.memref_slice %arg6[%add3A_9, %dma_start3A_68] : memref<10240x64xf32, #tpu.memory_space<vmem_shared>> -> memref<128x64xf32, #tpu.memory_space<vmem_shared>>
      tpu.enqueue_dma source(%arg11 : memref<128x64xf32, #tpu.memory_space<vmem>>) target(%dma_start3A_69 : memref<128x64xf32, #tpu.memory_space<vmem_shared>>) target_semaphore(%run_scoped3A_65 : memref<!tpu.dma_semaphore, #tpu.memory_space<semaphore_mem>>)
      %dma_wait3A_70 = arith.constant 0 : i32
      %dma_wait3A_71 = tpu.memref_slice %arg6[%add3A_9, %dma_wait3A_70] : memref<10240x64xf32, #tpu.memory_space<vmem_shared>> -> memref<128x64xf32, #tpu.memory_space<vmem_shared>>
      %dma_wait3A_72 = arith.constant 0 : i32
      %dma_wait3A_73 = tpu.memref_slice %arg6[%add3A_9, %dma_wait3A_72] : memref<10240x64xf32, #tpu.memory_space<vmem_shared>> -> memref<128x64xf32, #tpu.memory_space<vmem_shared>>
      tpu.wait_dma2 semaphore(%run_scoped3A_65 : memref<!tpu.dma_semaphore, #tpu.memory_space<semaphore_mem>>) src(%arg11 : memref<128x64xf32, #tpu.memory_space<vmem>>) dst(%dma_wait3A_73 : memref<128x64xf32, #tpu.memory_space<vmem_shared>>)
      tpu.yield
    }) : () -> ()
    %mul3A_10 = arith.constant 640 : i32
    %mul3A_11 = arith.muli %arg1, %mul3A_10 : i32
    %add3A_12 = arith.constant 128 : i32
    %add3A_13 = arith.addi %mul3A_11, %add3A_12 : i32
    "tpu.region"() ({
      %run_scoped3A_65 = tpu.sem_alloc : memref<!tpu.dma_semaphore, #tpu.memory_space<semaphore_mem>>
      %dma_start3A_66 = arith.constant 0 : i32
      %dma_start3A_67 = tpu.memref_slice %arg6[%add3A_13, %dma_start3A_66] : memref<10240x64xf32, #tpu.memory_space<vmem_shared>> -> memref<128x64xf32, #tpu.memory_space<vmem_shared>>
      %dma_start3A_68 = arith.constant 0 : i32
      %dma_start3A_69 = tpu.memref_slice %arg6[%add3A_13, %dma_start3A_68] : memref<10240x64xf32, #tpu.memory_space<vmem_shared>> -> memref<128x64xf32, #tpu.memory_space<vmem_shared>>
      tpu.enqueue_dma source(%arg11 : memref<128x64xf32, #tpu.memory_space<vmem>>) target(%dma_start3A_69 : memref<128x64xf32, #tpu.memory_space<vmem_shared>>) target_semaphore(%run_scoped3A_65 : memref<!tpu.dma_semaphore, #tpu.memory_space<semaphore_mem>>)
      %dma_wait3A_70 = arith.constant 0 : i32
      %dma_wait3A_71 = tpu.memref_slice %arg6[%add3A_13, %dma_wait3A_70] : memref<10240x64xf32, #tpu.memory_space<vmem_shared>> -> memref<128x64xf32, #tpu.memory_space<vmem_shared>>
      %dma_wait3A_72 = arith.constant 0 : i32
      %dma_wait3A_73 = tpu.memref_slice %arg6[%add3A_13, %dma_wait3A_72] : memref<10240x64xf32, #tpu.memory_space<vmem_shared>> -> memref<128x64xf32, #tpu.memory_space<vmem_shared>>
      tpu.wait_dma2 semaphore(%run_scoped3A_65 : memref<!tpu.dma_semaphore, #tpu.memory_space<semaphore_mem>>) src(%arg11 : memref<128x64xf32, #tpu.memory_space<vmem>>) dst(%dma_wait3A_73 : memref<128x64xf32, #tpu.memory_space<vmem_shared>>)
      tpu.yield
    }) : () -> ()
    %mul3A_14 = arith.constant 640 : i32
    %mul3A_15 = arith.muli %arg1, %mul3A_14 : i32
    %add3A_16 = arith.constant 256 : i32
    %add3A_17 = arith.addi %mul3A_15, %add3A_16 : i32
    "tpu.region"() ({
      %run_scoped3A_65 = tpu.sem_alloc : memref<!tpu.dma_semaphore, #tpu.memory_space<semaphore_mem>>
      %dma_start3A_66 = arith.constant 0 : i32
      %dma_start3A_67 = tpu.memref_slice %arg6[%add3A_17, %dma_start3A_66] : memref<10240x64xf32, #tpu.memory_space<vmem_shared>> -> memref<128x64xf32, #tpu.memory_space<vmem_shared>>
      %dma_start3A_68 = arith.constant 0 : i32
      %dma_start3A_69 = tpu.memref_slice %arg6[%add3A_17, %dma_start3A_68] : memref<10240x64xf32, #tpu.memory_space<vmem_shared>> -> memref<128x64xf32, #tpu.memory_space<vmem_shared>>
      tpu.enqueue_dma source(%arg11 : memref<128x64xf32, #tpu.memory_space<vmem>>) target(%dma_start3A_69 : memref<128x64xf32, #tpu.memory_space<vmem_shared>>) target_semaphore(%run_scoped3A_65 : memref<!tpu.dma_semaphore, #tpu.memory_space<semaphore_mem>>)
      %dma_wait3A_70 = arith.constant 0 : i32
      %dma_wait3A_71 = tpu.memref_slice %arg6[%add3A_17, %dma_wait3A_70] : memref<10240x64xf32, #tpu.memory_space<vmem_shared>> -> memref<128x64xf32, #tpu.memory_space<vmem_shared>>
      %dma_wait3A_72 = arith.constant 0 : i32
      %dma_wait3A_73 = tpu.memref_slice %arg6[%add3A_17, %dma_wait3A_72] : memref<10240x64xf32, #tpu.memory_space<vmem_shared>> -> memref<128x64xf32, #tpu.memory_space<vmem_shared>>
      tpu.wait_dma2 semaphore(%run_scoped3A_65 : memref<!tpu.dma_semaphore, #tpu.memory_space<semaphore_mem>>) src(%arg11 : memref<128x64xf32, #tpu.memory_space<vmem>>) dst(%dma_wait3A_73 : memref<128x64xf32, #tpu.memory_space<vmem_shared>>)
      tpu.yield
    }) : () -> ()
    %mul3A_18 = arith.constant 640 : i32
    %mul3A_19 = arith.muli %arg1, %mul3A_18 : i32
    %add3A_20 = arith.constant 384 : i32
    %add3A_21 = arith.addi %mul3A_19, %add3A_20 : i32
    "tpu.region"() ({
      %run_scoped3A_65 = tpu.sem_alloc : memref<!tpu.dma_semaphore, #tpu.memory_space<semaphore_mem>>
      %dma_start3A_66 = arith.constant 0 : i32
      %dma_start3A_67 = tpu.memref_slice %arg6[%add3A_21, %dma_start3A_66] : memref<10240x64xf32, #tpu.memory_space<vmem_shared>> -> memref<128x64xf32, #tpu.memory_space<vmem_shared>>
      %dma_start3A_68 = arith.constant 0 : i32
      %dma_start3A_69 = tpu.memref_slice %arg6[%add3A_21, %dma_start3A_68] : memref<10240x64xf32, #tpu.memory_space<vmem_shared>> -> memref<128x64xf32, #tpu.memory_space<vmem_shared>>
      tpu.enqueue_dma source(%arg11 : memref<128x64xf32, #tpu.memory_space<vmem>>) target(%dma_start3A_69 : memref<128x64xf32, #tpu.memory_space<vmem_shared>>) target_semaphore(%run_scoped3A_65 : memref<!tpu.dma_semaphore, #tpu.memory_space<semaphore_mem>>)
      %dma_wait3A_70 = arith.constant 0 : i32
      %dma_wait3A_71 = tpu.memref_slice %arg6[%add3A_21, %dma_wait3A_70] : memref<10240x64xf32, #tpu.memory_space<vmem_shared>> -> memref<128x64xf32, #tpu.memory_space<vmem_shared>>
      %dma_wait3A_72 = arith.constant 0 : i32
      %dma_wait3A_73 = tpu.memref_slice %arg6[%add3A_21, %dma_wait3A_72] : memref<10240x64xf32, #tpu.memory_space<vmem_shared>> -> memref<128x64xf32, #tpu.memory_space<vmem_shared>>
      tpu.wait_dma2 semaphore(%run_scoped3A_65 : memref<!tpu.dma_semaphore, #tpu.memory_space<semaphore_mem>>) src(%arg11 : memref<128x64xf32, #tpu.memory_space<vmem>>) dst(%dma_wait3A_73 : memref<128x64xf32, #tpu.memory_space<vmem_shared>>)
      tpu.yield
    }) : () -> ()
    %mul3A_22 = arith.constant 640 : i32
    %mul3A_23 = arith.muli %arg1, %mul3A_22 : i32
    %add3A_24 = arith.constant 512 : i32
    %add3A_25 = arith.addi %mul3A_23, %add3A_24 : i32
    "tpu.region"() ({
      %run_scoped3A_65 = tpu.sem_alloc : memref<!tpu.dma_semaphore, #tpu.memory_space<semaphore_mem>>
      %dma_start3A_66 = arith.constant 0 : i32
      %dma_start3A_67 = tpu.memref_slice %arg6[%add3A_25, %dma_start3A_66] : memref<10240x64xf32, #tpu.memory_space<vmem_shared>> -> memref<128x64xf32, #tpu.memory_space<vmem_shared>>
      %dma_start3A_68 = arith.constant 0 : i32
      %dma_start3A_69 = tpu.memref_slice %arg6[%add3A_25, %dma_start3A_68] : memref<10240x64xf32, #tpu.memory_space<vmem_shared>> -> memref<128x64xf32, #tpu.memory_space<vmem_shared>>
      tpu.enqueue_dma source(%arg11 : memref<128x64xf32, #tpu.memory_space<vmem>>) target(%dma_start3A_69 : memref<128x64xf32, #tpu.memory_space<vmem_shared>>) target_semaphore(%run_scoped3A_65 : memref<!tpu.dma_semaphore, #tpu.memory_space<semaphore_mem>>)
      %dma_wait3A_70 = arith.constant 0 : i32
      %dma_wait3A_71 = tpu.memref_slice %arg6[%add3A_25, %dma_wait3A_70] : memref<10240x64xf32, #tpu.memory_space<vmem_shared>> -> memref<128x64xf32, #tpu.memory_space<vmem_shared>>
      %dma_wait3A_72 = arith.constant 0 : i32
      %dma_wait3A_73 = tpu.memref_slice %arg6[%add3A_25, %dma_wait3A_72] : memref<10240x64xf32, #tpu.memory_space<vmem_shared>> -> memref<128x64xf32, #tpu.memory_space<vmem_shared>>
      tpu.wait_dma2 semaphore(%run_scoped3A_65 : memref<!tpu.dma_semaphore, #tpu.memory_space<semaphore_mem>>) src(%arg11 : memref<128x64xf32, #tpu.memory_space<vmem>>) dst(%dma_wait3A_73 : memref<128x64xf32, #tpu.memory_space<vmem_shared>>)
      tpu.yield
    }) : () -> ()
    %barrier3A = arith.constant 0 : index
    tpu.barrier barrier_id(%barrier3A)
    "tpu.region"() ({
      %run_scoped3A_65 = tpu.sem_alloc : memref<!tpu.dma_semaphore, #tpu.memory_space<semaphore_mem>>
      %dma_start3A_66 = arith.constant 0 : i32
      %dma_start3A_67 = arith.constant 0 : i32
      %dma_start3A_68 = tpu.memref_slice %arg3[%add3A, %dma_start3A_66, %dma_start3A_67] : memref<32x79x128xi32, #tpu.memory_space<hbm>> -> memref<1x79x128xi32, #tpu.memory_space<hbm>>
      %dma_start3A_69 = tpu.memref_squeeze %dma_start3A_68 : memref<1x79x128xi32, #tpu.memory_space<hbm>> -> memref<79x128xi32, #tpu.memory_space<hbm>>
      %dma_start3A_70 = arith.constant 0 : i32
      %dma_start3A_71 = arith.constant 0 : i32
      %dma_start3A_72 = tpu.memref_slice %arg3[%add3A, %dma_start3A_70, %dma_start3A_71] : memref<32x79x128xi32, #tpu.memory_space<hbm>> -> memref<1x79x128xi32, #tpu.memory_space<hbm>>
      %dma_start3A_73 = tpu.memref_squeeze %dma_start3A_72 : memref<1x79x128xi32, #tpu.memory_space<hbm>> -> memref<79x128xi32, #tpu.memory_space<hbm>>
      tpu.enqueue_dma source(%dma_start3A_73 : memref<79x128xi32, #tpu.memory_space<hbm>>) target(%arg7 : memref<79x128xi32, #tpu.memory_space<vmem>>) target_semaphore(%run_scoped3A_65 : memref<!tpu.dma_semaphore, #tpu.memory_space<semaphore_mem>>)
      %dma_wait3A_74 = arith.constant 0 : i32
      %dma_wait3A_75 = arith.constant 0 : i32
      %dma_wait3A_76 = tpu.memref_slice %arg3[%add3A, %dma_wait3A_74, %dma_wait3A_75] : memref<32x79x128xi32, #tpu.memory_space<hbm>> -> memref<1x79x128xi32, #tpu.memory_space<hbm>>
      %dma_wait3A_77 = tpu.memref_squeeze %dma_wait3A_76 : memref<1x79x128xi32, #tpu.memory_space<hbm>> -> memref<79x128xi32, #tpu.memory_space<hbm>>
      %dma_wait3A_78 = arith.constant 0 : i32
      %dma_wait3A_79 = arith.constant 0 : i32
      %dma_wait3A_80 = tpu.memref_slice %arg3[%add3A, %dma_wait3A_78, %dma_wait3A_79] : memref<32x79x128xi32, #tpu.memory_space<hbm>> -> memref<1x79x128xi32, #tpu.memory_space<hbm>>
      %dma_wait3A_81 = tpu.memref_squeeze %dma_wait3A_80 : memref<1x79x128xi32, #tpu.memory_space<hbm>> -> memref<79x128xi32, #tpu.memory_space<hbm>>
      tpu.wait_dma2 semaphore(%run_scoped3A_65 : memref<!tpu.dma_semaphore, #tpu.memory_space<semaphore_mem>>) src(%dma_wait3A_81 : memref<79x128xi32, #tpu.memory_space<hbm>>) dst(%arg7 : memref<79x128xi32, #tpu.memory_space<vmem>>)
      tpu.yield
    }) : () -> ()
    "tpu.region"() ({
      %run_scoped3A_65 = tpu.sem_alloc : memref<!tpu.dma_semaphore, #tpu.memory_space<semaphore_mem>>
      %dma_start3A_66 = arith.constant 0 : i32
      %dma_start3A_67 = arith.constant 0 : i32
      %dma_start3A_68 = tpu.memref_slice %arg4[%add3A, %dma_start3A_66, %dma_start3A_67] : memref<32x79x128xi32, #tpu.memory_space<hbm>> -> memref<1x79x128xi32, #tpu.memory_space<hbm>>
      %dma_start3A_69 = tpu.memref_squeeze %dma_start3A_68 : memref<1x79x128xi32, #tpu.memory_space<hbm>> -> memref<79x128xi32, #tpu.memory_space<hbm>>
      %dma_start3A_70 = arith.constant 0 : i32
      %dma_start3A_71 = arith.constant 0 : i32
      %dma_start3A_72 = tpu.memref_slice %arg4[%add3A, %dma_start3A_70, %dma_start3A_71] : memref<32x79x128xi32, #tpu.memory_space<hbm>> -> memref<1x79x128xi32, #tpu.memory_space<hbm>>
      %dma_start3A_73 = tpu.memref_squeeze %dma_start3A_72 : memref<1x79x128xi32, #tpu.memory_space<hbm>> -> memref<79x128xi32, #tpu.memory_space<hbm>>
      tpu.enqueue_dma source(%dma_start3A_73 : memref<79x128xi32, #tpu.memory_space<hbm>>) target(%arg8 : memref<79x128xi32, #tpu.memory_space<vmem>>) target_semaphore(%run_scoped3A_65 : memref<!tpu.dma_semaphore, #tpu.memory_space<semaphore_mem>>)
      %dma_wait3A_74 = arith.constant 0 : i32
      %dma_wait3A_75 = arith.constant 0 : i32
      %dma_wait3A_76 = tpu.memref_slice %arg4[%add3A, %dma_wait3A_74, %dma_wait3A_75] : memref<32x79x128xi32, #tpu.memory_space<hbm>> -> memref<1x79x128xi32, #tpu.memory_space<hbm>>
      %dma_wait3A_77 = tpu.memref_squeeze %dma_wait3A_76 : memref<1x79x128xi32, #tpu.memory_space<hbm>> -> memref<79x128xi32, #tpu.memory_space<hbm>>
      %dma_wait3A_78 = arith.constant 0 : i32
      %dma_wait3A_79 = arith.constant 0 : i32
      %dma_wait3A_80 = tpu.memref_slice %arg4[%add3A, %dma_wait3A_78, %dma_wait3A_79] : memref<32x79x128xi32, #tpu.memory_space<hbm>> -> memref<1x79x128xi32, #tpu.memory_space<hbm>>
      %dma_wait3A_81 = tpu.memref_squeeze %dma_wait3A_80 : memref<1x79x128xi32, #tpu.memory_space<hbm>> -> memref<79x128xi32, #tpu.memory_space<hbm>>
      tpu.wait_dma2 semaphore(%run_scoped3A_65 : memref<!tpu.dma_semaphore, #tpu.memory_space<semaphore_mem>>) src(%dma_wait3A_81 : memref<79x128xi32, #tpu.memory_space<hbm>>) dst(%arg8 : memref<79x128xi32, #tpu.memory_space<vmem>>)
      tpu.yield
    }) : () -> ()
    %dma_start3A = arith.constant 0 : i32
    %dma_start3A_26 = arith.constant 0 : i32
    %dma_start3A_27 = tpu.memref_slice %arg7[%dma_start3A, %dma_start3A_26] : memref<79x128xi32, #tpu.memory_space<vmem>> -> memref<1x128xi32, #tpu.memory_space<vmem>>
    %dma_start3A_28 = tpu.memref_squeeze %dma_start3A_27 : memref<1x128xi32, #tpu.memory_space<vmem>> -> memref<128xi32, #tpu.memory_space<vmem>>
    %dma_start3A_29 = arith.constant 0 : i32
    %dma_start3A_30 = arith.constant 0 : i32
    %dma_start3A_31 = tpu.memref_slice %arg2[%dma_start3A_29, %dma_start3A_30] : memref<10000x64xf32, #tpu.memory_space<hbm>> -> memref<10000x64xf32, #tpu.memory_space<hbm>>
    tpu.enqueue_indirect_dma source(%dma_start3A_31 : memref<10000x64xf32, #tpu.memory_space<hbm>>) target(%arg9 : memref<128x64xf32, #tpu.memory_space<vmem>>) offsets(%dma_start3A_28 : memref<128xi32, #tpu.memory_space<vmem>>) semaphore(%arg12 : memref<!tpu.dma_semaphore, #tpu.memory_space<semaphore_mem>>)
    %scan3A_32 = arith.constant 0 : i32
    %scan3A_33 = arith.constant 0 : i32
    %scan3A_34 = arith.constant 39 : i32
    %scan3A_35 = arith.addi %scan3A_33, %scan3A_34 : i32
    %scan3A_36 = arith.constant 1 : i32
    scf.for %scan3A_65 = %scan3A_33 to %scan3A_35 step %scan3A_36  : i32 {
      %mul3A_66 = arith.constant 2 : i32
      %mul3A_67 = arith.muli %mul3A_66, %scan3A_65 : i32
      %dma_wait3A_68 = arith.constant 0 : i32
      %dma_wait3A_69 = tpu.memref_slice %arg7[%mul3A_67, %dma_wait3A_68] : memref<79x128xi32, #tpu.memory_space<vmem>> -> memref<1x128xi32, #tpu.memory_space<vmem>>
      %dma_wait3A_70 = tpu.memref_squeeze %dma_wait3A_69 : memref<1x128xi32, #tpu.memory_space<vmem>> -> memref<128xi32, #tpu.memory_space<vmem>>
      %dma_wait3A_71 = arith.constant 0 : i32
      %dma_wait3A_72 = arith.constant 0 : i32
      %dma_wait3A_73 = tpu.memref_slice %arg2[%dma_wait3A_71, %dma_wait3A_72] : memref<10000x64xf32, #tpu.memory_space<hbm>> -> memref<10000x64xf32, #tpu.memory_space<hbm>>
      tpu.wait_indirect_dma semaphore(%arg12 : memref<!tpu.dma_semaphore, #tpu.memory_space<semaphore_mem>>) src(%dma_wait3A_73 : memref<10000x64xf32, #tpu.memory_space<hbm>>) dst(%arg9 : memref<128x64xf32, #tpu.memory_space<vmem>>)
      %mul3A_74 = arith.constant 2 : i32
      %mul3A_75 = arith.muli %mul3A_74, %scan3A_65 : i32
      %add3A_76 = arith.constant 1 : i32
      %add3A_77 = arith.addi %mul3A_75, %add3A_76 : i32
      %dma_start3A_78 = arith.constant 0 : i32
      %dma_start3A_79 = tpu.memref_slice %arg7[%add3A_77, %dma_start3A_78] : memref<79x128xi32, #tpu.memory_space<vmem>> -> memref<1x128xi32, #tpu.memory_space<vmem>>
      %dma_start3A_80 = tpu.memref_squeeze %dma_start3A_79 : memref<1x128xi32, #tpu.memory_space<vmem>> -> memref<128xi32, #tpu.memory_space<vmem>>
      %dma_start3A_81 = arith.constant 0 : i32
      %dma_start3A_82 = arith.constant 0 : i32
      %dma_start3A_83 = tpu.memref_slice %arg2[%dma_start3A_81, %dma_start3A_82] : memref<10000x64xf32, #tpu.memory_space<hbm>> -> memref<10000x64xf32, #tpu.memory_space<hbm>>
      tpu.enqueue_indirect_dma source(%dma_start3A_83 : memref<10000x64xf32, #tpu.memory_space<hbm>>) target(%arg10 : memref<128x64xf32, #tpu.memory_space<vmem>>) offsets(%dma_start3A_80 : memref<128xi32, #tpu.memory_space<vmem>>) semaphore(%arg13 : memref<!tpu.dma_semaphore, #tpu.memory_space<semaphore_mem>>)
      %mul3A_84 = arith.constant 2 : i32
      %mul3A_85 = arith.muli %mul3A_84, %scan3A_65 : i32
      "tpu.region"() ({
        %run_scoped3A_110 = tpu.sem_alloc : memref<!tpu.dma_semaphore, #tpu.memory_space<semaphore_mem>>
        %dma_start3A_111 = arith.constant 0 : i32
        %dma_start3A_112 = tpu.memref_slice %arg8[%mul3A_85, %dma_start3A_111] : memref<79x128xi32, #tpu.memory_space<vmem>> -> memref<1x128xi32, #tpu.memory_space<vmem>>
        %dma_start3A_113 = tpu.memref_squeeze %dma_start3A_112 : memref<1x128xi32, #tpu.memory_space<vmem>> -> memref<128xi32, #tpu.memory_space<vmem>>
        %dma_start3A_114 = arith.constant 0 : i32
        %dma_start3A_115 = arith.constant 0 : i32
        %dma_start3A_116 = tpu.memref_slice %arg6[%dma_start3A_114, %dma_start3A_115] : memref<10240x64xf32, #tpu.memory_space<vmem_shared>> -> memref<10240x64xf32, #tpu.memory_space<vmem_shared>>
        tpu.enqueue_indirect_dma source(%arg9 : memref<128x64xf32, #tpu.memory_space<vmem>>) target(%dma_start3A_116 : memref<10240x64xf32, #tpu.memory_space<vmem_shared>>) offsets(%dma_start3A_113 : memref<128xi32, #tpu.memory_space<vmem>>) semaphore(%run_scoped3A_110 : memref<!tpu.dma_semaphore, #tpu.memory_space<semaphore_mem>>) {add = true}
        %dma_wait3A_117 = arith.constant 0 : i32
        %dma_wait3A_118 = tpu.memref_slice %arg8[%mul3A_85, %dma_wait3A_117] : memref<79x128xi32, #tpu.memory_space<vmem>> -> memref<1x128xi32, #tpu.memory_space<vmem>>
        %dma_wait3A_119 = tpu.memref_squeeze %dma_wait3A_118 : memref<1x128xi32, #tpu.memory_space<vmem>> -> memref<128xi32, #tpu.memory_space<vmem>>
        %dma_wait3A_120 = arith.constant 0 : i32
        %dma_wait3A_121 = arith.constant 0 : i32
        %dma_wait3A_122 = tpu.memref_slice %arg6[%dma_wait3A_120, %dma_wait3A_121] : memref<10240x64xf32, #tpu.memory_space<vmem_shared>> -> memref<10240x64xf32, #tpu.memory_space<vmem_shared>>
        tpu.wait_indirect_dma semaphore(%run_scoped3A_110 : memref<!tpu.dma_semaphore, #tpu.memory_space<semaphore_mem>>) src(%arg9 : memref<128x64xf32, #tpu.memory_space<vmem>>) dst(%dma_wait3A_122 : memref<10240x64xf32, #tpu.memory_space<vmem_shared>>)
        tpu.yield
      }) : () -> ()
      %mul3A_86 = arith.constant 2 : i32
      %mul3A_87 = arith.muli %mul3A_86, %scan3A_65 : i32
      %add3A_88 = arith.constant 1 : i32
      %add3A_89 = arith.addi %mul3A_87, %add3A_88 : i32
      %dma_wait3A_90 = arith.constant 0 : i32
      %dma_wait3A_91 = tpu.memref_slice %arg7[%add3A_89, %dma_wait3A_90] : memref<79x128xi32, #tpu.memory_space<vmem>> -> memref<1x128xi32, #tpu.memory_space<vmem>>
      %dma_wait3A_92 = tpu.memref_squeeze %dma_wait3A_91 : memref<1x128xi32, #tpu.memory_space<vmem>> -> memref<128xi32, #tpu.memory_space<vmem>>
      %dma_wait3A_93 = arith.constant 0 : i32
      %dma_wait3A_94 = arith.constant 0 : i32
      %dma_wait3A_95 = tpu.memref_slice %arg2[%dma_wait3A_93, %dma_wait3A_94] : memref<10000x64xf32, #tpu.memory_space<hbm>> -> memref<10000x64xf32, #tpu.memory_space<hbm>>
      tpu.wait_indirect_dma semaphore(%arg13 : memref<!tpu.dma_semaphore, #tpu.memory_space<semaphore_mem>>) src(%dma_wait3A_95 : memref<10000x64xf32, #tpu.memory_space<hbm>>) dst(%arg10 : memref<128x64xf32, #tpu.memory_space<vmem>>)
      %mul3A_96 = arith.constant 2 : i32
      %mul3A_97 = arith.muli %mul3A_96, %scan3A_65 : i32
      %add3A_98 = arith.constant 2 : i32
      %add3A_99 = arith.addi %mul3A_97, %add3A_98 : i32
      %dma_start3A_100 = arith.constant 0 : i32
      %dma_start3A_101 = tpu.memref_slice %arg7[%add3A_99, %dma_start3A_100] : memref<79x128xi32, #tpu.memory_space<vmem>> -> memref<1x128xi32, #tpu.memory_space<vmem>>
      %dma_start3A_102 = tpu.memref_squeeze %dma_start3A_101 : memref<1x128xi32, #tpu.memory_space<vmem>> -> memref<128xi32, #tpu.memory_space<vmem>>
      %dma_start3A_103 = arith.constant 0 : i32
      %dma_start3A_104 = arith.constant 0 : i32
      %dma_start3A_105 = tpu.memref_slice %arg2[%dma_start3A_103, %dma_start3A_104] : memref<10000x64xf32, #tpu.memory_space<hbm>> -> memref<10000x64xf32, #tpu.memory_space<hbm>>
      tpu.enqueue_indirect_dma source(%dma_start3A_105 : memref<10000x64xf32, #tpu.memory_space<hbm>>) target(%arg9 : memref<128x64xf32, #tpu.memory_space<vmem>>) offsets(%dma_start3A_102 : memref<128xi32, #tpu.memory_space<vmem>>) semaphore(%arg12 : memref<!tpu.dma_semaphore, #tpu.memory_space<semaphore_mem>>)
      %mul3A_106 = arith.constant 2 : i32
      %mul3A_107 = arith.muli %mul3A_106, %scan3A_65 : i32
      %add3A_108 = arith.constant 1 : i32
      %add3A_109 = arith.addi %mul3A_107, %add3A_108 : i32
      "tpu.region"() ({
        %run_scoped3A_110 = tpu.sem_alloc : memref<!tpu.dma_semaphore, #tpu.memory_space<semaphore_mem>>
        %dma_start3A_111 = arith.constant 0 : i32
        %dma_start3A_112 = tpu.memref_slice %arg8[%add3A_109, %dma_start3A_111] : memref<79x128xi32, #tpu.memory_space<vmem>> -> memref<1x128xi32, #tpu.memory_space<vmem>>
        %dma_start3A_113 = tpu.memref_squeeze %dma_start3A_112 : memref<1x128xi32, #tpu.memory_space<vmem>> -> memref<128xi32, #tpu.memory_space<vmem>>
        %dma_start3A_114 = arith.constant 0 : i32
        %dma_start3A_115 = arith.constant 0 : i32
        %dma_start3A_116 = tpu.memref_slice %arg6[%dma_start3A_114, %dma_start3A_115] : memref<10240x64xf32, #tpu.memory_space<vmem_shared>> -> memref<10240x64xf32, #tpu.memory_space<vmem_shared>>
        tpu.enqueue_indirect_dma source(%arg10 : memref<128x64xf32, #tpu.memory_space<vmem>>) target(%dma_start3A_116 : memref<10240x64xf32, #tpu.memory_space<vmem_shared>>) offsets(%dma_start3A_113 : memref<128xi32, #tpu.memory_space<vmem>>) semaphore(%run_scoped3A_110 : memref<!tpu.dma_semaphore, #tpu.memory_space<semaphore_mem>>) {add = true}
        %dma_wait3A_117 = arith.constant 0 : i32
        %dma_wait3A_118 = tpu.memref_slice %arg8[%add3A_109, %dma_wait3A_117] : memref<79x128xi32, #tpu.memory_space<vmem>> -> memref<1x128xi32, #tpu.memory_space<vmem>>
        %dma_wait3A_119 = tpu.memref_squeeze %dma_wait3A_118 : memref<1x128xi32, #tpu.memory_space<vmem>> -> memref<128xi32, #tpu.memory_space<vmem>>
        %dma_wait3A_120 = arith.constant 0 : i32
        %dma_wait3A_121 = arith.constant 0 : i32
        %dma_wait3A_122 = tpu.memref_slice %arg6[%dma_wait3A_120, %dma_wait3A_121] : memref<10240x64xf32, #tpu.memory_space<vmem_shared>> -> memref<10240x64xf32, #tpu.memory_space<vmem_shared>>
        tpu.wait_indirect_dma semaphore(%run_scoped3A_110 : memref<!tpu.dma_semaphore, #tpu.memory_space<semaphore_mem>>) src(%arg10 : memref<128x64xf32, #tpu.memory_space<vmem>>) dst(%dma_wait3A_122 : memref<10240x64xf32, #tpu.memory_space<vmem_shared>>)
        tpu.yield
      }) : () -> ()
    }
    %scan3A_37 = arith.constant 39 : i32
    %dma_wait3A = arith.constant 78 : i32
    %dma_wait3A_38 = arith.constant 0 : i32
    %dma_wait3A_39 = tpu.memref_slice %arg7[%dma_wait3A, %dma_wait3A_38] : memref<79x128xi32, #tpu.memory_space<vmem>> -> memref<1x128xi32, #tpu.memory_space<vmem>>
    %dma_wait3A_40 = tpu.memref_squeeze %dma_wait3A_39 : memref<1x128xi32, #tpu.memory_space<vmem>> -> memref<128xi32, #tpu.memory_space<vmem>>
    %dma_wait3A_41 = arith.constant 0 : i32
    %dma_wait3A_42 = arith.constant 0 : i32
    %dma_wait3A_43 = tpu.memref_slice %arg2[%dma_wait3A_41, %dma_wait3A_42] : memref<10000x64xf32, #tpu.memory_space<hbm>> -> memref<10000x64xf32, #tpu.memory_space<hbm>>
    tpu.wait_indirect_dma semaphore(%arg12 : memref<!tpu.dma_semaphore, #tpu.memory_space<semaphore_mem>>) src(%dma_wait3A_43 : memref<10000x64xf32, #tpu.memory_space<hbm>>) dst(%arg9 : memref<128x64xf32, #tpu.memory_space<vmem>>)
    %run_scoped3A = arith.constant 78 : i32
    "tpu.region"() ({
      %run_scoped3A_65 = tpu.sem_alloc : memref<!tpu.dma_semaphore, #tpu.memory_space<semaphore_mem>>
      %dma_start3A_66 = arith.constant 0 : i32
      %dma_start3A_67 = tpu.memref_slice %arg8[%run_scoped3A, %dma_start3A_66] : memref<79x128xi32, #tpu.memory_space<vmem>> -> memref<1x128xi32, #tpu.memory_space<vmem>>
      %dma_start3A_68 = tpu.memref_squeeze %dma_start3A_67 : memref<1x128xi32, #tpu.memory_space<vmem>> -> memref<128xi32, #tpu.memory_space<vmem>>
      %dma_start3A_69 = arith.constant 0 : i32
      %dma_start3A_70 = arith.constant 0 : i32
      %dma_start3A_71 = tpu.memref_slice %arg6[%dma_start3A_69, %dma_start3A_70] : memref<10240x64xf32, #tpu.memory_space<vmem_shared>> -> memref<10240x64xf32, #tpu.memory_space<vmem_shared>>
      tpu.enqueue_indirect_dma source(%arg9 : memref<128x64xf32, #tpu.memory_space<vmem>>) target(%dma_start3A_71 : memref<10240x64xf32, #tpu.memory_space<vmem_shared>>) offsets(%dma_start3A_68 : memref<128xi32, #tpu.memory_space<vmem>>) semaphore(%run_scoped3A_65 : memref<!tpu.dma_semaphore, #tpu.memory_space<semaphore_mem>>) {add = true}
      %dma_wait3A_72 = arith.constant 0 : i32
      %dma_wait3A_73 = tpu.memref_slice %arg8[%run_scoped3A, %dma_wait3A_72] : memref<79x128xi32, #tpu.memory_space<vmem>> -> memref<1x128xi32, #tpu.memory_space<vmem>>
      %dma_wait3A_74 = tpu.memref_squeeze %dma_wait3A_73 : memref<1x128xi32, #tpu.memory_space<vmem>> -> memref<128xi32, #tpu.memory_space<vmem>>
      %dma_wait3A_75 = arith.constant 0 : i32
      %dma_wait3A_76 = arith.constant 0 : i32
      %dma_wait3A_77 = tpu.memref_slice %arg6[%dma_wait3A_75, %dma_wait3A_76] : memref<10240x64xf32, #tpu.memory_space<vmem_shared>> -> memref<10240x64xf32, #tpu.memory_space<vmem_shared>>
      tpu.wait_indirect_dma semaphore(%run_scoped3A_65 : memref<!tpu.dma_semaphore, #tpu.memory_space<semaphore_mem>>) src(%arg9 : memref<128x64xf32, #tpu.memory_space<vmem>>) dst(%dma_wait3A_77 : memref<10240x64xf32, #tpu.memory_space<vmem_shared>>)
      tpu.yield
    }) : () -> ()
    %barrier3A_44 = arith.constant 0 : index
    tpu.barrier barrier_id(%barrier3A_44)
    %mul3A_45 = arith.constant 640 : i32
    %mul3A_46 = arith.muli %arg1, %mul3A_45 : i32
    %add3A_47 = arith.constant 0 : i32
    %add3A_48 = arith.addi %mul3A_46, %add3A_47 : i32
    "tpu.region"() ({
      %run_scoped3A_65 = tpu.sem_alloc : memref<!tpu.dma_semaphore, #tpu.memory_space<semaphore_mem>>
      %dma_start3A_66 = arith.constant 0 : i32
      %dma_start3A_67 = arith.constant 0 : i32
      %dma_start3A_68 = tpu.memref_slice %arg5[%arg0, %dma_start3A_66, %dma_start3A_67] : memref<2x10240x64xf32, #tpu.memory_space<hbm>> -> memref<1x10240x64xf32, #tpu.memory_space<hbm>>
      %dma_start3A_69 = tpu.memref_squeeze %dma_start3A_68 : memref<1x10240x64xf32, #tpu.memory_space<hbm>> -> memref<10240x64xf32, #tpu.memory_space<hbm>>
      %dma_start3A_70 = arith.constant 0 : i32
      %dma_start3A_71 = tpu.memref_slice %dma_start3A_69[%add3A_48, %dma_start3A_70] : memref<10240x64xf32, #tpu.memory_space<hbm>> -> memref<128x64xf32, #tpu.memory_space<hbm>>
      %dma_start3A_72 = arith.constant 0 : i32
      %dma_start3A_73 = tpu.memref_slice %arg6[%add3A_48, %dma_start3A_72] : memref<10240x64xf32, #tpu.memory_space<vmem_shared>> -> memref<128x64xf32, #tpu.memory_space<vmem_shared>>
      tpu.enqueue_dma source(%dma_start3A_73 : memref<128x64xf32, #tpu.memory_space<vmem_shared>>) target(%dma_start3A_71 : memref<128x64xf32, #tpu.memory_space<hbm>>) target_semaphore(%run_scoped3A_65 : memref<!tpu.dma_semaphore, #tpu.memory_space<semaphore_mem>>)
      %dma_wait3A_74 = arith.constant 0 : i32
      %dma_wait3A_75 = arith.constant 0 : i32
      %dma_wait3A_76 = tpu.memref_slice %arg5[%arg0, %dma_wait3A_74, %dma_wait3A_75] : memref<2x10240x64xf32, #tpu.memory_space<hbm>> -> memref<1x10240x64xf32, #tpu.memory_space<hbm>>
      %dma_wait3A_77 = tpu.memref_squeeze %dma_wait3A_76 : memref<1x10240x64xf32, #tpu.memory_space<hbm>> -> memref<10240x64xf32, #tpu.memory_space<hbm>>
      %dma_wait3A_78 = arith.constant 0 : i32
      %dma_wait3A_79 = tpu.memref_slice %dma_wait3A_77[%add3A_48, %dma_wait3A_78] : memref<10240x64xf32, #tpu.memory_space<hbm>> -> memref<128x64xf32, #tpu.memory_space<hbm>>
      %dma_wait3A_80 = arith.constant 0 : i32
      %dma_wait3A_81 = tpu.memref_slice %arg6[%add3A_48, %dma_wait3A_80] : memref<10240x64xf32, #tpu.memory_space<vmem_shared>> -> memref<128x64xf32, #tpu.memory_space<vmem_shared>>
      tpu.wait_dma2 semaphore(%run_scoped3A_65 : memref<!tpu.dma_semaphore, #tpu.memory_space<semaphore_mem>>) src(%dma_wait3A_81 : memref<128x64xf32, #tpu.memory_space<vmem_shared>>) dst(%dma_wait3A_79 : memref<128x64xf32, #tpu.memory_space<hbm>>)
      tpu.yield
    }) : () -> ()
    %mul3A_49 = arith.constant 640 : i32
    %mul3A_50 = arith.muli %arg1, %mul3A_49 : i32
    %add3A_51 = arith.constant 128 : i32
    %add3A_52 = arith.addi %mul3A_50, %add3A_51 : i32
    "tpu.region"() ({
      %run_scoped3A_65 = tpu.sem_alloc : memref<!tpu.dma_semaphore, #tpu.memory_space<semaphore_mem>>
      %dma_start3A_66 = arith.constant 0 : i32
      %dma_start3A_67 = arith.constant 0 : i32
      %dma_start3A_68 = tpu.memref_slice %arg5[%arg0, %dma_start3A_66, %dma_start3A_67] : memref<2x10240x64xf32, #tpu.memory_space<hbm>> -> memref<1x10240x64xf32, #tpu.memory_space<hbm>>
      %dma_start3A_69 = tpu.memref_squeeze %dma_start3A_68 : memref<1x10240x64xf32, #tpu.memory_space<hbm>> -> memref<10240x64xf32, #tpu.memory_space<hbm>>
      %dma_start3A_70 = arith.constant 0 : i32
      %dma_start3A_71 = tpu.memref_slice %dma_start3A_69[%add3A_52, %dma_start3A_70] : memref<10240x64xf32, #tpu.memory_space<hbm>> -> memref<128x64xf32, #tpu.memory_space<hbm>>
      %dma_start3A_72 = arith.constant 0 : i32
      %dma_start3A_73 = tpu.memref_slice %arg6[%add3A_52, %dma_start3A_72] : memref<10240x64xf32, #tpu.memory_space<vmem_shared>> -> memref<128x64xf32, #tpu.memory_space<vmem_shared>>
      tpu.enqueue_dma source(%dma_start3A_73 : memref<128x64xf32, #tpu.memory_space<vmem_shared>>) target(%dma_start3A_71 : memref<128x64xf32, #tpu.memory_space<hbm>>) target_semaphore(%run_scoped3A_65 : memref<!tpu.dma_semaphore, #tpu.memory_space<semaphore_mem>>)
      %dma_wait3A_74 = arith.constant 0 : i32
      %dma_wait3A_75 = arith.constant 0 : i32
      %dma_wait3A_76 = tpu.memref_slice %arg5[%arg0, %dma_wait3A_74, %dma_wait3A_75] : memref<2x10240x64xf32, #tpu.memory_space<hbm>> -> memref<1x10240x64xf32, #tpu.memory_space<hbm>>
      %dma_wait3A_77 = tpu.memref_squeeze %dma_wait3A_76 : memref<1x10240x64xf32, #tpu.memory_space<hbm>> -> memref<10240x64xf32, #tpu.memory_space<hbm>>
      %dma_wait3A_78 = arith.constant 0 : i32
      %dma_wait3A_79 = tpu.memref_slice %dma_wait3A_77[%add3A_52, %dma_wait3A_78] : memref<10240x64xf32, #tpu.memory_space<hbm>> -> memref<128x64xf32, #tpu.memory_space<hbm>>
      %dma_wait3A_80 = arith.constant 0 : i32
      %dma_wait3A_81 = tpu.memref_slice %arg6[%add3A_52, %dma_wait3A_80] : memref<10240x64xf32, #tpu.memory_space<vmem_shared>> -> memref<128x64xf32, #tpu.memory_space<vmem_shared>>
      tpu.wait_dma2 semaphore(%run_scoped3A_65 : memref<!tpu.dma_semaphore, #tpu.memory_space<semaphore_mem>>) src(%dma_wait3A_81 : memref<128x64xf32, #tpu.memory_space<vmem_shared>>) dst(%dma_wait3A_79 : memref<128x64xf32, #tpu.memory_space<hbm>>)
      tpu.yield
    }) : () -> ()
    %mul3A_53 = arith.constant 640 : i32
    %mul3A_54 = arith.muli %arg1, %mul3A_53 : i32
    %add3A_55 = arith.constant 256 : i32
    %add3A_56 = arith.addi %mul3A_54, %add3A_55 : i32
    "tpu.region"() ({
      %run_scoped3A_65 = tpu.sem_alloc : memref<!tpu.dma_semaphore, #tpu.memory_space<semaphore_mem>>
      %dma_start3A_66 = arith.constant 0 : i32
      %dma_start3A_67 = arith.constant 0 : i32
      %dma_start3A_68 = tpu.memref_slice %arg5[%arg0, %dma_start3A_66, %dma_start3A_67] : memref<2x10240x64xf32, #tpu.memory_space<hbm>> -> memref<1x10240x64xf32, #tpu.memory_space<hbm>>
      %dma_start3A_69 = tpu.memref_squeeze %dma_start3A_68 : memref<1x10240x64xf32, #tpu.memory_space<hbm>> -> memref<10240x64xf32, #tpu.memory_space<hbm>>
      %dma_start3A_70 = arith.constant 0 : i32
      %dma_start3A_71 = tpu.memref_slice %dma_start3A_69[%add3A_56, %dma_start3A_70] : memref<10240x64xf32, #tpu.memory_space<hbm>> -> memref<128x64xf32, #tpu.memory_space<hbm>>
      %dma_start3A_72 = arith.constant 0 : i32
      %dma_start3A_73 = tpu.memref_slice %arg6[%add3A_56, %dma_start3A_72] : memref<10240x64xf32, #tpu.memory_space<vmem_shared>> -> memref<128x64xf32, #tpu.memory_space<vmem_shared>>
      tpu.enqueue_dma source(%dma_start3A_73 : memref<128x64xf32, #tpu.memory_space<vmem_shared>>) target(%dma_start3A_71 : memref<128x64xf32, #tpu.memory_space<hbm>>) target_semaphore(%run_scoped3A_65 : memref<!tpu.dma_semaphore, #tpu.memory_space<semaphore_mem>>)
      %dma_wait3A_74 = arith.constant 0 : i32
      %dma_wait3A_75 = arith.constant 0 : i32
      %dma_wait3A_76 = tpu.memref_slice %arg5[%arg0, %dma_wait3A_74, %dma_wait3A_75] : memref<2x10240x64xf32, #tpu.memory_space<hbm>> -> memref<1x10240x64xf32, #tpu.memory_space<hbm>>
      %dma_wait3A_77 = tpu.memref_squeeze %dma_wait3A_76 : memref<1x10240x64xf32, #tpu.memory_space<hbm>> -> memref<10240x64xf32, #tpu.memory_space<hbm>>
      %dma_wait3A_78 = arith.constant 0 : i32
      %dma_wait3A_79 = tpu.memref_slice %dma_wait3A_77[%add3A_56, %dma_wait3A_78] : memref<10240x64xf32, #tpu.memory_space<hbm>> -> memref<128x64xf32, #tpu.memory_space<hbm>>
      %dma_wait3A_80 = arith.constant 0 : i32
      %dma_wait3A_81 = tpu.memref_slice %arg6[%add3A_56, %dma_wait3A_80] : memref<10240x64xf32, #tpu.memory_space<vmem_shared>> -> memref<128x64xf32, #tpu.memory_space<vmem_shared>>
      tpu.wait_dma2 semaphore(%run_scoped3A_65 : memref<!tpu.dma_semaphore, #tpu.memory_space<semaphore_mem>>) src(%dma_wait3A_81 : memref<128x64xf32, #tpu.memory_space<vmem_shared>>) dst(%dma_wait3A_79 : memref<128x64xf32, #tpu.memory_space<hbm>>)
      tpu.yield
    }) : () -> ()
    %mul3A_57 = arith.constant 640 : i32
    %mul3A_58 = arith.muli %arg1, %mul3A_57 : i32
    %add3A_59 = arith.constant 384 : i32
    %add3A_60 = arith.addi %mul3A_58, %add3A_59 : i32
    "tpu.region"() ({
      %run_scoped3A_65 = tpu.sem_alloc : memref<!tpu.dma_semaphore, #tpu.memory_space<semaphore_mem>>
      %dma_start3A_66 = arith.constant 0 : i32
      %dma_start3A_67 = arith.constant 0 : i32
      %dma_start3A_68 = tpu.memref_slice %arg5[%arg0, %dma_start3A_66, %dma_start3A_67] : memref<2x10240x64xf32, #tpu.memory_space<hbm>> -> memref<1x10240x64xf32, #tpu.memory_space<hbm>>
      %dma_start3A_69 = tpu.memref_squeeze %dma_start3A_68 : memref<1x10240x64xf32, #tpu.memory_space<hbm>> -> memref<10240x64xf32, #tpu.memory_space<hbm>>
      %dma_start3A_70 = arith.constant 0 : i32
      %dma_start3A_71 = tpu.memref_slice %dma_start3A_69[%add3A_60, %dma_start3A_70] : memref<10240x64xf32, #tpu.memory_space<hbm>> -> memref<128x64xf32, #tpu.memory_space<hbm>>
      %dma_start3A_72 = arith.constant 0 : i32
      %dma_start3A_73 = tpu.memref_slice %arg6[%add3A_60, %dma_start3A_72] : memref<10240x64xf32, #tpu.memory_space<vmem_shared>> -> memref<128x64xf32, #tpu.memory_space<vmem_shared>>
      tpu.enqueue_dma source(%dma_start3A_73 : memref<128x64xf32, #tpu.memory_space<vmem_shared>>) target(%dma_start3A_71 : memref<128x64xf32, #tpu.memory_space<hbm>>) target_semaphore(%run_scoped3A_65 : memref<!tpu.dma_semaphore, #tpu.memory_space<semaphore_mem>>)
      %dma_wait3A_74 = arith.constant 0 : i32
      %dma_wait3A_75 = arith.constant 0 : i32
      %dma_wait3A_76 = tpu.memref_slice %arg5[%arg0, %dma_wait3A_74, %dma_wait3A_75] : memref<2x10240x64xf32, #tpu.memory_space<hbm>> -> memref<1x10240x64xf32, #tpu.memory_space<hbm>>
      %dma_wait3A_77 = tpu.memref_squeeze %dma_wait3A_76 : memref<1x10240x64xf32, #tpu.memory_space<hbm>> -> memref<10240x64xf32, #tpu.memory_space<hbm>>
      %dma_wait3A_78 = arith.constant 0 : i32
      %dma_wait3A_79 = tpu.memref_slice %dma_wait3A_77[%add3A_60, %dma_wait3A_78] : memref<10240x64xf32, #tpu.memory_space<hbm>> -> memref<128x64xf32, #tpu.memory_space<hbm>>
      %dma_wait3A_80 = arith.constant 0 : i32
      %dma_wait3A_81 = tpu.memref_slice %arg6[%add3A_60, %dma_wait3A_80] : memref<10240x64xf32, #tpu.memory_space<vmem_shared>> -> memref<128x64xf32, #tpu.memory_space<vmem_shared>>
      tpu.wait_dma2 semaphore(%run_scoped3A_65 : memref<!tpu.dma_semaphore, #tpu.memory_space<semaphore_mem>>) src(%dma_wait3A_81 : memref<128x64xf32, #tpu.memory_space<vmem_shared>>) dst(%dma_wait3A_79 : memref<128x64xf32, #tpu.memory_space<hbm>>)
      tpu.yield
    }) : () -> ()
    %mul3A_61 = arith.constant 640 : i32
    %mul3A_62 = arith.muli %arg1, %mul3A_61 : i32
    %add3A_63 = arith.constant 512 : i32
    %add3A_64 = arith.addi %mul3A_62, %add3A_63 : i32
    "tpu.region"() ({
      %run_scoped3A_65 = tpu.sem_alloc : memref<!tpu.dma_semaphore, #tpu.memory_space<semaphore_mem>>
      %dma_start3A_66 = arith.constant 0 : i32
      %dma_start3A_67 = arith.constant 0 : i32
      %dma_start3A_68 = tpu.memref_slice %arg5[%arg0, %dma_start3A_66, %dma_start3A_67] : memref<2x10240x64xf32, #tpu.memory_space<hbm>> -> memref<1x10240x64xf32, #tpu.memory_space<hbm>>
      %dma_start3A_69 = tpu.memref_squeeze %dma_start3A_68 : memref<1x10240x64xf32, #tpu.memory_space<hbm>> -> memref<10240x64xf32, #tpu.memory_space<hbm>>
      %dma_start3A_70 = arith.constant 0 : i32
      %dma_start3A_71 = tpu.memref_slice %dma_start3A_69[%add3A_64, %dma_start3A_70] : memref<10240x64xf32, #tpu.memory_space<hbm>> -> memref<128x64xf32, #tpu.memory_space<hbm>>
      %dma_start3A_72 = arith.constant 0 : i32
      %dma_start3A_73 = tpu.memref_slice %arg6[%add3A_64, %dma_start3A_72] : memref<10240x64xf32, #tpu.memory_space<vmem_shared>> -> memref<128x64xf32, #tpu.memory_space<vmem_shared>>
      tpu.enqueue_dma source(%dma_start3A_73 : memref<128x64xf32, #tpu.memory_space<vmem_shared>>) target(%dma_start3A_71 : memref<128x64xf32, #tpu.memory_space<hbm>>) target_semaphore(%run_scoped3A_65 : memref<!tpu.dma_semaphore, #tpu.memory_space<semaphore_mem>>)
      %dma_wait3A_74 = arith.constant 0 : i32
      %dma_wait3A_75 = arith.constant 0 : i32
      %dma_wait3A_76 = tpu.memref_slice %arg5[%arg0, %dma_wait3A_74, %dma_wait3A_75] : memref<2x10240x64xf32, #tpu.memory_space<hbm>> -> memref<1x10240x64xf32, #tpu.memory_space<hbm>>
      %dma_wait3A_77 = tpu.memref_squeeze %dma_wait3A_76 : memref<1x10240x64xf32, #tpu.memory_space<hbm>> -> memref<10240x64xf32, #tpu.memory_space<hbm>>
      %dma_wait3A_78 = arith.constant 0 : i32
      %dma_wait3A_79 = tpu.memref_slice %dma_wait3A_77[%add3A_64, %dma_wait3A_78] : memref<10240x64xf32, #tpu.memory_space<hbm>> -> memref<128x64xf32, #tpu.memory_space<hbm>>
      %dma_wait3A_80 = arith.constant 0 : i32
      %dma_wait3A_81 = tpu.memref_slice %arg6[%add3A_64, %dma_wait3A_80] : memref<10240x64xf32, #tpu.memory_space<vmem_shared>> -> memref<128x64xf32, #tpu.memory_space<vmem_shared>>
      tpu.wait_dma2 semaphore(%run_scoped3A_65 : memref<!tpu.dma_semaphore, #tpu.memory_space<semaphore_mem>>) src(%dma_wait3A_81 : memref<128x64xf32, #tpu.memory_space<vmem_shared>>) dst(%dma_wait3A_79 : memref<128x64xf32, #tpu.memory_space<hbm>>)
      tpu.yield
    }) : () -> ()
    return
  }
}

#map = affine_map<(d0, d1) -> (0, 0, 0)>
module attributes {stable_mosaic.version = 14 : i64} {
  func.func @_sc_hist(%arg0: i32, %arg1: i32, %arg2: memref<32x79x128xi32, #tpu.memory_space<hbm>>, %arg3: memref<2x10240x16xf32, #tpu.memory_space<hbm>>, %arg4: memref<10240x16xf32, #tpu.memory_space<vmem_shared>>, %arg5: memref<79x128xi32, #tpu.memory_space<vmem>>, %arg6: memref<128x16xf32, #tpu.memory_space<vmem>>, %arg7: memref<128x16xf32, #tpu.memory_space<vmem>>) attributes {dimension_semantics = [#tpu.dimension_semantics<core_parallel>, #tpu.dimension_semantics<subcore_parallel>], iteration_bounds = array<i64: 2, 16>, scalar_prefetch = 0 : i64, scratch_operands = 4 : i64, tpu.core_type = #tpu.core_type<sc_vector_subcore>, window_params = [{transform_indices = #map}, {transform_indices = #map}]} {
    %mul3A = arith.constant 2 : i32
    %mul3A_0 = arith.muli %arg1, %mul3A : i32
    %add3A = arith.addi %mul3A_0, %arg0 : i32
    %scan3A = arith.constant 0 : i32
    %scan3A_1 = arith.constant 0 : i32
    %scan3A_2 = arith.constant 128 : i32
    %scan3A_3 = arith.addi %scan3A_1, %scan3A_2 : i32
    %scan3A_4 = arith.constant 1 : i32
    scf.for %scan3A_53 = %scan3A_1 to %scan3A_3 step %scan3A_4  : i32 {
      %broadcast_in_dim3A = arith.constant 1.000000e+00 : f32
      %broadcast_in_dim3A_54 = vector.broadcast %broadcast_in_dim3A : f32 to vector<16xf32>
      %swap3A = arith.index_cast %scan3A_53 : i32 to index
      %swap3A_55 = arith.constant 0 : index
      %swap3A_56 = tpu.vector_load %arg6[%swap3A, %swap3A_55] {strides = array<i32>} : memref<128x16xf32, #tpu.memory_space<vmem>>, vector<16xf32>,
      tpu.vector_store %arg6[%swap3A, %swap3A_55], %broadcast_in_dim3A_54 {strides = array<i32>} : memref<128x16xf32, #tpu.memory_space<vmem>>, vector<16xf32>,
      %broadcast_in_dim3A_57 = arith.constant 0.000000e+00 : f32
      %broadcast_in_dim3A_58 = vector.broadcast %broadcast_in_dim3A_57 : f32 to vector<16xf32>
      %swap3A_59 = arith.index_cast %scan3A_53 : i32 to index
      %swap3A_60 = arith.constant 0 : index
      %swap3A_61 = tpu.vector_load %arg7[%swap3A_59, %swap3A_60] {strides = array<i32>} : memref<128x16xf32, #tpu.memory_space<vmem>>, vector<16xf32>,
      tpu.vector_store %arg7[%swap3A_59, %swap3A_60], %broadcast_in_dim3A_58 {strides = array<i32>} : memref<128x16xf32, #tpu.memory_space<vmem>>, vector<16xf32>,
    }
    %scan3A_5 = arith.constant 128 : i32
    %mul3A_6 = arith.constant 640 : i32
    %mul3A_7 = arith.muli %arg1, %mul3A_6 : i32
    %add3A_8 = arith.constant 0 : i32
    %add3A_9 = arith.addi %mul3A_7, %add3A_8 : i32
    "tpu.region"() ({
      %run_scoped3A = tpu.sem_alloc : memref<!tpu.dma_semaphore, #tpu.memory_space<semaphore_mem>>
      %dma_start3A = arith.constant 0 : i32
      %dma_start3A_53 = tpu.memref_slice %arg4[%add3A_9, %dma_start3A] : memref<10240x16xf32, #tpu.memory_space<vmem_shared>> -> memref<128x16xf32, #tpu.memory_space<vmem_shared>>
      %dma_start3A_54 = arith.constant 0 : i32
      %dma_start3A_55 = tpu.memref_slice %arg4[%add3A_9, %dma_start3A_54] : memref<10240x16xf32, #tpu.memory_space<vmem_shared>> -> memref<128x16xf32, #tpu.memory_space<vmem_shared>>
      tpu.enqueue_dma source(%arg7 : memref<128x16xf32, #tpu.memory_space<vmem>>) target(%dma_start3A_55 : memref<128x16xf32, #tpu.memory_space<vmem_shared>>) target_semaphore(%run_scoped3A : memref<!tpu.dma_semaphore, #tpu.memory_space<semaphore_mem>>)
      %dma_wait3A = arith.constant 0 : i32
      %dma_wait3A_56 = tpu.memref_slice %arg4[%add3A_9, %dma_wait3A] : memref<10240x16xf32, #tpu.memory_space<vmem_shared>> -> memref<128x16xf32, #tpu.memory_space<vmem_shared>>
      %dma_wait3A_57 = arith.constant 0 : i32
      %dma_wait3A_58 = tpu.memref_slice %arg4[%add3A_9, %dma_wait3A_57] : memref<10240x16xf32, #tpu.memory_space<vmem_shared>> -> memref<128x16xf32, #tpu.memory_space<vmem_shared>>
      tpu.wait_dma2 semaphore(%run_scoped3A : memref<!tpu.dma_semaphore, #tpu.memory_space<semaphore_mem>>) src(%arg7 : memref<128x16xf32, #tpu.memory_space<vmem>>) dst(%dma_wait3A_58 : memref<128x16xf32, #tpu.memory_space<vmem_shared>>)
      tpu.yield
    }) : () -> ()
    %mul3A_10 = arith.constant 640 : i32
    %mul3A_11 = arith.muli %arg1, %mul3A_10 : i32
    %add3A_12 = arith.constant 128 : i32
    %add3A_13 = arith.addi %mul3A_11, %add3A_12 : i32
    "tpu.region"() ({
      %run_scoped3A = tpu.sem_alloc : memref<!tpu.dma_semaphore, #tpu.memory_space<semaphore_mem>>
      %dma_start3A = arith.constant 0 : i32
      %dma_start3A_53 = tpu.memref_slice %arg4[%add3A_13, %dma_start3A] : memref<10240x16xf32, #tpu.memory_space<vmem_shared>> -> memref<128x16xf32, #tpu.memory_space<vmem_shared>>
      %dma_start3A_54 = arith.constant 0 : i32
      %dma_start3A_55 = tpu.memref_slice %arg4[%add3A_13, %dma_start3A_54] : memref<10240x16xf32, #tpu.memory_space<vmem_shared>> -> memref<128x16xf32, #tpu.memory_space<vmem_shared>>
      tpu.enqueue_dma source(%arg7 : memref<128x16xf32, #tpu.memory_space<vmem>>) target(%dma_start3A_55 : memref<128x16xf32, #tpu.memory_space<vmem_shared>>) target_semaphore(%run_scoped3A : memref<!tpu.dma_semaphore, #tpu.memory_space<semaphore_mem>>)
      %dma_wait3A = arith.constant 0 : i32
      %dma_wait3A_56 = tpu.memref_slice %arg4[%add3A_13, %dma_wait3A] : memref<10240x16xf32, #tpu.memory_space<vmem_shared>> -> memref<128x16xf32, #tpu.memory_space<vmem_shared>>
      %dma_wait3A_57 = arith.constant 0 : i32
      %dma_wait3A_58 = tpu.memref_slice %arg4[%add3A_13, %dma_wait3A_57] : memref<10240x16xf32, #tpu.memory_space<vmem_shared>> -> memref<128x16xf32, #tpu.memory_space<vmem_shared>>
      tpu.wait_dma2 semaphore(%run_scoped3A : memref<!tpu.dma_semaphore, #tpu.memory_space<semaphore_mem>>) src(%arg7 : memref<128x16xf32, #tpu.memory_space<vmem>>) dst(%dma_wait3A_58 : memref<128x16xf32, #tpu.memory_space<vmem_shared>>)
      tpu.yield
    }) : () -> ()
    %mul3A_14 = arith.constant 640 : i32
    %mul3A_15 = arith.muli %arg1, %mul3A_14 : i32
    %add3A_16 = arith.constant 256 : i32
    %add3A_17 = arith.addi %mul3A_15, %add3A_16 : i32
    "tpu.region"() ({
      %run_scoped3A = tpu.sem_alloc : memref<!tpu.dma_semaphore, #tpu.memory_space<semaphore_mem>>
      %dma_start3A = arith.constant 0 : i32
      %dma_start3A_53 = tpu.memref_slice %arg4[%add3A_17, %dma_start3A] : memref<10240x16xf32, #tpu.memory_space<vmem_shared>> -> memref<128x16xf32, #tpu.memory_space<vmem_shared>>
      %dma_start3A_54 = arith.constant 0 : i32
      %dma_start3A_55 = tpu.memref_slice %arg4[%add3A_17, %dma_start3A_54] : memref<10240x16xf32, #tpu.memory_space<vmem_shared>> -> memref<128x16xf32, #tpu.memory_space<vmem_shared>>
      tpu.enqueue_dma source(%arg7 : memref<128x16xf32, #tpu.memory_space<vmem>>) target(%dma_start3A_55 : memref<128x16xf32, #tpu.memory_space<vmem_shared>>) target_semaphore(%run_scoped3A : memref<!tpu.dma_semaphore, #tpu.memory_space<semaphore_mem>>)
      %dma_wait3A = arith.constant 0 : i32
      %dma_wait3A_56 = tpu.memref_slice %arg4[%add3A_17, %dma_wait3A] : memref<10240x16xf32, #tpu.memory_space<vmem_shared>> -> memref<128x16xf32, #tpu.memory_space<vmem_shared>>
      %dma_wait3A_57 = arith.constant 0 : i32
      %dma_wait3A_58 = tpu.memref_slice %arg4[%add3A_17, %dma_wait3A_57] : memref<10240x16xf32, #tpu.memory_space<vmem_shared>> -> memref<128x16xf32, #tpu.memory_space<vmem_shared>>
      tpu.wait_dma2 semaphore(%run_scoped3A : memref<!tpu.dma_semaphore, #tpu.memory_space<semaphore_mem>>) src(%arg7 : memref<128x16xf32, #tpu.memory_space<vmem>>) dst(%dma_wait3A_58 : memref<128x16xf32, #tpu.memory_space<vmem_shared>>)
      tpu.yield
    }) : () -> ()
    %mul3A_18 = arith.constant 640 : i32
    %mul3A_19 = arith.muli %arg1, %mul3A_18 : i32
    %add3A_20 = arith.constant 384 : i32
    %add3A_21 = arith.addi %mul3A_19, %add3A_20 : i32
    "tpu.region"() ({
      %run_scoped3A = tpu.sem_alloc : memref<!tpu.dma_semaphore, #tpu.memory_space<semaphore_mem>>
      %dma_start3A = arith.constant 0 : i32
      %dma_start3A_53 = tpu.memref_slice %arg4[%add3A_21, %dma_start3A] : memref<10240x16xf32, #tpu.memory_space<vmem_shared>> -> memref<128x16xf32, #tpu.memory_space<vmem_shared>>
      %dma_start3A_54 = arith.constant 0 : i32
      %dma_start3A_55 = tpu.memref_slice %arg4[%add3A_21, %dma_start3A_54] : memref<10240x16xf32, #tpu.memory_space<vmem_shared>> -> memref<128x16xf32, #tpu.memory_space<vmem_shared>>
      tpu.enqueue_dma source(%arg7 : memref<128x16xf32, #tpu.memory_space<vmem>>) target(%dma_start3A_55 : memref<128x16xf32, #tpu.memory_space<vmem_shared>>) target_semaphore(%run_scoped3A : memref<!tpu.dma_semaphore, #tpu.memory_space<semaphore_mem>>)
      %dma_wait3A = arith.constant 0 : i32
      %dma_wait3A_56 = tpu.memref_slice %arg4[%add3A_21, %dma_wait3A] : memref<10240x16xf32, #tpu.memory_space<vmem_shared>> -> memref<128x16xf32, #tpu.memory_space<vmem_shared>>
      %dma_wait3A_57 = arith.constant 0 : i32
      %dma_wait3A_58 = tpu.memref_slice %arg4[%add3A_21, %dma_wait3A_57] : memref<10240x16xf32, #tpu.memory_space<vmem_shared>> -> memref<128x16xf32, #tpu.memory_space<vmem_shared>>
      tpu.wait_dma2 semaphore(%run_scoped3A : memref<!tpu.dma_semaphore, #tpu.memory_space<semaphore_mem>>) src(%arg7 : memref<128x16xf32, #tpu.memory_space<vmem>>) dst(%dma_wait3A_58 : memref<128x16xf32, #tpu.memory_space<vmem_shared>>)
      tpu.yield
    }) : () -> ()
    %mul3A_22 = arith.constant 640 : i32
    %mul3A_23 = arith.muli %arg1, %mul3A_22 : i32
    %add3A_24 = arith.constant 512 : i32
    %add3A_25 = arith.addi %mul3A_23, %add3A_24 : i32
    "tpu.region"() ({
      %run_scoped3A = tpu.sem_alloc : memref<!tpu.dma_semaphore, #tpu.memory_space<semaphore_mem>>
      %dma_start3A = arith.constant 0 : i32
      %dma_start3A_53 = tpu.memref_slice %arg4[%add3A_25, %dma_start3A] : memref<10240x16xf32, #tpu.memory_space<vmem_shared>> -> memref<128x16xf32, #tpu.memory_space<vmem_shared>>
      %dma_start3A_54 = arith.constant 0 : i32
      %dma_start3A_55 = tpu.memref_slice %arg4[%add3A_25, %dma_start3A_54] : memref<10240x16xf32, #tpu.memory_space<vmem_shared>> -> memref<128x16xf32, #tpu.memory_space<vmem_shared>>
      tpu.enqueue_dma source(%arg7 : memref<128x16xf32, #tpu.memory_space<vmem>>) target(%dma_start3A_55 : memref<128x16xf32, #tpu.memory_space<vmem_shared>>) target_semaphore(%run_scoped3A : memref<!tpu.dma_semaphore, #tpu.memory_space<semaphore_mem>>)
      %dma_wait3A = arith.constant 0 : i32
      %dma_wait3A_56 = tpu.memref_slice %arg4[%add3A_25, %dma_wait3A] : memref<10240x16xf32, #tpu.memory_space<vmem_shared>> -> memref<128x16xf32, #tpu.memory_space<vmem_shared>>
      %dma_wait3A_57 = arith.constant 0 : i32
      %dma_wait3A_58 = tpu.memref_slice %arg4[%add3A_25, %dma_wait3A_57] : memref<10240x16xf32, #tpu.memory_space<vmem_shared>> -> memref<128x16xf32, #tpu.memory_space<vmem_shared>>
      tpu.wait_dma2 semaphore(%run_scoped3A : memref<!tpu.dma_semaphore, #tpu.memory_space<semaphore_mem>>) src(%arg7 : memref<128x16xf32, #tpu.memory_space<vmem>>) dst(%dma_wait3A_58 : memref<128x16xf32, #tpu.memory_space<vmem_shared>>)
      tpu.yield
    }) : () -> ()
    %barrier3A = arith.constant 0 : index
    tpu.barrier barrier_id(%barrier3A)
    "tpu.region"() ({
      %run_scoped3A = tpu.sem_alloc : memref<!tpu.dma_semaphore, #tpu.memory_space<semaphore_mem>>
      %dma_start3A = arith.constant 0 : i32
      %dma_start3A_53 = arith.constant 0 : i32
      %dma_start3A_54 = tpu.memref_slice %arg2[%add3A, %dma_start3A, %dma_start3A_53] : memref<32x79x128xi32, #tpu.memory_space<hbm>> -> memref<1x79x128xi32, #tpu.memory_space<hbm>>
      %dma_start3A_55 = tpu.memref_squeeze %dma_start3A_54 : memref<1x79x128xi32, #tpu.memory_space<hbm>> -> memref<79x128xi32, #tpu.memory_space<hbm>>
      %dma_start3A_56 = arith.constant 0 : i32
      %dma_start3A_57 = arith.constant 0 : i32
      %dma_start3A_58 = tpu.memref_slice %arg2[%add3A, %dma_start3A_56, %dma_start3A_57] : memref<32x79x128xi32, #tpu.memory_space<hbm>> -> memref<1x79x128xi32, #tpu.memory_space<hbm>>
      %dma_start3A_59 = tpu.memref_squeeze %dma_start3A_58 : memref<1x79x128xi32, #tpu.memory_space<hbm>> -> memref<79x128xi32, #tpu.memory_space<hbm>>
      tpu.enqueue_dma source(%dma_start3A_59 : memref<79x128xi32, #tpu.memory_space<hbm>>) target(%arg5 : memref<79x128xi32, #tpu.memory_space<vmem>>) target_semaphore(%run_scoped3A : memref<!tpu.dma_semaphore, #tpu.memory_space<semaphore_mem>>)
      %dma_wait3A = arith.constant 0 : i32
      %dma_wait3A_60 = arith.constant 0 : i32
      %dma_wait3A_61 = tpu.memref_slice %arg2[%add3A, %dma_wait3A, %dma_wait3A_60] : memref<32x79x128xi32, #tpu.memory_space<hbm>> -> memref<1x79x128xi32, #tpu.memory_space<hbm>>
      %dma_wait3A_62 = tpu.memref_squeeze %dma_wait3A_61 : memref<1x79x128xi32, #tpu.memory_space<hbm>> -> memref<79x128xi32, #tpu.memory_space<hbm>>
      %dma_wait3A_63 = arith.constant 0 : i32
      %dma_wait3A_64 = arith.constant 0 : i32
      %dma_wait3A_65 = tpu.memref_slice %arg2[%add3A, %dma_wait3A_63, %dma_wait3A_64] : memref<32x79x128xi32, #tpu.memory_space<hbm>> -> memref<1x79x128xi32, #tpu.memory_space<hbm>>
      %dma_wait3A_66 = tpu.memref_squeeze %dma_wait3A_65 : memref<1x79x128xi32, #tpu.memory_space<hbm>> -> memref<79x128xi32, #tpu.memory_space<hbm>>
      tpu.wait_dma2 semaphore(%run_scoped3A : memref<!tpu.dma_semaphore, #tpu.memory_space<semaphore_mem>>) src(%dma_wait3A_66 : memref<79x128xi32, #tpu.memory_space<hbm>>) dst(%arg5 : memref<79x128xi32, #tpu.memory_space<vmem>>)
      tpu.yield
    }) : () -> ()
    %scan3A_26 = arith.constant 0 : i32
    %scan3A_27 = arith.constant 0 : i32
    %scan3A_28 = arith.constant 79 : i32
    %scan3A_29 = arith.addi %scan3A_27, %scan3A_28 : i32
    %scan3A_30 = arith.constant 1 : i32
    scf.for %scan3A_53 = %scan3A_27 to %scan3A_29 step %scan3A_30  : i32 {
      "tpu.region"() ({
        %run_scoped3A = tpu.sem_alloc : memref<!tpu.dma_semaphore, #tpu.memory_space<semaphore_mem>>
        %dma_start3A = arith.constant 0 : i32
        %dma_start3A_54 = tpu.memref_slice %arg5[%scan3A_53, %dma_start3A] : memref<79x128xi32, #tpu.memory_space<vmem>> -> memref<1x128xi32, #tpu.memory_space<vmem>>
        %dma_start3A_55 = tpu.memref_squeeze %dma_start3A_54 : memref<1x128xi32, #tpu.memory_space<vmem>> -> memref<128xi32, #tpu.memory_space<vmem>>
        %dma_start3A_56 = arith.constant 0 : i32
        %dma_start3A_57 = arith.constant 0 : i32
        %dma_start3A_58 = tpu.memref_slice %arg4[%dma_start3A_56, %dma_start3A_57] : memref<10240x16xf32, #tpu.memory_space<vmem_shared>> -> memref<10240x16xf32, #tpu.memory_space<vmem_shared>>
        tpu.enqueue_indirect_dma source(%arg6 : memref<128x16xf32, #tpu.memory_space<vmem>>) target(%dma_start3A_58 : memref<10240x16xf32, #tpu.memory_space<vmem_shared>>) offsets(%dma_start3A_55 : memref<128xi32, #tpu.memory_space<vmem>>) semaphore(%run_scoped3A : memref<!tpu.dma_semaphore, #tpu.memory_space<semaphore_mem>>) {add = true}
        %dma_wait3A = arith.constant 0 : i32
        %dma_wait3A_59 = tpu.memref_slice %arg5[%scan3A_53, %dma_wait3A] : memref<79x128xi32, #tpu.memory_space<vmem>> -> memref<1x128xi32, #tpu.memory_space<vmem>>
        %dma_wait3A_60 = tpu.memref_squeeze %dma_wait3A_59 : memref<1x128xi32, #tpu.memory_space<vmem>> -> memref<128xi32, #tpu.memory_space<vmem>>
        %dma_wait3A_61 = arith.constant 0 : i32
        %dma_wait3A_62 = arith.constant 0 : i32
        %dma_wait3A_63 = tpu.memref_slice %arg4[%dma_wait3A_61, %dma_wait3A_62] : memref<10240x16xf32, #tpu.memory_space<vmem_shared>> -> memref<10240x16xf32, #tpu.memory_space<vmem_shared>>
        tpu.wait_indirect_dma semaphore(%run_scoped3A : memref<!tpu.dma_semaphore, #tpu.memory_space<semaphore_mem>>) src(%arg6 : memref<128x16xf32, #tpu.memory_space<vmem>>) dst(%dma_wait3A_63 : memref<10240x16xf32, #tpu.memory_space<vmem_shared>>)
        tpu.yield
      }) : () -> ()
    }
    %scan3A_31 = arith.constant 79 : i32
    %barrier3A_32 = arith.constant 0 : index
    tpu.barrier barrier_id(%barrier3A_32)
    %mul3A_33 = arith.constant 640 : i32
    %mul3A_34 = arith.muli %arg1, %mul3A_33 : i32
    %add3A_35 = arith.constant 0 : i32
    %add3A_36 = arith.addi %mul3A_34, %add3A_35 : i32
    "tpu.region"() ({
      %run_scoped3A = tpu.sem_alloc : memref<!tpu.dma_semaphore, #tpu.memory_space<semaphore_mem>>
      %dma_start3A = arith.constant 0 : i32
      %dma_start3A_53 = arith.constant 0 : i32
      %dma_start3A_54 = tpu.memref_slice %arg3[%arg0, %dma_start3A, %dma_start3A_53] : memref<2x10240x16xf32, #tpu.memory_space<hbm>> -> memref<1x10240x16xf32, #tpu.memory_space<hbm>>
      %dma_start3A_55 = tpu.memref_squeeze %dma_start3A_54 : memref<1x10240x16xf32, #tpu.memory_space<hbm>> -> memref<10240x16xf32, #tpu.memory_space<hbm>>
      %dma_start3A_56 = arith.constant 0 : i32
      %dma_start3A_57 = tpu.memref_slice %dma_start3A_55[%add3A_36, %dma_start3A_56] : memref<10240x16xf32, #tpu.memory_space<hbm>> -> memref<128x16xf32, #tpu.memory_space<hbm>>
      %dma_start3A_58 = arith.constant 0 : i32
      %dma_start3A_59 = tpu.memref_slice %arg4[%add3A_36, %dma_start3A_58] : memref<10240x16xf32, #tpu.memory_space<vmem_shared>> -> memref<128x16xf32, #tpu.memory_space<vmem_shared>>
      tpu.enqueue_dma source(%dma_start3A_59 : memref<128x16xf32, #tpu.memory_space<vmem_shared>>) target(%dma_start3A_57 : memref<128x16xf32, #tpu.memory_space<hbm>>) target_semaphore(%run_scoped3A : memref<!tpu.dma_semaphore, #tpu.memory_space<semaphore_mem>>)
      %dma_wait3A = arith.constant 0 : i32
      %dma_wait3A_60 = arith.constant 0 : i32
      %dma_wait3A_61 = tpu.memref_slice %arg3[%arg0, %dma_wait3A, %dma_wait3A_60] : memref<2x10240x16xf32, #tpu.memory_space<hbm>> -> memref<1x10240x16xf32, #tpu.memory_space<hbm>>
      %dma_wait3A_62 = tpu.memref_squeeze %dma_wait3A_61 : memref<1x10240x16xf32, #tpu.memory_space<hbm>> -> memref<10240x16xf32, #tpu.memory_space<hbm>>
      %dma_wait3A_63 = arith.constant 0 : i32
      %dma_wait3A_64 = tpu.memref_slice %dma_wait3A_62[%add3A_36, %dma_wait3A_63] : memref<10240x16xf32, #tpu.memory_space<hbm>> -> memref<128x16xf32, #tpu.memory_space<hbm>>
      %dma_wait3A_65 = arith.constant 0 : i32
      %dma_wait3A_66 = tpu.memref_slice %arg4[%add3A_36, %dma_wait3A_65] : memref<10240x16xf32, #tpu.memory_space<vmem_shared>> -> memref<128x16xf32, #tpu.memory_space<vmem_shared>>
      tpu.wait_dma2 semaphore(%run_scoped3A : memref<!tpu.dma_semaphore, #tpu.memory_space<semaphore_mem>>) src(%dma_wait3A_66 : memref<128x16xf32, #tpu.memory_space<vmem_shared>>) dst(%dma_wait3A_64 : memref<128x16xf32, #tpu.memory_space<hbm>>)
      tpu.yield
    }) : () -> ()
    %mul3A_37 = arith.constant 640 : i32
    %mul3A_38 = arith.muli %arg1, %mul3A_37 : i32
    %add3A_39 = arith.constant 128 : i32
    %add3A_40 = arith.addi %mul3A_38, %add3A_39 : i32
    "tpu.region"() ({
      %run_scoped3A = tpu.sem_alloc : memref<!tpu.dma_semaphore, #tpu.memory_space<semaphore_mem>>
      %dma_start3A = arith.constant 0 : i32
      %dma_start3A_53 = arith.constant 0 : i32
      %dma_start3A_54 = tpu.memref_slice %arg3[%arg0, %dma_start3A, %dma_start3A_53] : memref<2x10240x16xf32, #tpu.memory_space<hbm>> -> memref<1x10240x16xf32, #tpu.memory_space<hbm>>
      %dma_start3A_55 = tpu.memref_squeeze %dma_start3A_54 : memref<1x10240x16xf32, #tpu.memory_space<hbm>> -> memref<10240x16xf32, #tpu.memory_space<hbm>>
      %dma_start3A_56 = arith.constant 0 : i32
      %dma_start3A_57 = tpu.memref_slice %dma_start3A_55[%add3A_40, %dma_start3A_56] : memref<10240x16xf32, #tpu.memory_space<hbm>> -> memref<128x16xf32, #tpu.memory_space<hbm>>
      %dma_start3A_58 = arith.constant 0 : i32
      %dma_start3A_59 = tpu.memref_slice %arg4[%add3A_40, %dma_start3A_58] : memref<10240x16xf32, #tpu.memory_space<vmem_shared>> -> memref<128x16xf32, #tpu.memory_space<vmem_shared>>
      tpu.enqueue_dma source(%dma_start3A_59 : memref<128x16xf32, #tpu.memory_space<vmem_shared>>) target(%dma_start3A_57 : memref<128x16xf32, #tpu.memory_space<hbm>>) target_semaphore(%run_scoped3A : memref<!tpu.dma_semaphore, #tpu.memory_space<semaphore_mem>>)
      %dma_wait3A = arith.constant 0 : i32
      %dma_wait3A_60 = arith.constant 0 : i32
      %dma_wait3A_61 = tpu.memref_slice %arg3[%arg0, %dma_wait3A, %dma_wait3A_60] : memref<2x10240x16xf32, #tpu.memory_space<hbm>> -> memref<1x10240x16xf32, #tpu.memory_space<hbm>>
      %dma_wait3A_62 = tpu.memref_squeeze %dma_wait3A_61 : memref<1x10240x16xf32, #tpu.memory_space<hbm>> -> memref<10240x16xf32, #tpu.memory_space<hbm>>
      %dma_wait3A_63 = arith.constant 0 : i32
      %dma_wait3A_64 = tpu.memref_slice %dma_wait3A_62[%add3A_40, %dma_wait3A_63] : memref<10240x16xf32, #tpu.memory_space<hbm>> -> memref<128x16xf32, #tpu.memory_space<hbm>>
      %dma_wait3A_65 = arith.constant 0 : i32
      %dma_wait3A_66 = tpu.memref_slice %arg4[%add3A_40, %dma_wait3A_65] : memref<10240x16xf32, #tpu.memory_space<vmem_shared>> -> memref<128x16xf32, #tpu.memory_space<vmem_shared>>
      tpu.wait_dma2 semaphore(%run_scoped3A : memref<!tpu.dma_semaphore, #tpu.memory_space<semaphore_mem>>) src(%dma_wait3A_66 : memref<128x16xf32, #tpu.memory_space<vmem_shared>>) dst(%dma_wait3A_64 : memref<128x16xf32, #tpu.memory_space<hbm>>)
      tpu.yield
    }) : () -> ()
    %mul3A_41 = arith.constant 640 : i32
    %mul3A_42 = arith.muli %arg1, %mul3A_41 : i32
    %add3A_43 = arith.constant 256 : i32
    %add3A_44 = arith.addi %mul3A_42, %add3A_43 : i32
    "tpu.region"() ({
      %run_scoped3A = tpu.sem_alloc : memref<!tpu.dma_semaphore, #tpu.memory_space<semaphore_mem>>
      %dma_start3A = arith.constant 0 : i32
      %dma_start3A_53 = arith.constant 0 : i32
      %dma_start3A_54 = tpu.memref_slice %arg3[%arg0, %dma_start3A, %dma_start3A_53] : memref<2x10240x16xf32, #tpu.memory_space<hbm>> -> memref<1x10240x16xf32, #tpu.memory_space<hbm>>
      %dma_start3A_55 = tpu.memref_squeeze %dma_start3A_54 : memref<1x10240x16xf32, #tpu.memory_space<hbm>> -> memref<10240x16xf32, #tpu.memory_space<hbm>>
      %dma_start3A_56 = arith.constant 0 : i32
      %dma_start3A_57 = tpu.memref_slice %dma_start3A_55[%add3A_44, %dma_start3A_56] : memref<10240x16xf32, #tpu.memory_space<hbm>> -> memref<128x16xf32, #tpu.memory_space<hbm>>
      %dma_start3A_58 = arith.constant 0 : i32
      %dma_start3A_59 = tpu.memref_slice %arg4[%add3A_44, %dma_start3A_58] : memref<10240x16xf32, #tpu.memory_space<vmem_shared>> -> memref<128x16xf32, #tpu.memory_space<vmem_shared>>
      tpu.enqueue_dma source(%dma_start3A_59 : memref<128x16xf32, #tpu.memory_space<vmem_shared>>) target(%dma_start3A_57 : memref<128x16xf32, #tpu.memory_space<hbm>>) target_semaphore(%run_scoped3A : memref<!tpu.dma_semaphore, #tpu.memory_space<semaphore_mem>>)
      %dma_wait3A = arith.constant 0 : i32
      %dma_wait3A_60 = arith.constant 0 : i32
      %dma_wait3A_61 = tpu.memref_slice %arg3[%arg0, %dma_wait3A, %dma_wait3A_60] : memref<2x10240x16xf32, #tpu.memory_space<hbm>> -> memref<1x10240x16xf32, #tpu.memory_space<hbm>>
      %dma_wait3A_62 = tpu.memref_squeeze %dma_wait3A_61 : memref<1x10240x16xf32, #tpu.memory_space<hbm>> -> memref<10240x16xf32, #tpu.memory_space<hbm>>
      %dma_wait3A_63 = arith.constant 0 : i32
      %dma_wait3A_64 = tpu.memref_slice %dma_wait3A_62[%add3A_44, %dma_wait3A_63] : memref<10240x16xf32, #tpu.memory_space<hbm>> -> memref<128x16xf32, #tpu.memory_space<hbm>>
      %dma_wait3A_65 = arith.constant 0 : i32
      %dma_wait3A_66 = tpu.memref_slice %arg4[%add3A_44, %dma_wait3A_65] : memref<10240x16xf32, #tpu.memory_space<vmem_shared>> -> memref<128x16xf32, #tpu.memory_space<vmem_shared>>
      tpu.wait_dma2 semaphore(%run_scoped3A : memref<!tpu.dma_semaphore, #tpu.memory_space<semaphore_mem>>) src(%dma_wait3A_66 : memref<128x16xf32, #tpu.memory_space<vmem_shared>>) dst(%dma_wait3A_64 : memref<128x16xf32, #tpu.memory_space<hbm>>)
      tpu.yield
    }) : () -> ()
    %mul3A_45 = arith.constant 640 : i32
    %mul3A_46 = arith.muli %arg1, %mul3A_45 : i32
    %add3A_47 = arith.constant 384 : i32
    %add3A_48 = arith.addi %mul3A_46, %add3A_47 : i32
    "tpu.region"() ({
      %run_scoped3A = tpu.sem_alloc : memref<!tpu.dma_semaphore, #tpu.memory_space<semaphore_mem>>
      %dma_start3A = arith.constant 0 : i32
      %dma_start3A_53 = arith.constant 0 : i32
      %dma_start3A_54 = tpu.memref_slice %arg3[%arg0, %dma_start3A, %dma_start3A_53] : memref<2x10240x16xf32, #tpu.memory_space<hbm>> -> memref<1x10240x16xf32, #tpu.memory_space<hbm>>
      %dma_start3A_55 = tpu.memref_squeeze %dma_start3A_54 : memref<1x10240x16xf32, #tpu.memory_space<hbm>> -> memref<10240x16xf32, #tpu.memory_space<hbm>>
      %dma_start3A_56 = arith.constant 0 : i32
      %dma_start3A_57 = tpu.memref_slice %dma_start3A_55[%add3A_48, %dma_start3A_56] : memref<10240x16xf32, #tpu.memory_space<hbm>> -> memref<128x16xf32, #tpu.memory_space<hbm>>
      %dma_start3A_58 = arith.constant 0 : i32
      %dma_start3A_59 = tpu.memref_slice %arg4[%add3A_48, %dma_start3A_58] : memref<10240x16xf32, #tpu.memory_space<vmem_shared>> -> memref<128x16xf32, #tpu.memory_space<vmem_shared>>
      tpu.enqueue_dma source(%dma_start3A_59 : memref<128x16xf32, #tpu.memory_space<vmem_shared>>) target(%dma_start3A_57 : memref<128x16xf32, #tpu.memory_space<hbm>>) target_semaphore(%run_scoped3A : memref<!tpu.dma_semaphore, #tpu.memory_space<semaphore_mem>>)
      %dma_wait3A = arith.constant 0 : i32
      %dma_wait3A_60 = arith.constant 0 : i32
      %dma_wait3A_61 = tpu.memref_slice %arg3[%arg0, %dma_wait3A, %dma_wait3A_60] : memref<2x10240x16xf32, #tpu.memory_space<hbm>> -> memref<1x10240x16xf32, #tpu.memory_space<hbm>>
      %dma_wait3A_62 = tpu.memref_squeeze %dma_wait3A_61 : memref<1x10240x16xf32, #tpu.memory_space<hbm>> -> memref<10240x16xf32, #tpu.memory_space<hbm>>
      %dma_wait3A_63 = arith.constant 0 : i32
      %dma_wait3A_64 = tpu.memref_slice %dma_wait3A_62[%add3A_48, %dma_wait3A_63] : memref<10240x16xf32, #tpu.memory_space<hbm>> -> memref<128x16xf32, #tpu.memory_space<hbm>>
      %dma_wait3A_65 = arith.constant 0 : i32
      %dma_wait3A_66 = tpu.memref_slice %arg4[%add3A_48, %dma_wait3A_65] : memref<10240x16xf32, #tpu.memory_space<vmem_shared>> -> memref<128x16xf32, #tpu.memory_space<vmem_shared>>
      tpu.wait_dma2 semaphore(%run_scoped3A : memref<!tpu.dma_semaphore, #tpu.memory_space<semaphore_mem>>) src(%dma_wait3A_66 : memref<128x16xf32, #tpu.memory_space<vmem_shared>>) dst(%dma_wait3A_64 : memref<128x16xf32, #tpu.memory_space<hbm>>)
      tpu.yield
    }) : () -> ()
    %mul3A_49 = arith.constant 640 : i32
    %mul3A_50 = arith.muli %arg1, %mul3A_49 : i32
    %add3A_51 = arith.constant 512 : i32
    %add3A_52 = arith.addi %mul3A_50, %add3A_51 : i32
    "tpu.region"() ({
      %run_scoped3A = tpu.sem_alloc : memref<!tpu.dma_semaphore, #tpu.memory_space<semaphore_mem>>
      %dma_start3A = arith.constant 0 : i32
      %dma_start3A_53 = arith.constant 0 : i32
      %dma_start3A_54 = tpu.memref_slice %arg3[%arg0, %dma_start3A, %dma_start3A_53] : memref<2x10240x16xf32, #tpu.memory_space<hbm>> -> memref<1x10240x16xf32, #tpu.memory_space<hbm>>
      %dma_start3A_55 = tpu.memref_squeeze %dma_start3A_54 : memref<1x10240x16xf32, #tpu.memory_space<hbm>> -> memref<10240x16xf32, #tpu.memory_space<hbm>>
      %dma_start3A_56 = arith.constant 0 : i32
      %dma_start3A_57 = tpu.memref_slice %dma_start3A_55[%add3A_52, %dma_start3A_56] : memref<10240x16xf32, #tpu.memory_space<hbm>> -> memref<128x16xf32, #tpu.memory_space<hbm>>
      %dma_start3A_58 = arith.constant 0 : i32
      %dma_start3A_59 = tpu.memref_slice %arg4[%add3A_52, %dma_start3A_58] : memref<10240x16xf32, #tpu.memory_space<vmem_shared>> -> memref<128x16xf32, #tpu.memory_space<vmem_shared>>
      tpu.enqueue_dma source(%dma_start3A_59 : memref<128x16xf32, #tpu.memory_space<vmem_shared>>) target(%dma_start3A_57 : memref<128x16xf32, #tpu.memory_space<hbm>>) target_semaphore(%run_scoped3A : memref<!tpu.dma_semaphore, #tpu.memory_space<semaphore_mem>>)
      %dma_wait3A = arith.constant 0 : i32
      %dma_wait3A_60 = arith.constant 0 : i32
      %dma_wait3A_61 = tpu.memref_slice %arg3[%arg0, %dma_wait3A, %dma_wait3A_60] : memref<2x10240x16xf32, #tpu.memory_space<hbm>> -> memref<1x10240x16xf32, #tpu.memory_space<hbm>>
      %dma_wait3A_62 = tpu.memref_squeeze %dma_wait3A_61 : memref<1x10240x16xf32, #tpu.memory_space<hbm>> -> memref<10240x16xf32, #tpu.memory_space<hbm>>
      %dma_wait3A_63 = arith.constant 0 : i32
      %dma_wait3A_64 = tpu.memref_slice %dma_wait3A_62[%add3A_52, %dma_wait3A_63] : memref<10240x16xf32, #tpu.memory_space<hbm>> -> memref<128x16xf32, #tpu.memory_space<hbm>>
      %dma_wait3A_65 = arith.constant 0 : i32
      %dma_wait3A_66 = tpu.memref_slice %arg4[%add3A_52, %dma_wait3A_65] : memref<10240x16xf32, #tpu.memory_space<vmem_shared>> -> memref<128x16xf32, #tpu.memory_space<vmem_shared>>
      tpu.wait_dma2 semaphore(%run_scoped3A : memref<!tpu.dma_semaphore, #tpu.memory_space<semaphore_mem>>) src(%dma_wait3A_66 : memref<128x16xf32, #tpu.memory_space<vmem_shared>>) dst(%dma_wait3A_64 : memref<128x16xf32, #tpu.memory_space<hbm>>)
      tpu.yield
    }) : () -> ()
    return
  }
}

#map = affine_map<(d0, d1) -> (0, 0)>
#map1 = affine_map<(d0, d1) -> (0, 0, 0)>
module attributes {stable_mosaic.version = 14 : i64} {
  func.func @_sc_agg(%arg0: i32, %arg1: i32, %arg2: memref<10000x64xf32, #tpu.memory_space<hbm>>, %arg3: memref<32x79x128xi32, #tpu.memory_space<hbm>>, %arg4: memref<32x79x128xi32, #tpu.memory_space<hbm>>, %arg5: memref<2x10240x64xf32, #tpu.memory_space<hbm>>, %arg6: memref<10240x64xf32, #tpu.memory_space<vmem_shared>>, %arg7: memref<79x128xi32, #tpu.memory_space<vmem>>, %arg8: memref<79x128xi32, #tpu.memory_space<vmem>>, %arg9: memref<128x64xf32, #tpu.memory_space<vmem>>, %arg10: memref<128x64xf32, #tpu.memory_space<vmem>>, %arg11: memref<128x64xf32, #tpu.memory_space<vmem>>, %arg12: memref<!tpu.dma_semaphore, #tpu.memory_space<semaphore_mem>>, %arg13: memref<!tpu.dma_semaphore, #tpu.memory_space<semaphore_mem>>) attributes {dimension_semantics = [#tpu.dimension_semantics<core_parallel>, #tpu.dimension_semantics<subcore_parallel>], iteration_bounds = array<i64: 2, 16>, scalar_prefetch = 0 : i64, scratch_operands = 8 : i64, tpu.core_type = #tpu.core_type<sc_vector_subcore>, window_params = [{transform_indices = #map}, {transform_indices = #map1}, {transform_indices = #map1}, {transform_indices = #map1}]} {
    %mul3A = arith.constant 2 : i32
    %mul3A_0 = arith.muli %arg1, %mul3A : i32
    %add3A = arith.addi %mul3A_0, %arg0 : i32
    %scan3A = arith.constant 0 : i32
    %scan3A_1 = arith.constant 0 : i32
    %scan3A_2 = arith.constant 512 : i32
    %scan3A_3 = arith.addi %scan3A_1, %scan3A_2 : i32
    %scan3A_4 = arith.constant 1 : i32
    scf.for %scan3A_65 = %scan3A_1 to %scan3A_3 step %scan3A_4  : i32 {
      %broadcast_in_dim3A = arith.constant 0.000000e+00 : f32
      %broadcast_in_dim3A_66 = vector.broadcast %broadcast_in_dim3A : f32 to vector<16xf32>
      %jit3A = arith.constant 4 : i32
      %div3A = arith.divsi %scan3A_65, %jit3A : i32
      %sign3A = arith.constant 0 : i32
      %sign3A_67 = arith.cmpi sgt, %scan3A_65, %sign3A : i32
      %sign3A_68 = arith.extui %sign3A_67 : i1 to i32
      %sign3A_69 = arith.constant 0 : i32
      %sign3A_70 = arith.cmpi slt, %scan3A_65, %sign3A_69 : i32
      %sign3A_71 = arith.extui %sign3A_70 : i1 to i32
      %sign3A_72 = arith.subi %sign3A_68, %sign3A_71 : i32
      %sign3A_73 = arith.constant 0 : i32
      %sign3A_74 = arith.cmpi sgt, %jit3A, %sign3A_73 : i32
      %sign3A_75 = arith.extui %sign3A_74 : i1 to i32
      %sign3A_76 = arith.constant 0 : i32
      %sign3A_77 = arith.cmpi slt, %jit3A, %sign3A_76 : i32
      %sign3A_78 = arith.extui %sign3A_77 : i1 to i32
      %sign3A_79 = arith.subi %sign3A_75, %sign3A_78 : i32
      %ne3A = arith.cmpi ne, %sign3A_72, %sign3A_79 : i32
      %rem3A = arith.remsi %scan3A_65, %jit3A : i32
      %ne3A_80 = arith.constant 0 : i32
      %ne3A_81 = arith.cmpi ne, %rem3A, %ne3A_80 : i32
      %and3A = arith.andi %ne3A, %ne3A_81 : i1
      %sub3A = arith.constant 1 : i32
      %sub3A_82 = arith.subi %div3A, %sub3A : i32
      %select_n3A = arith.select %and3A, %sub3A_82, %div3A : i32
      %jit3A_83 = arith.constant 4 : i32
      %eq3A = arith.constant 0 : i32
      %eq3A_84 = arith.cmpi eq, %jit3A_83, %eq3A : i32
      %jit3A_85 = arith.constant 1 : i32
      %select_n3A_86 = arith.select %eq3A_84, %jit3A_85, %jit3A_83 : i32
      %rem3A_87 = arith.remsi %scan3A_65, %select_n3A_86 : i32
      %ne3A_88 = arith.constant 0 : i32
      %ne3A_89 = arith.cmpi ne, %rem3A_87, %ne3A_88 : i32
      %lt3A = arith.constant 0 : i32
      %lt3A_90 = arith.cmpi slt, %rem3A_87, %lt3A : i32
      %lt3A_91 = arith.constant 0 : i32
      %lt3A_92 = arith.cmpi slt, %select_n3A_86, %lt3A_91 : i32
      %ne3A_93 = arith.xori %lt3A_90, %lt3A_92 : i1
      %and3A_94 = arith.andi %ne3A_93, %ne3A_89 : i1
      %add3A_95 = arith.addi %rem3A_87, %select_n3A_86 : i32
      %select_n3A_96 = arith.select %and3A_94, %add3A_95, %rem3A_87 : i32
      %mul3A_97 = arith.constant 16 : i32
      %mul3A_98 = arith.muli %select_n3A_96, %mul3A_97 : i32
      %swap3A = arith.index_cast %select_n3A : i32 to index
      %swap3A_99 = arith.index_cast %mul3A_98 : i32 to index
      %swap3A_100 = tpu.vector_load %arg11[%swap3A, %swap3A_99] {strides = array<i32>} : memref<128x64xf32, #tpu.memory_space<vmem>>, vector<16xf32>,
      tpu.vector_store %arg11[%swap3A, %swap3A_99], %broadcast_in_dim3A_66 {strides = array<i32>} : memref<128x64xf32, #tpu.memory_space<vmem>>, vector<16xf32>,
    }
    %scan3A_5 = arith.constant 512 : i32
    %mul3A_6 = arith.constant 640 : i32
    %mul3A_7 = arith.muli %arg1, %mul3A_6 : i32
    %add3A_8 = arith.constant 0 : i32
    %add3A_9 = arith.addi %mul3A_7, %add3A_8 : i32
    "tpu.region"() ({
      %run_scoped3A_65 = tpu.sem_alloc : memref<!tpu.dma_semaphore, #tpu.memory_space<semaphore_mem>>
      %dma_start3A_66 = arith.constant 0 : i32
      %dma_start3A_67 = tpu.memref_slice %arg6[%add3A_9, %dma_start3A_66] : memref<10240x64xf32, #tpu.memory_space<vmem_shared>> -> memref<128x64xf32, #tpu.memory_space<vmem_shared>>
      %dma_start3A_68 = arith.constant 0 : i32
      %dma_start3A_69 = tpu.memref_slice %arg6[%add3A_9, %dma_start3A_68] : memref<10240x64xf32, #tpu.memory_space<vmem_shared>> -> memref<128x64xf32, #tpu.memory_space<vmem_shared>>
      tpu.enqueue_dma source(%arg11 : memref<128x64xf32, #tpu.memory_space<vmem>>) target(%dma_start3A_69 : memref<128x64xf32, #tpu.memory_space<vmem_shared>>) target_semaphore(%run_scoped3A_65 : memref<!tpu.dma_semaphore, #tpu.memory_space<semaphore_mem>>)
      %dma_wait3A_70 = arith.constant 0 : i32
      %dma_wait3A_71 = tpu.memref_slice %arg6[%add3A_9, %dma_wait3A_70] : memref<10240x64xf32, #tpu.memory_space<vmem_shared>> -> memref<128x64xf32, #tpu.memory_space<vmem_shared>>
      %dma_wait3A_72 = arith.constant 0 : i32
      %dma_wait3A_73 = tpu.memref_slice %arg6[%add3A_9, %dma_wait3A_72] : memref<10240x64xf32, #tpu.memory_space<vmem_shared>> -> memref<128x64xf32, #tpu.memory_space<vmem_shared>>
      tpu.wait_dma2 semaphore(%run_scoped3A_65 : memref<!tpu.dma_semaphore, #tpu.memory_space<semaphore_mem>>) src(%arg11 : memref<128x64xf32, #tpu.memory_space<vmem>>) dst(%dma_wait3A_73 : memref<128x64xf32, #tpu.memory_space<vmem_shared>>)
      tpu.yield
    }) : () -> ()
    %mul3A_10 = arith.constant 640 : i32
    %mul3A_11 = arith.muli %arg1, %mul3A_10 : i32
    %add3A_12 = arith.constant 128 : i32
    %add3A_13 = arith.addi %mul3A_11, %add3A_12 : i32
    "tpu.region"() ({
      %run_scoped3A_65 = tpu.sem_alloc : memref<!tpu.dma_semaphore, #tpu.memory_space<semaphore_mem>>
      %dma_start3A_66 = arith.constant 0 : i32
      %dma_start3A_67 = tpu.memref_slice %arg6[%add3A_13, %dma_start3A_66] : memref<10240x64xf32, #tpu.memory_space<vmem_shared>> -> memref<128x64xf32, #tpu.memory_space<vmem_shared>>
      %dma_start3A_68 = arith.constant 0 : i32
      %dma_start3A_69 = tpu.memref_slice %arg6[%add3A_13, %dma_start3A_68] : memref<10240x64xf32, #tpu.memory_space<vmem_shared>> -> memref<128x64xf32, #tpu.memory_space<vmem_shared>>
      tpu.enqueue_dma source(%arg11 : memref<128x64xf32, #tpu.memory_space<vmem>>) target(%dma_start3A_69 : memref<128x64xf32, #tpu.memory_space<vmem_shared>>) target_semaphore(%run_scoped3A_65 : memref<!tpu.dma_semaphore, #tpu.memory_space<semaphore_mem>>)
      %dma_wait3A_70 = arith.constant 0 : i32
      %dma_wait3A_71 = tpu.memref_slice %arg6[%add3A_13, %dma_wait3A_70] : memref<10240x64xf32, #tpu.memory_space<vmem_shared>> -> memref<128x64xf32, #tpu.memory_space<vmem_shared>>
      %dma_wait3A_72 = arith.constant 0 : i32
      %dma_wait3A_73 = tpu.memref_slice %arg6[%add3A_13, %dma_wait3A_72] : memref<10240x64xf32, #tpu.memory_space<vmem_shared>> -> memref<128x64xf32, #tpu.memory_space<vmem_shared>>
      tpu.wait_dma2 semaphore(%run_scoped3A_65 : memref<!tpu.dma_semaphore, #tpu.memory_space<semaphore_mem>>) src(%arg11 : memref<128x64xf32, #tpu.memory_space<vmem>>) dst(%dma_wait3A_73 : memref<128x64xf32, #tpu.memory_space<vmem_shared>>)
      tpu.yield
    }) : () -> ()
    %mul3A_14 = arith.constant 640 : i32
    %mul3A_15 = arith.muli %arg1, %mul3A_14 : i32
    %add3A_16 = arith.constant 256 : i32
    %add3A_17 = arith.addi %mul3A_15, %add3A_16 : i32
    "tpu.region"() ({
      %run_scoped3A_65 = tpu.sem_alloc : memref<!tpu.dma_semaphore, #tpu.memory_space<semaphore_mem>>
      %dma_start3A_66 = arith.constant 0 : i32
      %dma_start3A_67 = tpu.memref_slice %arg6[%add3A_17, %dma_start3A_66] : memref<10240x64xf32, #tpu.memory_space<vmem_shared>> -> memref<128x64xf32, #tpu.memory_space<vmem_shared>>
      %dma_start3A_68 = arith.constant 0 : i32
      %dma_start3A_69 = tpu.memref_slice %arg6[%add3A_17, %dma_start3A_68] : memref<10240x64xf32, #tpu.memory_space<vmem_shared>> -> memref<128x64xf32, #tpu.memory_space<vmem_shared>>
      tpu.enqueue_dma source(%arg11 : memref<128x64xf32, #tpu.memory_space<vmem>>) target(%dma_start3A_69 : memref<128x64xf32, #tpu.memory_space<vmem_shared>>) target_semaphore(%run_scoped3A_65 : memref<!tpu.dma_semaphore, #tpu.memory_space<semaphore_mem>>)
      %dma_wait3A_70 = arith.constant 0 : i32
      %dma_wait3A_71 = tpu.memref_slice %arg6[%add3A_17, %dma_wait3A_70] : memref<10240x64xf32, #tpu.memory_space<vmem_shared>> -> memref<128x64xf32, #tpu.memory_space<vmem_shared>>
      %dma_wait3A_72 = arith.constant 0 : i32
      %dma_wait3A_73 = tpu.memref_slice %arg6[%add3A_17, %dma_wait3A_72] : memref<10240x64xf32, #tpu.memory_space<vmem_shared>> -> memref<128x64xf32, #tpu.memory_space<vmem_shared>>
      tpu.wait_dma2 semaphore(%run_scoped3A_65 : memref<!tpu.dma_semaphore, #tpu.memory_space<semaphore_mem>>) src(%arg11 : memref<128x64xf32, #tpu.memory_space<vmem>>) dst(%dma_wait3A_73 : memref<128x64xf32, #tpu.memory_space<vmem_shared>>)
      tpu.yield
    }) : () -> ()
    %mul3A_18 = arith.constant 640 : i32
    %mul3A_19 = arith.muli %arg1, %mul3A_18 : i32
    %add3A_20 = arith.constant 384 : i32
    %add3A_21 = arith.addi %mul3A_19, %add3A_20 : i32
    "tpu.region"() ({
      %run_scoped3A_65 = tpu.sem_alloc : memref<!tpu.dma_semaphore, #tpu.memory_space<semaphore_mem>>
      %dma_start3A_66 = arith.constant 0 : i32
      %dma_start3A_67 = tpu.memref_slice %arg6[%add3A_21, %dma_start3A_66] : memref<10240x64xf32, #tpu.memory_space<vmem_shared>> -> memref<128x64xf32, #tpu.memory_space<vmem_shared>>
      %dma_start3A_68 = arith.constant 0 : i32
      %dma_start3A_69 = tpu.memref_slice %arg6[%add3A_21, %dma_start3A_68] : memref<10240x64xf32, #tpu.memory_space<vmem_shared>> -> memref<128x64xf32, #tpu.memory_space<vmem_shared>>
      tpu.enqueue_dma source(%arg11 : memref<128x64xf32, #tpu.memory_space<vmem>>) target(%dma_start3A_69 : memref<128x64xf32, #tpu.memory_space<vmem_shared>>) target_semaphore(%run_scoped3A_65 : memref<!tpu.dma_semaphore, #tpu.memory_space<semaphore_mem>>)
      %dma_wait3A_70 = arith.constant 0 : i32
      %dma_wait3A_71 = tpu.memref_slice %arg6[%add3A_21, %dma_wait3A_70] : memref<10240x64xf32, #tpu.memory_space<vmem_shared>> -> memref<128x64xf32, #tpu.memory_space<vmem_shared>>
      %dma_wait3A_72 = arith.constant 0 : i32
      %dma_wait3A_73 = tpu.memref_slice %arg6[%add3A_21, %dma_wait3A_72] : memref<10240x64xf32, #tpu.memory_space<vmem_shared>> -> memref<128x64xf32, #tpu.memory_space<vmem_shared>>
      tpu.wait_dma2 semaphore(%run_scoped3A_65 : memref<!tpu.dma_semaphore, #tpu.memory_space<semaphore_mem>>) src(%arg11 : memref<128x64xf32, #tpu.memory_space<vmem>>) dst(%dma_wait3A_73 : memref<128x64xf32, #tpu.memory_space<vmem_shared>>)
      tpu.yield
    }) : () -> ()
    %mul3A_22 = arith.constant 640 : i32
    %mul3A_23 = arith.muli %arg1, %mul3A_22 : i32
    %add3A_24 = arith.constant 512 : i32
    %add3A_25 = arith.addi %mul3A_23, %add3A_24 : i32
    "tpu.region"() ({
      %run_scoped3A_65 = tpu.sem_alloc : memref<!tpu.dma_semaphore, #tpu.memory_space<semaphore_mem>>
      %dma_start3A_66 = arith.constant 0 : i32
      %dma_start3A_67 = tpu.memref_slice %arg6[%add3A_25, %dma_start3A_66] : memref<10240x64xf32, #tpu.memory_space<vmem_shared>> -> memref<128x64xf32, #tpu.memory_space<vmem_shared>>
      %dma_start3A_68 = arith.constant 0 : i32
      %dma_start3A_69 = tpu.memref_slice %arg6[%add3A_25, %dma_start3A_68] : memref<10240x64xf32, #tpu.memory_space<vmem_shared>> -> memref<128x64xf32, #tpu.memory_space<vmem_shared>>
      tpu.enqueue_dma source(%arg11 : memref<128x64xf32, #tpu.memory_space<vmem>>) target(%dma_start3A_69 : memref<128x64xf32, #tpu.memory_space<vmem_shared>>) target_semaphore(%run_scoped3A_65 : memref<!tpu.dma_semaphore, #tpu.memory_space<semaphore_mem>>)
      %dma_wait3A_70 = arith.constant 0 : i32
      %dma_wait3A_71 = tpu.memref_slice %arg6[%add3A_25, %dma_wait3A_70] : memref<10240x64xf32, #tpu.memory_space<vmem_shared>> -> memref<128x64xf32, #tpu.memory_space<vmem_shared>>
      %dma_wait3A_72 = arith.constant 0 : i32
      %dma_wait3A_73 = tpu.memref_slice %arg6[%add3A_25, %dma_wait3A_72] : memref<10240x64xf32, #tpu.memory_space<vmem_shared>> -> memref<128x64xf32, #tpu.memory_space<vmem_shared>>
      tpu.wait_dma2 semaphore(%run_scoped3A_65 : memref<!tpu.dma_semaphore, #tpu.memory_space<semaphore_mem>>) src(%arg11 : memref<128x64xf32, #tpu.memory_space<vmem>>) dst(%dma_wait3A_73 : memref<128x64xf32, #tpu.memory_space<vmem_shared>>)
      tpu.yield
    }) : () -> ()
    %barrier3A = arith.constant 0 : index
    tpu.barrier barrier_id(%barrier3A)
    "tpu.region"() ({
      %run_scoped3A_65 = tpu.sem_alloc : memref<!tpu.dma_semaphore, #tpu.memory_space<semaphore_mem>>
      %dma_start3A_66 = arith.constant 0 : i32
      %dma_start3A_67 = arith.constant 0 : i32
      %dma_start3A_68 = tpu.memref_slice %arg3[%add3A, %dma_start3A_66, %dma_start3A_67] : memref<32x79x128xi32, #tpu.memory_space<hbm>> -> memref<1x79x128xi32, #tpu.memory_space<hbm>>
      %dma_start3A_69 = tpu.memref_squeeze %dma_start3A_68 : memref<1x79x128xi32, #tpu.memory_space<hbm>> -> memref<79x128xi32, #tpu.memory_space<hbm>>
      %dma_start3A_70 = arith.constant 0 : i32
      %dma_start3A_71 = arith.constant 0 : i32
      %dma_start3A_72 = tpu.memref_slice %arg3[%add3A, %dma_start3A_70, %dma_start3A_71] : memref<32x79x128xi32, #tpu.memory_space<hbm>> -> memref<1x79x128xi32, #tpu.memory_space<hbm>>
      %dma_start3A_73 = tpu.memref_squeeze %dma_start3A_72 : memref<1x79x128xi32, #tpu.memory_space<hbm>> -> memref<79x128xi32, #tpu.memory_space<hbm>>
      tpu.enqueue_dma source(%dma_start3A_73 : memref<79x128xi32, #tpu.memory_space<hbm>>) target(%arg7 : memref<79x128xi32, #tpu.memory_space<vmem>>) target_semaphore(%run_scoped3A_65 : memref<!tpu.dma_semaphore, #tpu.memory_space<semaphore_mem>>)
      %dma_wait3A_74 = arith.constant 0 : i32
      %dma_wait3A_75 = arith.constant 0 : i32
      %dma_wait3A_76 = tpu.memref_slice %arg3[%add3A, %dma_wait3A_74, %dma_wait3A_75] : memref<32x79x128xi32, #tpu.memory_space<hbm>> -> memref<1x79x128xi32, #tpu.memory_space<hbm>>
      %dma_wait3A_77 = tpu.memref_squeeze %dma_wait3A_76 : memref<1x79x128xi32, #tpu.memory_space<hbm>> -> memref<79x128xi32, #tpu.memory_space<hbm>>
      %dma_wait3A_78 = arith.constant 0 : i32
      %dma_wait3A_79 = arith.constant 0 : i32
      %dma_wait3A_80 = tpu.memref_slice %arg3[%add3A, %dma_wait3A_78, %dma_wait3A_79] : memref<32x79x128xi32, #tpu.memory_space<hbm>> -> memref<1x79x128xi32, #tpu.memory_space<hbm>>
      %dma_wait3A_81 = tpu.memref_squeeze %dma_wait3A_80 : memref<1x79x128xi32, #tpu.memory_space<hbm>> -> memref<79x128xi32, #tpu.memory_space<hbm>>
      tpu.wait_dma2 semaphore(%run_scoped3A_65 : memref<!tpu.dma_semaphore, #tpu.memory_space<semaphore_mem>>) src(%dma_wait3A_81 : memref<79x128xi32, #tpu.memory_space<hbm>>) dst(%arg7 : memref<79x128xi32, #tpu.memory_space<vmem>>)
      tpu.yield
    }) : () -> ()
    "tpu.region"() ({
      %run_scoped3A_65 = tpu.sem_alloc : memref<!tpu.dma_semaphore, #tpu.memory_space<semaphore_mem>>
      %dma_start3A_66 = arith.constant 0 : i32
      %dma_start3A_67 = arith.constant 0 : i32
      %dma_start3A_68 = tpu.memref_slice %arg4[%add3A, %dma_start3A_66, %dma_start3A_67] : memref<32x79x128xi32, #tpu.memory_space<hbm>> -> memref<1x79x128xi32, #tpu.memory_space<hbm>>
      %dma_start3A_69 = tpu.memref_squeeze %dma_start3A_68 : memref<1x79x128xi32, #tpu.memory_space<hbm>> -> memref<79x128xi32, #tpu.memory_space<hbm>>
      %dma_start3A_70 = arith.constant 0 : i32
      %dma_start3A_71 = arith.constant 0 : i32
      %dma_start3A_72 = tpu.memref_slice %arg4[%add3A, %dma_start3A_70, %dma_start3A_71] : memref<32x79x128xi32, #tpu.memory_space<hbm>> -> memref<1x79x128xi32, #tpu.memory_space<hbm>>
      %dma_start3A_73 = tpu.memref_squeeze %dma_start3A_72 : memref<1x79x128xi32, #tpu.memory_space<hbm>> -> memref<79x128xi32, #tpu.memory_space<hbm>>
      tpu.enqueue_dma source(%dma_start3A_73 : memref<79x128xi32, #tpu.memory_space<hbm>>) target(%arg8 : memref<79x128xi32, #tpu.memory_space<vmem>>) target_semaphore(%run_scoped3A_65 : memref<!tpu.dma_semaphore, #tpu.memory_space<semaphore_mem>>)
      %dma_wait3A_74 = arith.constant 0 : i32
      %dma_wait3A_75 = arith.constant 0 : i32
      %dma_wait3A_76 = tpu.memref_slice %arg4[%add3A, %dma_wait3A_74, %dma_wait3A_75] : memref<32x79x128xi32, #tpu.memory_space<hbm>> -> memref<1x79x128xi32, #tpu.memory_space<hbm>>
      %dma_wait3A_77 = tpu.memref_squeeze %dma_wait3A_76 : memref<1x79x128xi32, #tpu.memory_space<hbm>> -> memref<79x128xi32, #tpu.memory_space<hbm>>
      %dma_wait3A_78 = arith.constant 0 : i32
      %dma_wait3A_79 = arith.constant 0 : i32
      %dma_wait3A_80 = tpu.memref_slice %arg4[%add3A, %dma_wait3A_78, %dma_wait3A_79] : memref<32x79x128xi32, #tpu.memory_space<hbm>> -> memref<1x79x128xi32, #tpu.memory_space<hbm>>
      %dma_wait3A_81 = tpu.memref_squeeze %dma_wait3A_80 : memref<1x79x128xi32, #tpu.memory_space<hbm>> -> memref<79x128xi32, #tpu.memory_space<hbm>>
      tpu.wait_dma2 semaphore(%run_scoped3A_65 : memref<!tpu.dma_semaphore, #tpu.memory_space<semaphore_mem>>) src(%dma_wait3A_81 : memref<79x128xi32, #tpu.memory_space<hbm>>) dst(%arg8 : memref<79x128xi32, #tpu.memory_space<vmem>>)
      tpu.yield
    }) : () -> ()
    %dma_start3A = arith.constant 0 : i32
    %dma_start3A_26 = arith.constant 0 : i32
    %dma_start3A_27 = tpu.memref_slice %arg7[%dma_start3A, %dma_start3A_26] : memref<79x128xi32, #tpu.memory_space<vmem>> -> memref<1x128xi32, #tpu.memory_space<vmem>>
    %dma_start3A_28 = tpu.memref_squeeze %dma_start3A_27 : memref<1x128xi32, #tpu.memory_space<vmem>> -> memref<128xi32, #tpu.memory_space<vmem>>
    %dma_start3A_29 = arith.constant 0 : i32
    %dma_start3A_30 = arith.constant 0 : i32
    %dma_start3A_31 = tpu.memref_slice %arg2[%dma_start3A_29, %dma_start3A_30] : memref<10000x64xf32, #tpu.memory_space<hbm>> -> memref<10000x64xf32, #tpu.memory_space<hbm>>
    tpu.enqueue_indirect_dma source(%dma_start3A_31 : memref<10000x64xf32, #tpu.memory_space<hbm>>) target(%arg9 : memref<128x64xf32, #tpu.memory_space<vmem>>) offsets(%dma_start3A_28 : memref<128xi32, #tpu.memory_space<vmem>>) semaphore(%arg12 : memref<!tpu.dma_semaphore, #tpu.memory_space<semaphore_mem>>)
    %scan3A_32 = arith.constant 0 : i32
    %scan3A_33 = arith.constant 0 : i32
    %scan3A_34 = arith.constant 39 : i32
    %scan3A_35 = arith.addi %scan3A_33, %scan3A_34 : i32
    %scan3A_36 = arith.constant 1 : i32
    scf.for %scan3A_65 = %scan3A_33 to %scan3A_35 step %scan3A_36  : i32 {
      %mul3A_66 = arith.constant 2 : i32
      %mul3A_67 = arith.muli %mul3A_66, %scan3A_65 : i32
      %dma_wait3A_68 = arith.constant 0 : i32
      %dma_wait3A_69 = tpu.memref_slice %arg7[%mul3A_67, %dma_wait3A_68] : memref<79x128xi32, #tpu.memory_space<vmem>> -> memref<1x128xi32, #tpu.memory_space<vmem>>
      %dma_wait3A_70 = tpu.memref_squeeze %dma_wait3A_69 : memref<1x128xi32, #tpu.memory_space<vmem>> -> memref<128xi32, #tpu.memory_space<vmem>>
      %dma_wait3A_71 = arith.constant 0 : i32
      %dma_wait3A_72 = arith.constant 0 : i32
      %dma_wait3A_73 = tpu.memref_slice %arg2[%dma_wait3A_71, %dma_wait3A_72] : memref<10000x64xf32, #tpu.memory_space<hbm>> -> memref<10000x64xf32, #tpu.memory_space<hbm>>
      tpu.wait_indirect_dma semaphore(%arg12 : memref<!tpu.dma_semaphore, #tpu.memory_space<semaphore_mem>>) src(%dma_wait3A_73 : memref<10000x64xf32, #tpu.memory_space<hbm>>) dst(%arg9 : memref<128x64xf32, #tpu.memory_space<vmem>>)
      %mul3A_74 = arith.constant 2 : i32
      %mul3A_75 = arith.muli %mul3A_74, %scan3A_65 : i32
      %add3A_76 = arith.constant 1 : i32
      %add3A_77 = arith.addi %mul3A_75, %add3A_76 : i32
      %dma_start3A_78 = arith.constant 0 : i32
      %dma_start3A_79 = tpu.memref_slice %arg7[%add3A_77, %dma_start3A_78] : memref<79x128xi32, #tpu.memory_space<vmem>> -> memref<1x128xi32, #tpu.memory_space<vmem>>
      %dma_start3A_80 = tpu.memref_squeeze %dma_start3A_79 : memref<1x128xi32, #tpu.memory_space<vmem>> -> memref<128xi32, #tpu.memory_space<vmem>>
      %dma_start3A_81 = arith.constant 0 : i32
      %dma_start3A_82 = arith.constant 0 : i32
      %dma_start3A_83 = tpu.memref_slice %arg2[%dma_start3A_81, %dma_start3A_82] : memref<10000x64xf32, #tpu.memory_space<hbm>> -> memref<10000x64xf32, #tpu.memory_space<hbm>>
      tpu.enqueue_indirect_dma source(%dma_start3A_83 : memref<10000x64xf32, #tpu.memory_space<hbm>>) target(%arg10 : memref<128x64xf32, #tpu.memory_space<vmem>>) offsets(%dma_start3A_80 : memref<128xi32, #tpu.memory_space<vmem>>) semaphore(%arg13 : memref<!tpu.dma_semaphore, #tpu.memory_space<semaphore_mem>>)
      %mul3A_84 = arith.constant 2 : i32
      %mul3A_85 = arith.muli %mul3A_84, %scan3A_65 : i32
      "tpu.region"() ({
        %run_scoped3A_110 = tpu.sem_alloc : memref<!tpu.dma_semaphore, #tpu.memory_space<semaphore_mem>>
        %dma_start3A_111 = arith.constant 0 : i32
        %dma_start3A_112 = tpu.memref_slice %arg8[%mul3A_85, %dma_start3A_111] : memref<79x128xi32, #tpu.memory_space<vmem>> -> memref<1x128xi32, #tpu.memory_space<vmem>>
        %dma_start3A_113 = tpu.memref_squeeze %dma_start3A_112 : memref<1x128xi32, #tpu.memory_space<vmem>> -> memref<128xi32, #tpu.memory_space<vmem>>
        %dma_start3A_114 = arith.constant 0 : i32
        %dma_start3A_115 = arith.constant 0 : i32
        %dma_start3A_116 = tpu.memref_slice %arg6[%dma_start3A_114, %dma_start3A_115] : memref<10240x64xf32, #tpu.memory_space<vmem_shared>> -> memref<10240x64xf32, #tpu.memory_space<vmem_shared>>
        tpu.enqueue_indirect_dma source(%arg9 : memref<128x64xf32, #tpu.memory_space<vmem>>) target(%dma_start3A_116 : memref<10240x64xf32, #tpu.memory_space<vmem_shared>>) offsets(%dma_start3A_113 : memref<128xi32, #tpu.memory_space<vmem>>) semaphore(%run_scoped3A_110 : memref<!tpu.dma_semaphore, #tpu.memory_space<semaphore_mem>>) {add = true}
        %dma_wait3A_117 = arith.constant 0 : i32
        %dma_wait3A_118 = tpu.memref_slice %arg8[%mul3A_85, %dma_wait3A_117] : memref<79x128xi32, #tpu.memory_space<vmem>> -> memref<1x128xi32, #tpu.memory_space<vmem>>
        %dma_wait3A_119 = tpu.memref_squeeze %dma_wait3A_118 : memref<1x128xi32, #tpu.memory_space<vmem>> -> memref<128xi32, #tpu.memory_space<vmem>>
        %dma_wait3A_120 = arith.constant 0 : i32
        %dma_wait3A_121 = arith.constant 0 : i32
        %dma_wait3A_122 = tpu.memref_slice %arg6[%dma_wait3A_120, %dma_wait3A_121] : memref<10240x64xf32, #tpu.memory_space<vmem_shared>> -> memref<10240x64xf32, #tpu.memory_space<vmem_shared>>
        tpu.wait_indirect_dma semaphore(%run_scoped3A_110 : memref<!tpu.dma_semaphore, #tpu.memory_space<semaphore_mem>>) src(%arg9 : memref<128x64xf32, #tpu.memory_space<vmem>>) dst(%dma_wait3A_122 : memref<10240x64xf32, #tpu.memory_space<vmem_shared>>)
        tpu.yield
      }) : () -> ()
      %mul3A_86 = arith.constant 2 : i32
      %mul3A_87 = arith.muli %mul3A_86, %scan3A_65 : i32
      %add3A_88 = arith.constant 1 : i32
      %add3A_89 = arith.addi %mul3A_87, %add3A_88 : i32
      %dma_wait3A_90 = arith.constant 0 : i32
      %dma_wait3A_91 = tpu.memref_slice %arg7[%add3A_89, %dma_wait3A_90] : memref<79x128xi32, #tpu.memory_space<vmem>> -> memref<1x128xi32, #tpu.memory_space<vmem>>
      %dma_wait3A_92 = tpu.memref_squeeze %dma_wait3A_91 : memref<1x128xi32, #tpu.memory_space<vmem>> -> memref<128xi32, #tpu.memory_space<vmem>>
      %dma_wait3A_93 = arith.constant 0 : i32
      %dma_wait3A_94 = arith.constant 0 : i32
      %dma_wait3A_95 = tpu.memref_slice %arg2[%dma_wait3A_93, %dma_wait3A_94] : memref<10000x64xf32, #tpu.memory_space<hbm>> -> memref<10000x64xf32, #tpu.memory_space<hbm>>
      tpu.wait_indirect_dma semaphore(%arg13 : memref<!tpu.dma_semaphore, #tpu.memory_space<semaphore_mem>>) src(%dma_wait3A_95 : memref<10000x64xf32, #tpu.memory_space<hbm>>) dst(%arg10 : memref<128x64xf32, #tpu.memory_space<vmem>>)
      %mul3A_96 = arith.constant 2 : i32
      %mul3A_97 = arith.muli %mul3A_96, %scan3A_65 : i32
      %add3A_98 = arith.constant 2 : i32
      %add3A_99 = arith.addi %mul3A_97, %add3A_98 : i32
      %dma_start3A_100 = arith.constant 0 : i32
      %dma_start3A_101 = tpu.memref_slice %arg7[%add3A_99, %dma_start3A_100] : memref<79x128xi32, #tpu.memory_space<vmem>> -> memref<1x128xi32, #tpu.memory_space<vmem>>
      %dma_start3A_102 = tpu.memref_squeeze %dma_start3A_101 : memref<1x128xi32, #tpu.memory_space<vmem>> -> memref<128xi32, #tpu.memory_space<vmem>>
      %dma_start3A_103 = arith.constant 0 : i32
      %dma_start3A_104 = arith.constant 0 : i32
      %dma_start3A_105 = tpu.memref_slice %arg2[%dma_start3A_103, %dma_start3A_104] : memref<10000x64xf32, #tpu.memory_space<hbm>> -> memref<10000x64xf32, #tpu.memory_space<hbm>>
      tpu.enqueue_indirect_dma source(%dma_start3A_105 : memref<10000x64xf32, #tpu.memory_space<hbm>>) target(%arg9 : memref<128x64xf32, #tpu.memory_space<vmem>>) offsets(%dma_start3A_102 : memref<128xi32, #tpu.memory_space<vmem>>) semaphore(%arg12 : memref<!tpu.dma_semaphore, #tpu.memory_space<semaphore_mem>>)
      %mul3A_106 = arith.constant 2 : i32
      %mul3A_107 = arith.muli %mul3A_106, %scan3A_65 : i32
      %add3A_108 = arith.constant 1 : i32
      %add3A_109 = arith.addi %mul3A_107, %add3A_108 : i32
      "tpu.region"() ({
        %run_scoped3A_110 = tpu.sem_alloc : memref<!tpu.dma_semaphore, #tpu.memory_space<semaphore_mem>>
        %dma_start3A_111 = arith.constant 0 : i32
        %dma_start3A_112 = tpu.memref_slice %arg8[%add3A_109, %dma_start3A_111] : memref<79x128xi32, #tpu.memory_space<vmem>> -> memref<1x128xi32, #tpu.memory_space<vmem>>
        %dma_start3A_113 = tpu.memref_squeeze %dma_start3A_112 : memref<1x128xi32, #tpu.memory_space<vmem>> -> memref<128xi32, #tpu.memory_space<vmem>>
        %dma_start3A_114 = arith.constant 0 : i32
        %dma_start3A_115 = arith.constant 0 : i32
        %dma_start3A_116 = tpu.memref_slice %arg6[%dma_start3A_114, %dma_start3A_115] : memref<10240x64xf32, #tpu.memory_space<vmem_shared>> -> memref<10240x64xf32, #tpu.memory_space<vmem_shared>>
        tpu.enqueue_indirect_dma source(%arg10 : memref<128x64xf32, #tpu.memory_space<vmem>>) target(%dma_start3A_116 : memref<10240x64xf32, #tpu.memory_space<vmem_shared>>) offsets(%dma_start3A_113 : memref<128xi32, #tpu.memory_space<vmem>>) semaphore(%run_scoped3A_110 : memref<!tpu.dma_semaphore, #tpu.memory_space<semaphore_mem>>) {add = true}
        %dma_wait3A_117 = arith.constant 0 : i32
        %dma_wait3A_118 = tpu.memref_slice %arg8[%add3A_109, %dma_wait3A_117] : memref<79x128xi32, #tpu.memory_space<vmem>> -> memref<1x128xi32, #tpu.memory_space<vmem>>
        %dma_wait3A_119 = tpu.memref_squeeze %dma_wait3A_118 : memref<1x128xi32, #tpu.memory_space<vmem>> -> memref<128xi32, #tpu.memory_space<vmem>>
        %dma_wait3A_120 = arith.constant 0 : i32
        %dma_wait3A_121 = arith.constant 0 : i32
        %dma_wait3A_122 = tpu.memref_slice %arg6[%dma_wait3A_120, %dma_wait3A_121] : memref<10240x64xf32, #tpu.memory_space<vmem_shared>> -> memref<10240x64xf32, #tpu.memory_space<vmem_shared>>
        tpu.wait_indirect_dma semaphore(%run_scoped3A_110 : memref<!tpu.dma_semaphore, #tpu.memory_space<semaphore_mem>>) src(%arg10 : memref<128x64xf32, #tpu.memory_space<vmem>>) dst(%dma_wait3A_122 : memref<10240x64xf32, #tpu.memory_space<vmem_shared>>)
        tpu.yield
      }) : () -> ()
    }
    %scan3A_37 = arith.constant 39 : i32
    %dma_wait3A = arith.constant 78 : i32
    %dma_wait3A_38 = arith.constant 0 : i32
    %dma_wait3A_39 = tpu.memref_slice %arg7[%dma_wait3A, %dma_wait3A_38] : memref<79x128xi32, #tpu.memory_space<vmem>> -> memref<1x128xi32, #tpu.memory_space<vmem>>
    %dma_wait3A_40 = tpu.memref_squeeze %dma_wait3A_39 : memref<1x128xi32, #tpu.memory_space<vmem>> -> memref<128xi32, #tpu.memory_space<vmem>>
    %dma_wait3A_41 = arith.constant 0 : i32
    %dma_wait3A_42 = arith.constant 0 : i32
    %dma_wait3A_43 = tpu.memref_slice %arg2[%dma_wait3A_41, %dma_wait3A_42] : memref<10000x64xf32, #tpu.memory_space<hbm>> -> memref<10000x64xf32, #tpu.memory_space<hbm>>
    tpu.wait_indirect_dma semaphore(%arg12 : memref<!tpu.dma_semaphore, #tpu.memory_space<semaphore_mem>>) src(%dma_wait3A_43 : memref<10000x64xf32, #tpu.memory_space<hbm>>) dst(%arg9 : memref<128x64xf32, #tpu.memory_space<vmem>>)
    %run_scoped3A = arith.constant 78 : i32
    "tpu.region"() ({
      %run_scoped3A_65 = tpu.sem_alloc : memref<!tpu.dma_semaphore, #tpu.memory_space<semaphore_mem>>
      %dma_start3A_66 = arith.constant 0 : i32
      %dma_start3A_67 = tpu.memref_slice %arg8[%run_scoped3A, %dma_start3A_66] : memref<79x128xi32, #tpu.memory_space<vmem>> -> memref<1x128xi32, #tpu.memory_space<vmem>>
      %dma_start3A_68 = tpu.memref_squeeze %dma_start3A_67 : memref<1x128xi32, #tpu.memory_space<vmem>> -> memref<128xi32, #tpu.memory_space<vmem>>
      %dma_start3A_69 = arith.constant 0 : i32
      %dma_start3A_70 = arith.constant 0 : i32
      %dma_start3A_71 = tpu.memref_slice %arg6[%dma_start3A_69, %dma_start3A_70] : memref<10240x64xf32, #tpu.memory_space<vmem_shared>> -> memref<10240x64xf32, #tpu.memory_space<vmem_shared>>
      tpu.enqueue_indirect_dma source(%arg9 : memref<128x64xf32, #tpu.memory_space<vmem>>) target(%dma_start3A_71 : memref<10240x64xf32, #tpu.memory_space<vmem_shared>>) offsets(%dma_start3A_68 : memref<128xi32, #tpu.memory_space<vmem>>) semaphore(%run_scoped3A_65 : memref<!tpu.dma_semaphore, #tpu.memory_space<semaphore_mem>>) {add = true}
      %dma_wait3A_72 = arith.constant 0 : i32
      %dma_wait3A_73 = tpu.memref_slice %arg8[%run_scoped3A, %dma_wait3A_72] : memref<79x128xi32, #tpu.memory_space<vmem>> -> memref<1x128xi32, #tpu.memory_space<vmem>>
      %dma_wait3A_74 = tpu.memref_squeeze %dma_wait3A_73 : memref<1x128xi32, #tpu.memory_space<vmem>> -> memref<128xi32, #tpu.memory_space<vmem>>
      %dma_wait3A_75 = arith.constant 0 : i32
      %dma_wait3A_76 = arith.constant 0 : i32
      %dma_wait3A_77 = tpu.memref_slice %arg6[%dma_wait3A_75, %dma_wait3A_76] : memref<10240x64xf32, #tpu.memory_space<vmem_shared>> -> memref<10240x64xf32, #tpu.memory_space<vmem_shared>>
      tpu.wait_indirect_dma semaphore(%run_scoped3A_65 : memref<!tpu.dma_semaphore, #tpu.memory_space<semaphore_mem>>) src(%arg9 : memref<128x64xf32, #tpu.memory_space<vmem>>) dst(%dma_wait3A_77 : memref<10240x64xf32, #tpu.memory_space<vmem_shared>>)
      tpu.yield
    }) : () -> ()
    %barrier3A_44 = arith.constant 0 : index
    tpu.barrier barrier_id(%barrier3A_44)
    %mul3A_45 = arith.constant 640 : i32
    %mul3A_46 = arith.muli %arg1, %mul3A_45 : i32
    %add3A_47 = arith.constant 0 : i32
    %add3A_48 = arith.addi %mul3A_46, %add3A_47 : i32
    "tpu.region"() ({
      %run_scoped3A_65 = tpu.sem_alloc : memref<!tpu.dma_semaphore, #tpu.memory_space<semaphore_mem>>
      %dma_start3A_66 = arith.constant 0 : i32
      %dma_start3A_67 = arith.constant 0 : i32
      %dma_start3A_68 = tpu.memref_slice %arg5[%arg0, %dma_start3A_66, %dma_start3A_67] : memref<2x10240x64xf32, #tpu.memory_space<hbm>> -> memref<1x10240x64xf32, #tpu.memory_space<hbm>>
      %dma_start3A_69 = tpu.memref_squeeze %dma_start3A_68 : memref<1x10240x64xf32, #tpu.memory_space<hbm>> -> memref<10240x64xf32, #tpu.memory_space<hbm>>
      %dma_start3A_70 = arith.constant 0 : i32
      %dma_start3A_71 = tpu.memref_slice %dma_start3A_69[%add3A_48, %dma_start3A_70] : memref<10240x64xf32, #tpu.memory_space<hbm>> -> memref<128x64xf32, #tpu.memory_space<hbm>>
      %dma_start3A_72 = arith.constant 0 : i32
      %dma_start3A_73 = tpu.memref_slice %arg6[%add3A_48, %dma_start3A_72] : memref<10240x64xf32, #tpu.memory_space<vmem_shared>> -> memref<128x64xf32, #tpu.memory_space<vmem_shared>>
      tpu.enqueue_dma source(%dma_start3A_73 : memref<128x64xf32, #tpu.memory_space<vmem_shared>>) target(%dma_start3A_71 : memref<128x64xf32, #tpu.memory_space<hbm>>) target_semaphore(%run_scoped3A_65 : memref<!tpu.dma_semaphore, #tpu.memory_space<semaphore_mem>>)
      %dma_wait3A_74 = arith.constant 0 : i32
      %dma_wait3A_75 = arith.constant 0 : i32
      %dma_wait3A_76 = tpu.memref_slice %arg5[%arg0, %dma_wait3A_74, %dma_wait3A_75] : memref<2x10240x64xf32, #tpu.memory_space<hbm>> -> memref<1x10240x64xf32, #tpu.memory_space<hbm>>
      %dma_wait3A_77 = tpu.memref_squeeze %dma_wait3A_76 : memref<1x10240x64xf32, #tpu.memory_space<hbm>> -> memref<10240x64xf32, #tpu.memory_space<hbm>>
      %dma_wait3A_78 = arith.constant 0 : i32
      %dma_wait3A_79 = tpu.memref_slice %dma_wait3A_77[%add3A_48, %dma_wait3A_78] : memref<10240x64xf32, #tpu.memory_space<hbm>> -> memref<128x64xf32, #tpu.memory_space<hbm>>
      %dma_wait3A_80 = arith.constant 0 : i32
      %dma_wait3A_81 = tpu.memref_slice %arg6[%add3A_48, %dma_wait3A_80] : memref<10240x64xf32, #tpu.memory_space<vmem_shared>> -> memref<128x64xf32, #tpu.memory_space<vmem_shared>>
      tpu.wait_dma2 semaphore(%run_scoped3A_65 : memref<!tpu.dma_semaphore, #tpu.memory_space<semaphore_mem>>) src(%dma_wait3A_81 : memref<128x64xf32, #tpu.memory_space<vmem_shared>>) dst(%dma_wait3A_79 : memref<128x64xf32, #tpu.memory_space<hbm>>)
      tpu.yield
    }) : () -> ()
    %mul3A_49 = arith.constant 640 : i32
    %mul3A_50 = arith.muli %arg1, %mul3A_49 : i32
    %add3A_51 = arith.constant 128 : i32
    %add3A_52 = arith.addi %mul3A_50, %add3A_51 : i32
    "tpu.region"() ({
      %run_scoped3A_65 = tpu.sem_alloc : memref<!tpu.dma_semaphore, #tpu.memory_space<semaphore_mem>>
      %dma_start3A_66 = arith.constant 0 : i32
      %dma_start3A_67 = arith.constant 0 : i32
      %dma_start3A_68 = tpu.memref_slice %arg5[%arg0, %dma_start3A_66, %dma_start3A_67] : memref<2x10240x64xf32, #tpu.memory_space<hbm>> -> memref<1x10240x64xf32, #tpu.memory_space<hbm>>
      %dma_start3A_69 = tpu.memref_squeeze %dma_start3A_68 : memref<1x10240x64xf32, #tpu.memory_space<hbm>> -> memref<10240x64xf32, #tpu.memory_space<hbm>>
      %dma_start3A_70 = arith.constant 0 : i32
      %dma_start3A_71 = tpu.memref_slice %dma_start3A_69[%add3A_52, %dma_start3A_70] : memref<10240x64xf32, #tpu.memory_space<hbm>> -> memref<128x64xf32, #tpu.memory_space<hbm>>
      %dma_start3A_72 = arith.constant 0 : i32
      %dma_start3A_73 = tpu.memref_slice %arg6[%add3A_52, %dma_start3A_72] : memref<10240x64xf32, #tpu.memory_space<vmem_shared>> -> memref<128x64xf32, #tpu.memory_space<vmem_shared>>
      tpu.enqueue_dma source(%dma_start3A_73 : memref<128x64xf32, #tpu.memory_space<vmem_shared>>) target(%dma_start3A_71 : memref<128x64xf32, #tpu.memory_space<hbm>>) target_semaphore(%run_scoped3A_65 : memref<!tpu.dma_semaphore, #tpu.memory_space<semaphore_mem>>)
      %dma_wait3A_74 = arith.constant 0 : i32
      %dma_wait3A_75 = arith.constant 0 : i32
      %dma_wait3A_76 = tpu.memref_slice %arg5[%arg0, %dma_wait3A_74, %dma_wait3A_75] : memref<2x10240x64xf32, #tpu.memory_space<hbm>> -> memref<1x10240x64xf32, #tpu.memory_space<hbm>>
      %dma_wait3A_77 = tpu.memref_squeeze %dma_wait3A_76 : memref<1x10240x64xf32, #tpu.memory_space<hbm>> -> memref<10240x64xf32, #tpu.memory_space<hbm>>
      %dma_wait3A_78 = arith.constant 0 : i32
      %dma_wait3A_79 = tpu.memref_slice %dma_wait3A_77[%add3A_52, %dma_wait3A_78] : memref<10240x64xf32, #tpu.memory_space<hbm>> -> memref<128x64xf32, #tpu.memory_space<hbm>>
      %dma_wait3A_80 = arith.constant 0 : i32
      %dma_wait3A_81 = tpu.memref_slice %arg6[%add3A_52, %dma_wait3A_80] : memref<10240x64xf32, #tpu.memory_space<vmem_shared>> -> memref<128x64xf32, #tpu.memory_space<vmem_shared>>
      tpu.wait_dma2 semaphore(%run_scoped3A_65 : memref<!tpu.dma_semaphore, #tpu.memory_space<semaphore_mem>>) src(%dma_wait3A_81 : memref<128x64xf32, #tpu.memory_space<vmem_shared>>) dst(%dma_wait3A_79 : memref<128x64xf32, #tpu.memory_space<hbm>>)
      tpu.yield
    }) : () -> ()
    %mul3A_53 = arith.constant 640 : i32
    %mul3A_54 = arith.muli %arg1, %mul3A_53 : i32
    %add3A_55 = arith.constant 256 : i32
    %add3A_56 = arith.addi %mul3A_54, %add3A_55 : i32
    "tpu.region"() ({
      %run_scoped3A_65 = tpu.sem_alloc : memref<!tpu.dma_semaphore, #tpu.memory_space<semaphore_mem>>
      %dma_start3A_66 = arith.constant 0 : i32
      %dma_start3A_67 = arith.constant 0 : i32
      %dma_start3A_68 = tpu.memref_slice %arg5[%arg0, %dma_start3A_66, %dma_start3A_67] : memref<2x10240x64xf32, #tpu.memory_space<hbm>> -> memref<1x10240x64xf32, #tpu.memory_space<hbm>>
      %dma_start3A_69 = tpu.memref_squeeze %dma_start3A_68 : memref<1x10240x64xf32, #tpu.memory_space<hbm>> -> memref<10240x64xf32, #tpu.memory_space<hbm>>
      %dma_start3A_70 = arith.constant 0 : i32
      %dma_start3A_71 = tpu.memref_slice %dma_start3A_69[%add3A_56, %dma_start3A_70] : memref<10240x64xf32, #tpu.memory_space<hbm>> -> memref<128x64xf32, #tpu.memory_space<hbm>>
      %dma_start3A_72 = arith.constant 0 : i32
      %dma_start3A_73 = tpu.memref_slice %arg6[%add3A_56, %dma_start3A_72] : memref<10240x64xf32, #tpu.memory_space<vmem_shared>> -> memref<128x64xf32, #tpu.memory_space<vmem_shared>>
      tpu.enqueue_dma source(%dma_start3A_73 : memref<128x64xf32, #tpu.memory_space<vmem_shared>>) target(%dma_start3A_71 : memref<128x64xf32, #tpu.memory_space<hbm>>) target_semaphore(%run_scoped3A_65 : memref<!tpu.dma_semaphore, #tpu.memory_space<semaphore_mem>>)
      %dma_wait3A_74 = arith.constant 0 : i32
      %dma_wait3A_75 = arith.constant 0 : i32
      %dma_wait3A_76 = tpu.memref_slice %arg5[%arg0, %dma_wait3A_74, %dma_wait3A_75] : memref<2x10240x64xf32, #tpu.memory_space<hbm>> -> memref<1x10240x64xf32, #tpu.memory_space<hbm>>
      %dma_wait3A_77 = tpu.memref_squeeze %dma_wait3A_76 : memref<1x10240x64xf32, #tpu.memory_space<hbm>> -> memref<10240x64xf32, #tpu.memory_space<hbm>>
      %dma_wait3A_78 = arith.constant 0 : i32
      %dma_wait3A_79 = tpu.memref_slice %dma_wait3A_77[%add3A_56, %dma_wait3A_78] : memref<10240x64xf32, #tpu.memory_space<hbm>> -> memref<128x64xf32, #tpu.memory_space<hbm>>
      %dma_wait3A_80 = arith.constant 0 : i32
      %dma_wait3A_81 = tpu.memref_slice %arg6[%add3A_56, %dma_wait3A_80] : memref<10240x64xf32, #tpu.memory_space<vmem_shared>> -> memref<128x64xf32, #tpu.memory_space<vmem_shared>>
      tpu.wait_dma2 semaphore(%run_scoped3A_65 : memref<!tpu.dma_semaphore, #tpu.memory_space<semaphore_mem>>) src(%dma_wait3A_81 : memref<128x64xf32, #tpu.memory_space<vmem_shared>>) dst(%dma_wait3A_79 : memref<128x64xf32, #tpu.memory_space<hbm>>)
      tpu.yield
    }) : () -> ()
    %mul3A_57 = arith.constant 640 : i32
    %mul3A_58 = arith.muli %arg1, %mul3A_57 : i32
    %add3A_59 = arith.constant 384 : i32
    %add3A_60 = arith.addi %mul3A_58, %add3A_59 : i32
    "tpu.region"() ({
      %run_scoped3A_65 = tpu.sem_alloc : memref<!tpu.dma_semaphore, #tpu.memory_space<semaphore_mem>>
      %dma_start3A_66 = arith.constant 0 : i32
      %dma_start3A_67 = arith.constant 0 : i32
      %dma_start3A_68 = tpu.memref_slice %arg5[%arg0, %dma_start3A_66, %dma_start3A_67] : memref<2x10240x64xf32, #tpu.memory_space<hbm>> -> memref<1x10240x64xf32, #tpu.memory_space<hbm>>
      %dma_start3A_69 = tpu.memref_squeeze %dma_start3A_68 : memref<1x10240x64xf32, #tpu.memory_space<hbm>> -> memref<10240x64xf32, #tpu.memory_space<hbm>>
      %dma_start3A_70 = arith.constant 0 : i32
      %dma_start3A_71 = tpu.memref_slice %dma_start3A_69[%add3A_60, %dma_start3A_70] : memref<10240x64xf32, #tpu.memory_space<hbm>> -> memref<128x64xf32, #tpu.memory_space<hbm>>
      %dma_start3A_72 = arith.constant 0 : i32
      %dma_start3A_73 = tpu.memref_slice %arg6[%add3A_60, %dma_start3A_72] : memref<10240x64xf32, #tpu.memory_space<vmem_shared>> -> memref<128x64xf32, #tpu.memory_space<vmem_shared>>
      tpu.enqueue_dma source(%dma_start3A_73 : memref<128x64xf32, #tpu.memory_space<vmem_shared>>) target(%dma_start3A_71 : memref<128x64xf32, #tpu.memory_space<hbm>>) target_semaphore(%run_scoped3A_65 : memref<!tpu.dma_semaphore, #tpu.memory_space<semaphore_mem>>)
      %dma_wait3A_74 = arith.constant 0 : i32
      %dma_wait3A_75 = arith.constant 0 : i32
      %dma_wait3A_76 = tpu.memref_slice %arg5[%arg0, %dma_wait3A_74, %dma_wait3A_75] : memref<2x10240x64xf32, #tpu.memory_space<hbm>> -> memref<1x10240x64xf32, #tpu.memory_space<hbm>>
      %dma_wait3A_77 = tpu.memref_squeeze %dma_wait3A_76 : memref<1x10240x64xf32, #tpu.memory_space<hbm>> -> memref<10240x64xf32, #tpu.memory_space<hbm>>
      %dma_wait3A_78 = arith.constant 0 : i32
      %dma_wait3A_79 = tpu.memref_slice %dma_wait3A_77[%add3A_60, %dma_wait3A_78] : memref<10240x64xf32, #tpu.memory_space<hbm>> -> memref<128x64xf32, #tpu.memory_space<hbm>>
      %dma_wait3A_80 = arith.constant 0 : i32
      %dma_wait3A_81 = tpu.memref_slice %arg6[%add3A_60, %dma_wait3A_80] : memref<10240x64xf32, #tpu.memory_space<vmem_shared>> -> memref<128x64xf32, #tpu.memory_space<vmem_shared>>
      tpu.wait_dma2 semaphore(%run_scoped3A_65 : memref<!tpu.dma_semaphore, #tpu.memory_space<semaphore_mem>>) src(%dma_wait3A_81 : memref<128x64xf32, #tpu.memory_space<vmem_shared>>) dst(%dma_wait3A_79 : memref<128x64xf32, #tpu.memory_space<hbm>>)
      tpu.yield
    }) : () -> ()
    %mul3A_61 = arith.constant 640 : i32
    %mul3A_62 = arith.muli %arg1, %mul3A_61 : i32
    %add3A_63 = arith.constant 512 : i32
    %add3A_64 = arith.addi %mul3A_62, %add3A_63 : i32
    "tpu.region"() ({
      %run_scoped3A_65 = tpu.sem_alloc : memref<!tpu.dma_semaphore, #tpu.memory_space<semaphore_mem>>
      %dma_start3A_66 = arith.constant 0 : i32
      %dma_start3A_67 = arith.constant 0 : i32
      %dma_start3A_68 = tpu.memref_slice %arg5[%arg0, %dma_start3A_66, %dma_start3A_67] : memref<2x10240x64xf32, #tpu.memory_space<hbm>> -> memref<1x10240x64xf32, #tpu.memory_space<hbm>>
      %dma_start3A_69 = tpu.memref_squeeze %dma_start3A_68 : memref<1x10240x64xf32, #tpu.memory_space<hbm>> -> memref<10240x64xf32, #tpu.memory_space<hbm>>
      %dma_start3A_70 = arith.constant 0 : i32
      %dma_start3A_71 = tpu.memref_slice %dma_start3A_69[%add3A_64, %dma_start3A_70] : memref<10240x64xf32, #tpu.memory_space<hbm>> -> memref<128x64xf32, #tpu.memory_space<hbm>>
      %dma_start3A_72 = arith.constant 0 : i32
      %dma_start3A_73 = tpu.memref_slice %arg6[%add3A_64, %dma_start3A_72] : memref<10240x64xf32, #tpu.memory_space<vmem_shared>> -> memref<128x64xf32, #tpu.memory_space<vmem_shared>>
      tpu.enqueue_dma source(%dma_start3A_73 : memref<128x64xf32, #tpu.memory_space<vmem_shared>>) target(%dma_start3A_71 : memref<128x64xf32, #tpu.memory_space<hbm>>) target_semaphore(%run_scoped3A_65 : memref<!tpu.dma_semaphore, #tpu.memory_space<semaphore_mem>>)
      %dma_wait3A_74 = arith.constant 0 : i32
      %dma_wait3A_75 = arith.constant 0 : i32
      %dma_wait3A_76 = tpu.memref_slice %arg5[%arg0, %dma_wait3A_74, %dma_wait3A_75] : memref<2x10240x64xf32, #tpu.memory_space<hbm>> -> memref<1x10240x64xf32, #tpu.memory_space<hbm>>
      %dma_wait3A_77 = tpu.memref_squeeze %dma_wait3A_76 : memref<1x10240x64xf32, #tpu.memory_space<hbm>> -> memref<10240x64xf32, #tpu.memory_space<hbm>>
      %dma_wait3A_78 = arith.constant 0 : i32
      %dma_wait3A_79 = tpu.memref_slice %dma_wait3A_77[%add3A_64, %dma_wait3A_78] : memref<10240x64xf32, #tpu.memory_space<hbm>> -> memref<128x64xf32, #tpu.memory_space<hbm>>
      %dma_wait3A_80 = arith.constant 0 : i32
      %dma_wait3A_81 = tpu.memref_slice %arg6[%add3A_64, %dma_wait3A_80] : memref<10240x64xf32, #tpu.memory_space<vmem_shared>> -> memref<128x64xf32, #tpu.memory_space<vmem_shared>>
      tpu.wait_dma2 semaphore(%run_scoped3A_65 : memref<!tpu.dma_semaphore, #tpu.memory_space<semaphore_mem>>) src(%dma_wait3A_81 : memref<128x64xf32, #tpu.memory_space<vmem_shared>>) dst(%dma_wait3A_79 : memref<128x64xf32, #tpu.memory_space<hbm>>)
      tpu.yield
    }) : () -> ()
    return
  }
}

module attributes {stable_mosaic.version = 14 : i64} {
  func.func @_tc_dis_body(%arg0: memref<2x10240x16xf32, #tpu.memory_space<vmem>>, %arg1: memref<10240xf32, #tpu.memory_space<vmem>>) attributes {dimension_semantics = [], scalar_prefetch = 0 : i64, scratch_operands = 0 : i64, tpu.core_type = #tpu.core_type<tc>} {
    %get3A = arith.constant 0 : index
    %get3A_0 = arith.constant 0 : index
    %get3A_1 = arith.constant 0 : index
    %get3A_2 = vector.load %arg0[%get3A, %get3A_0, %get3A_1] : memref<2x10240x16xf32, #tpu.memory_space<vmem>>, vector<2x10240x16xf32>
    %slice3A = vector.extract_strided_slice %get3A_2 {offsets = [0, 0, 0], sizes = [1, 10240, 1], strides = [1, 1, 1]} : vector<2x10240x16xf32> to vector<1x10240x1xf32>
    %squeeze3A = vector.shape_cast %slice3A : vector<1x10240x1xf32> to vector<10240xf32>
    %slice3A_3 = vector.extract_strided_slice %get3A_2 {offsets = [1, 0, 0], sizes = [1, 10240, 1], strides = [1, 1, 1]} : vector<2x10240x16xf32> to vector<1x10240x1xf32>
    %squeeze3A_4 = vector.shape_cast %slice3A_3 : vector<1x10240x1xf32> to vector<10240xf32>
    %add3A = arith.addf %squeeze3A, %squeeze3A_4 : vector<10240xf32>
    %add3A_5 = arith.constant 1.000000e+00 : f32
    %add3A_6 = vector.broadcast %add3A_5 : f32 to vector<10240xf32>
    %add3A_7 = arith.addf %add3A, %add3A_6 : vector<10240xf32>
    %sqrt3A = math.sqrt %add3A_7 : vector<10240xf32>
    %div3A = arith.constant 1.000000e+00 : f32
    %div3A_8 = vector.broadcast %div3A : f32 to vector<10240xf32>
    %div3A_9 = arith.divf %div3A_8, %sqrt3A : vector<10240xf32>
    %swap3A = arith.constant 0 : index
    %swap3A_10 = vector.load %arg1[%swap3A] : memref<10240xf32, #tpu.memory_space<vmem>>, vector<10240xf32>
    tpu.vector_store %arg1[%swap3A], %div3A_9 {strides = array<i32>} : memref<10240xf32, #tpu.memory_space<vmem>>, vector<10240xf32>,
    return
  }
}

module attributes {stable_mosaic.version = 14 : i64} {
  func.func @_tc_z1_body(%arg0: memref<10000x128xf32, #tpu.memory_space<vmem>>, %arg1: memref<128x64xf32, #tpu.memory_space<vmem>>, %arg2: memref<10000x1xf32, #tpu.memory_space<vmem>>, %arg3: memref<10000x64xf32, #tpu.memory_space<vmem>>) attributes {dimension_semantics = [], scalar_prefetch = 0 : i64, scratch_operands = 0 : i64, tpu.core_type = #tpu.core_type<tc>} {
    %get3A = arith.constant 0 : index
    %get3A_0 = arith.constant 0 : index
    %get3A_1 = vector.load %arg0[%get3A, %get3A_0] : memref<10000x128xf32, #tpu.memory_space<vmem>>, vector<10000x128xf32>
    %get3A_2 = arith.constant 0 : index
    %get3A_3 = arith.constant 0 : index
    %get3A_4 = vector.load %arg1[%get3A_2, %get3A_3] : memref<128x64xf32, #tpu.memory_space<vmem>>, vector<128x64xf32>
    %dot_general3A = arith.constant dense<0.000000e+00> : vector<10000x64xf32>
    %dot_general3A_5 = tpu.matmul %get3A_1, %get3A_4, %dot_general3A {dimension_numbers = #tpu.dot_dimension_numbers<[1], [0], [0], [1], [0, 0, 1, 1], [], []>, precision = #tpu.contract_precision<fp32>, transpose_lhs_hint = false} : vector<10000x128xf32>, vector<128x64xf32>, vector<10000x64xf32> -> vector<10000x64xf32>
    %get3A_6 = arith.constant 0 : index
    %get3A_7 = arith.constant 0 : index
    %get3A_8 = vector.load %arg2[%get3A_6, %get3A_7] : memref<10000x1xf32, #tpu.memory_space<vmem>>, vector<10000x1xf32>
    %mul3A = vector.broadcast %get3A_8 : vector<10000x1xf32> to vector<10000x64xf32>
    %mul3A_9 = arith.mulf %dot_general3A_5, %mul3A : vector<10000x64xf32>
    %swap3A = arith.constant 0 : index
    %swap3A_10 = arith.constant 0 : index
    %swap3A_11 = vector.load %arg3[%swap3A, %swap3A_10] : memref<10000x64xf32, #tpu.memory_space<vmem>>, vector<10000x64xf32>
    tpu.vector_store %arg3[%swap3A, %swap3A_10], %mul3A_9 {strides = array<i32>} : memref<10000x64xf32, #tpu.memory_space<vmem>>, vector<10000x64xf32>,
    return
  }
}

module attributes {stable_mosaic.version = 14 : i64} {
  func.func @_tc_prestats_body(%arg0: memref<2x10240x64xf32, #tpu.memory_space<vmem>>, %arg1: memref<10000x64xf32, #tpu.memory_space<vmem>>, %arg2: memref<10000x1xf32, #tpu.memory_space<vmem>>, %arg3: memref<1x64xf32, #tpu.memory_space<vmem>>, %arg4: memref<1x10000xi32, #tpu.memory_space<vmem>>, %arg5: memref<10000x64xf32, #tpu.memory_space<vmem>>, %arg6: memref<64x64xf32, #tpu.memory_space<vmem>>, %arg7: memref<64x1xf32, #tpu.memory_space<vmem>>) attributes {dimension_semantics = [], scalar_prefetch = 0 : i64, scratch_operands = 0 : i64, tpu.core_type = #tpu.core_type<tc>} {
    %get3A = arith.constant 0 : index
    %get3A_0 = arith.constant 0 : index
    %get3A_1 = arith.constant 0 : index
    %get3A_2 = vector.load %arg0[%get3A, %get3A_0, %get3A_1] : memref<2x10240x64xf32, #tpu.memory_space<vmem>>, vector<2x10240x64xf32>
    %slice3A = vector.extract_strided_slice %get3A_2 {offsets = [0, 0, 0], sizes = [1, 10000, 64], strides = [1, 1, 1]} : vector<2x10240x64xf32> to vector<1x10000x64xf32>
    %squeeze3A = vector.shape_cast %slice3A : vector<1x10000x64xf32> to vector<10000x64xf32>
    %slice3A_3 = vector.extract_strided_slice %get3A_2 {offsets = [1, 0, 0], sizes = [1, 10000, 64], strides = [1, 1, 1]} : vector<2x10240x64xf32> to vector<1x10000x64xf32>
    %squeeze3A_4 = vector.shape_cast %slice3A_3 : vector<1x10000x64xf32> to vector<10000x64xf32>
    %add3A = arith.addf %squeeze3A, %squeeze3A_4 : vector<10000x64xf32>
    %get3A_5 = arith.constant 0 : index
    %get3A_6 = arith.constant 0 : index
    %get3A_7 = vector.load %arg1[%get3A_5, %get3A_6] : memref<10000x64xf32, #tpu.memory_space<vmem>>, vector<10000x64xf32>
    %add3A_8 = arith.addf %add3A, %get3A_7 : vector<10000x64xf32>
    %get3A_9 = arith.constant 0 : index
    %get3A_10 = arith.constant 0 : index
    %get3A_11 = vector.load %arg2[%get3A_9, %get3A_10] : memref<10000x1xf32, #tpu.memory_space<vmem>>, vector<10000x1xf32>
    %mul3A = vector.broadcast %get3A_11 : vector<10000x1xf32> to vector<10000x64xf32>
    %mul3A_12 = arith.mulf %mul3A, %add3A_8 : vector<10000x64xf32>
    %get3A_13 = arith.constant 0 : index
    %get3A_14 = arith.constant 0 : index
    %get3A_15 = vector.load %arg3[%get3A_13, %get3A_14] : memref<1x64xf32, #tpu.memory_space<vmem>>, vector<1x64xf32>
    %add3A_16 = vector.broadcast %get3A_15 : vector<1x64xf32> to vector<10000x64xf32>
    %add3A_17 = arith.addf %mul3A_12, %add3A_16 : vector<10000x64xf32>
    %swap3A = arith.constant 0 : index
    %swap3A_18 = arith.constant 0 : index
    %swap3A_19 = vector.load %arg5[%swap3A, %swap3A_18] : memref<10000x64xf32, #tpu.memory_space<vmem>>, vector<10000x64xf32>
    tpu.vector_store %arg5[%swap3A, %swap3A_18], %add3A_17 {strides = array<i32>} : memref<10000x64xf32, #tpu.memory_space<vmem>>, vector<10000x64xf32>,
    %iota3A = tpu.iota {dimensions = array<i32: 0>} : vector<64x10000xi32>
    %get3A_20 = arith.constant 0 : index
    %get3A_21 = arith.constant 0 : index
    %get3A_22 = vector.load %arg4[%get3A_20, %get3A_21] : memref<1x10000xi32, #tpu.memory_space<vmem>>, vector<1x10000xi32>
    %eq3A = vector.broadcast %get3A_22 : vector<1x10000xi32> to vector<64x10000xi32>
    %eq3A_23 = arith.cmpi eq, %eq3A, %iota3A : vector<64x10000xi32>
    %jit3A = arith.constant 1.000000e+00 : f32
    %jit3A_24 = arith.constant 0.000000e+00 : f32
    %broadcast_in_dim3A = vector.broadcast %jit3A : f32 to vector<64x10000xf32>
    %broadcast_in_dim3A_25 = vector.broadcast %jit3A_24 : f32 to vector<64x10000xf32>
    %select_n3A = arith.select %eq3A_23, %broadcast_in_dim3A, %broadcast_in_dim3A_25 : vector<64x10000xi1>, vector<64x10000xf32>
    %broadcast_in_dim3A_26 = arith.constant 1.000000e+00 : f32
    %broadcast_in_dim3A_27 = vector.broadcast %broadcast_in_dim3A_26 : f32 to vector<10000x1xf32>
    %dot_general3A = arith.constant dense<0.000000e+00> : vector<64x1xf32>
    %dot_general3A_28 = tpu.matmul %select_n3A, %broadcast_in_dim3A_27, %dot_general3A {dimension_numbers = #tpu.dot_dimension_numbers<[1], [0], [0], [1], [0, 0, 1, 1], [], []>, precision = #tpu.contract_precision<fp32>, transpose_lhs_hint = false} : vector<64x10000xf32>, vector<10000x1xf32>, vector<64x1xf32> -> vector<64x1xf32>
    %max3A = arith.constant 1.000000e+00 : f32
    %max3A_29 = vector.broadcast %max3A : f32 to vector<64x1xf32>
    %max3A_30 = arith.maximumf %dot_general3A_28, %max3A_29 : vector<64x1xf32>
    %dot_general3A_31 = arith.constant dense<0.000000e+00> : vector<64x64xf32>
    %dot_general3A_32 = tpu.matmul %select_n3A, %add3A_17, %dot_general3A_31 {dimension_numbers = #tpu.dot_dimension_numbers<[1], [0], [0], [1], [0, 0, 1, 1], [], []>, precision = #tpu.contract_precision<fp32>, transpose_lhs_hint = false} : vector<64x10000xf32>, vector<10000x64xf32>, vector<64x64xf32> -> vector<64x64xf32>
    %div3A = vector.broadcast %max3A_30 : vector<64x1xf32> to vector<64x64xf32>
    %div3A_33 = arith.divf %dot_general3A_32, %div3A : vector<64x64xf32>
    %swap3A_34 = arith.constant 0 : index
    %swap3A_35 = arith.constant 0 : index
    %swap3A_36 = vector.load %arg6[%swap3A_34, %swap3A_35] : memref<64x64xf32, #tpu.memory_space<vmem>>, vector<64x64xf32>
    tpu.vector_store %arg6[%swap3A_34, %swap3A_35], %div3A_33 {strides = array<i32>} : memref<64x64xf32, #tpu.memory_space<vmem>>, vector<64x64xf32>,
    %swap3A_37 = arith.constant 0 : index
    %swap3A_38 = arith.constant 0 : index
    %swap3A_39 = vector.load %arg7[%swap3A_37, %swap3A_38] : memref<64x1xf32, #tpu.memory_space<vmem>>, vector<64x1xf32>
    tpu.vector_store %arg7[%swap3A_37, %swap3A_38], %max3A_30 {strides = array<i32>} : memref<64x1xf32, #tpu.memory_space<vmem>>, vector<64x1xf32>,
    return
  }
}

module attributes {stable_mosaic.version = 14 : i64} {
  func.func @_tc_centervar_body(%arg0: memref<10000x64xf32, #tpu.memory_space<vmem>>, %arg1: memref<64x64xf32, #tpu.memory_space<vmem>>, %arg2: memref<64x1xf32, #tpu.memory_space<vmem>>, %arg3: memref<1x64xf32, #tpu.memory_space<vmem>>, %arg4: memref<10000x1xi32, #tpu.memory_space<vmem>>, %arg5: memref<1x10000xi32, #tpu.memory_space<vmem>>, %arg6: memref<10000x64xf32, #tpu.memory_space<vmem>>, %arg7: memref<64x64xf32, #tpu.memory_space<vmem>>) attributes {dimension_semantics = [], scalar_prefetch = 0 : i64, scratch_operands = 0 : i64, tpu.core_type = #tpu.core_type<tc>} {
    %iota3A = tpu.iota {dimensions = array<i32: 1>} : vector<10000x64xi32>
    %get3A = arith.constant 0 : index
    %get3A_0 = arith.constant 0 : index
    %get3A_1 = vector.load %arg4[%get3A, %get3A_0] : memref<10000x1xi32, #tpu.memory_space<vmem>>, vector<10000x1xi32>
    %eq3A = vector.broadcast %get3A_1 : vector<10000x1xi32> to vector<10000x64xi32>
    %eq3A_2 = arith.cmpi eq, %eq3A, %iota3A : vector<10000x64xi32>
    %jit3A = arith.constant 1.000000e+00 : f32
    %jit3A_3 = arith.constant 0.000000e+00 : f32
    %broadcast_in_dim3A = vector.broadcast %jit3A : f32 to vector<10000x64xf32>
    %broadcast_in_dim3A_4 = vector.broadcast %jit3A_3 : f32 to vector<10000x64xf32>
    %select_n3A = arith.select %eq3A_2, %broadcast_in_dim3A, %broadcast_in_dim3A_4 : vector<10000x64xi1>, vector<10000x64xf32>
    %get3A_5 = arith.constant 0 : index
    %get3A_6 = arith.constant 0 : index
    %get3A_7 = vector.load %arg0[%get3A_5, %get3A_6] : memref<10000x64xf32, #tpu.memory_space<vmem>>, vector<10000x64xf32>
    %get3A_8 = arith.constant 0 : index
    %get3A_9 = arith.constant 0 : index
    %get3A_10 = vector.load %arg3[%get3A_8, %get3A_9] : memref<1x64xf32, #tpu.memory_space<vmem>>, vector<1x64xf32>
    %get3A_11 = arith.constant 0 : index
    %get3A_12 = arith.constant 0 : index
    %get3A_13 = vector.load %arg1[%get3A_11, %get3A_12] : memref<64x64xf32, #tpu.memory_space<vmem>>, vector<64x64xf32>
    %dot_general3A = arith.constant dense<0.000000e+00> : vector<10000x64xf32>
    %dot_general3A_14 = tpu.matmul %select_n3A, %get3A_13, %dot_general3A {dimension_numbers = #tpu.dot_dimension_numbers<[1], [0], [0], [1], [0, 0, 1, 1], [], []>, precision = #tpu.contract_precision<fp32>, transpose_lhs_hint = false} : vector<10000x64xf32>, vector<64x64xf32>, vector<10000x64xf32> -> vector<10000x64xf32>
    %mul3A = vector.broadcast %get3A_10 : vector<1x64xf32> to vector<10000x64xf32>
    %mul3A_15 = arith.mulf %mul3A, %dot_general3A_14 : vector<10000x64xf32>
    %sub3A = arith.subf %get3A_7, %mul3A_15 : vector<10000x64xf32>
    %swap3A = arith.constant 0 : index
    %swap3A_16 = arith.constant 0 : index
    %swap3A_17 = vector.load %arg6[%swap3A, %swap3A_16] : memref<10000x64xf32, #tpu.memory_space<vmem>>, vector<10000x64xf32>
    tpu.vector_store %arg6[%swap3A, %swap3A_16], %sub3A {strides = array<i32>} : memref<10000x64xf32, #tpu.memory_space<vmem>>, vector<10000x64xf32>,
    %iota3A_18 = tpu.iota {dimensions = array<i32: 0>} : vector<64x10000xi32>
    %get3A_19 = arith.constant 0 : index
    %get3A_20 = arith.constant 0 : index
    %get3A_21 = vector.load %arg5[%get3A_19, %get3A_20] : memref<1x10000xi32, #tpu.memory_space<vmem>>, vector<1x10000xi32>
    %eq3A_22 = vector.broadcast %get3A_21 : vector<1x10000xi32> to vector<64x10000xi32>
    %eq3A_23 = arith.cmpi eq, %eq3A_22, %iota3A_18 : vector<64x10000xi32>
    %jit3A_24 = arith.constant 1.000000e+00 : f32
    %jit3A_25 = arith.constant 0.000000e+00 : f32
    %broadcast_in_dim3A_26 = vector.broadcast %jit3A_24 : f32 to vector<64x10000xf32>
    %broadcast_in_dim3A_27 = vector.broadcast %jit3A_25 : f32 to vector<64x10000xf32>
    %select_n3A_28 = arith.select %eq3A_23, %broadcast_in_dim3A_26, %broadcast_in_dim3A_27 : vector<64x10000xi1>, vector<64x10000xf32>
    %mul3A_29 = arith.mulf %sub3A, %sub3A : vector<10000x64xf32>
    %dot_general3A_30 = arith.constant dense<0.000000e+00> : vector<64x64xf32>
    %dot_general3A_31 = tpu.matmul %select_n3A_28, %mul3A_29, %dot_general3A_30 {dimension_numbers = #tpu.dot_dimension_numbers<[1], [0], [0], [1], [0, 0, 1, 1], [], []>, precision = #tpu.contract_precision<fp32>, transpose_lhs_hint = false} : vector<64x10000xf32>, vector<10000x64xf32>, vector<64x64xf32> -> vector<64x64xf32>
    %get3A_32 = arith.constant 0 : index
    %get3A_33 = arith.constant 0 : index
    %get3A_34 = vector.load %arg2[%get3A_32, %get3A_33] : memref<64x1xf32, #tpu.memory_space<vmem>>, vector<64x1xf32>
    %div3A = vector.broadcast %get3A_34 : vector<64x1xf32> to vector<64x64xf32>
    %div3A_35 = arith.divf %dot_general3A_31, %div3A : vector<64x64xf32>
    %add3A = arith.constant 9.99999974E-6 : f32
    %add3A_36 = vector.broadcast %add3A : f32 to vector<64x64xf32>
    %add3A_37 = arith.addf %div3A_35, %add3A_36 : vector<64x64xf32>
    %sqrt3A = math.sqrt %add3A_37 : vector<64x64xf32>
    %swap3A_38 = arith.constant 0 : index
    %swap3A_39 = arith.constant 0 : index
    %swap3A_40 = vector.load %arg7[%swap3A_38, %swap3A_39] : memref<64x64xf32, #tpu.memory_space<vmem>>, vector<64x64xf32>
    tpu.vector_store %arg7[%swap3A_38, %swap3A_39], %sqrt3A {strides = array<i32>} : memref<64x64xf32, #tpu.memory_space<vmem>>, vector<64x64xf32>,
    return
  }
}

module attributes {stable_mosaic.version = 14 : i64} {
  func.func @_tc_apply_body(%arg0: memref<10000x64xf32, #tpu.memory_space<vmem>>, %arg1: memref<64x64xf32, #tpu.memory_space<vmem>>, %arg2: memref<1x64xf32, #tpu.memory_space<vmem>>, %arg3: memref<1x64xf32, #tpu.memory_space<vmem>>, %arg4: memref<10000x1xi32, #tpu.memory_space<vmem>>, %arg5: memref<64x64xf32, #tpu.memory_space<vmem>>, %arg6: memref<10000x1xf32, #tpu.memory_space<vmem>>, %arg7: memref<10000x64xf32, #tpu.memory_space<vmem>>) attributes {dimension_semantics = [], scalar_prefetch = 0 : i64, scratch_operands = 0 : i64, tpu.core_type = #tpu.core_type<tc>} {
    %iota3A = tpu.iota {dimensions = array<i32: 1>} : vector<10000x64xi32>
    %get3A = arith.constant 0 : index
    %get3A_0 = arith.constant 0 : index
    %get3A_1 = vector.load %arg4[%get3A, %get3A_0] : memref<10000x1xi32, #tpu.memory_space<vmem>>, vector<10000x1xi32>
    %eq3A = vector.broadcast %get3A_1 : vector<10000x1xi32> to vector<10000x64xi32>
    %eq3A_2 = arith.cmpi eq, %eq3A, %iota3A : vector<10000x64xi32>
    %jit3A = arith.constant 1.000000e+00 : f32
    %jit3A_3 = arith.constant 0.000000e+00 : f32
    %broadcast_in_dim3A = vector.broadcast %jit3A : f32 to vector<10000x64xf32>
    %broadcast_in_dim3A_4 = vector.broadcast %jit3A_3 : f32 to vector<10000x64xf32>
    %select_n3A = arith.select %eq3A_2, %broadcast_in_dim3A, %broadcast_in_dim3A_4 : vector<10000x64xi1>, vector<10000x64xf32>
    %get3A_5 = arith.constant 0 : index
    %get3A_6 = arith.constant 0 : index
    %get3A_7 = vector.load %arg1[%get3A_5, %get3A_6] : memref<64x64xf32, #tpu.memory_space<vmem>>, vector<64x64xf32>
    %dot_general3A = arith.constant dense<0.000000e+00> : vector<10000x64xf32>
    %dot_general3A_8 = tpu.matmul %select_n3A, %get3A_7, %dot_general3A {dimension_numbers = #tpu.dot_dimension_numbers<[1], [0], [0], [1], [0, 0, 1, 1], [], []>, precision = #tpu.contract_precision<fp32>, transpose_lhs_hint = false} : vector<10000x64xf32>, vector<64x64xf32>, vector<10000x64xf32> -> vector<10000x64xf32>
    %get3A_9 = arith.constant 0 : index
    %get3A_10 = arith.constant 0 : index
    %get3A_11 = vector.load %arg2[%get3A_9, %get3A_10] : memref<1x64xf32, #tpu.memory_space<vmem>>, vector<1x64xf32>
    %get3A_12 = arith.constant 0 : index
    %get3A_13 = arith.constant 0 : index
    %get3A_14 = vector.load %arg0[%get3A_12, %get3A_13] : memref<10000x64xf32, #tpu.memory_space<vmem>>, vector<10000x64xf32>
    %div3A = arith.divf %get3A_14, %dot_general3A_8 : vector<10000x64xf32>
    %mul3A = vector.broadcast %get3A_11 : vector<1x64xf32> to vector<10000x64xf32>
    %mul3A_15 = arith.mulf %mul3A, %div3A : vector<10000x64xf32>
    %get3A_16 = arith.constant 0 : index
    %get3A_17 = arith.constant 0 : index
    %get3A_18 = vector.load %arg3[%get3A_16, %get3A_17] : memref<1x64xf32, #tpu.memory_space<vmem>>, vector<1x64xf32>
    %add3A = vector.broadcast %get3A_18 : vector<1x64xf32> to vector<10000x64xf32>
    %add3A_19 = arith.addf %mul3A_15, %add3A : vector<10000x64xf32>
    %max3A = arith.constant 0.000000e+00 : f32
    %max3A_20 = vector.broadcast %max3A : f32 to vector<10000x64xf32>
    %max3A_21 = arith.maximumf %add3A_19, %max3A_20 : vector<10000x64xf32>
    %get3A_22 = arith.constant 0 : index
    %get3A_23 = arith.constant 0 : index
    %get3A_24 = vector.load %arg5[%get3A_22, %get3A_23] : memref<64x64xf32, #tpu.memory_space<vmem>>, vector<64x64xf32>
    %dot_general3A_25 = arith.constant dense<0.000000e+00> : vector<10000x64xf32>
    %dot_general3A_26 = tpu.matmul %max3A_21, %get3A_24, %dot_general3A_25 {dimension_numbers = #tpu.dot_dimension_numbers<[1], [0], [0], [1], [0, 0, 1, 1], [], []>, precision = #tpu.contract_precision<fp32>, transpose_lhs_hint = false} : vector<10000x64xf32>, vector<64x64xf32>, vector<10000x64xf32> -> vector<10000x64xf32>
    %get3A_27 = arith.constant 0 : index
    %get3A_28 = arith.constant 0 : index
    %get3A_29 = vector.load %arg6[%get3A_27, %get3A_28] : memref<10000x1xf32, #tpu.memory_space<vmem>>, vector<10000x1xf32>
    %mul3A_30 = vector.broadcast %get3A_29 : vector<10000x1xf32> to vector<10000x64xf32>
    %mul3A_31 = arith.mulf %dot_general3A_26, %mul3A_30 : vector<10000x64xf32>
    %swap3A = arith.constant 0 : index
    %swap3A_32 = arith.constant 0 : index
    %swap3A_33 = vector.load %arg7[%swap3A, %swap3A_32] : memref<10000x64xf32, #tpu.memory_space<vmem>>, vector<10000x64xf32>
    tpu.vector_store %arg7[%swap3A, %swap3A_32], %mul3A_31 {strides = array<i32>} : memref<10000x64xf32, #tpu.memory_space<vmem>>, vector<10000x64xf32>,
    return
  }
}

module attributes {stable_mosaic.version = 14 : i64} {
  func.func @_tc_applypool_body(%arg0: memref<10000x64xf32, #tpu.memory_space<vmem>>, %arg1: memref<64x64xf32, #tpu.memory_space<vmem>>, %arg2: memref<1x64xf32, #tpu.memory_space<vmem>>, %arg3: memref<1x64xf32, #tpu.memory_space<vmem>>, %arg4: memref<10000x1xi32, #tpu.memory_space<vmem>>, %arg5: memref<1x10000xi32, #tpu.memory_space<vmem>>, %arg6: memref<64x1xf32, #tpu.memory_space<vmem>>, %arg7: memref<64x64xf32, #tpu.memory_space<vmem>>) attributes {dimension_semantics = [], scalar_prefetch = 0 : i64, scratch_operands = 0 : i64, tpu.core_type = #tpu.core_type<tc>} {
    %iota3A = tpu.iota {dimensions = array<i32: 1>} : vector<10000x64xi32>
    %get3A = arith.constant 0 : index
    %get3A_0 = arith.constant 0 : index
    %get3A_1 = vector.load %arg4[%get3A, %get3A_0] : memref<10000x1xi32, #tpu.memory_space<vmem>>, vector<10000x1xi32>
    %eq3A = vector.broadcast %get3A_1 : vector<10000x1xi32> to vector<10000x64xi32>
    %eq3A_2 = arith.cmpi eq, %eq3A, %iota3A : vector<10000x64xi32>
    %jit3A = arith.constant 1.000000e+00 : f32
    %jit3A_3 = arith.constant 0.000000e+00 : f32
    %broadcast_in_dim3A = vector.broadcast %jit3A : f32 to vector<10000x64xf32>
    %broadcast_in_dim3A_4 = vector.broadcast %jit3A_3 : f32 to vector<10000x64xf32>
    %select_n3A = arith.select %eq3A_2, %broadcast_in_dim3A, %broadcast_in_dim3A_4 : vector<10000x64xi1>, vector<10000x64xf32>
    %get3A_5 = arith.constant 0 : index
    %get3A_6 = arith.constant 0 : index
    %get3A_7 = vector.load %arg1[%get3A_5, %get3A_6] : memref<64x64xf32, #tpu.memory_space<vmem>>, vector<64x64xf32>
    %dot_general3A = arith.constant dense<0.000000e+00> : vector<10000x64xf32>
    %dot_general3A_8 = tpu.matmul %select_n3A, %get3A_7, %dot_general3A {dimension_numbers = #tpu.dot_dimension_numbers<[1], [0], [0], [1], [0, 0, 1, 1], [], []>, precision = #tpu.contract_precision<fp32>, transpose_lhs_hint = false} : vector<10000x64xf32>, vector<64x64xf32>, vector<10000x64xf32> -> vector<10000x64xf32>
    %get3A_9 = arith.constant 0 : index
    %get3A_10 = arith.constant 0 : index
    %get3A_11 = vector.load %arg2[%get3A_9, %get3A_10] : memref<1x64xf32, #tpu.memory_space<vmem>>, vector<1x64xf32>
    %get3A_12 = arith.constant 0 : index
    %get3A_13 = arith.constant 0 : index
    %get3A_14 = vector.load %arg0[%get3A_12, %get3A_13] : memref<10000x64xf32, #tpu.memory_space<vmem>>, vector<10000x64xf32>
    %div3A = arith.divf %get3A_14, %dot_general3A_8 : vector<10000x64xf32>
    %mul3A = vector.broadcast %get3A_11 : vector<1x64xf32> to vector<10000x64xf32>
    %mul3A_15 = arith.mulf %mul3A, %div3A : vector<10000x64xf32>
    %get3A_16 = arith.constant 0 : index
    %get3A_17 = arith.constant 0 : index
    %get3A_18 = vector.load %arg3[%get3A_16, %get3A_17] : memref<1x64xf32, #tpu.memory_space<vmem>>, vector<1x64xf32>
    %add3A = vector.broadcast %get3A_18 : vector<1x64xf32> to vector<10000x64xf32>
    %add3A_19 = arith.addf %mul3A_15, %add3A : vector<10000x64xf32>
    %max3A = arith.constant 0.000000e+00 : f32
    %max3A_20 = vector.broadcast %max3A : f32 to vector<10000x64xf32>
    %max3A_21 = arith.maximumf %add3A_19, %max3A_20 : vector<10000x64xf32>
    %iota3A_22 = tpu.iota {dimensions = array<i32: 0>} : vector<64x10000xi32>
    %get3A_23 = arith.constant 0 : index
    %get3A_24 = arith.constant 0 : index
    %get3A_25 = vector.load %arg5[%get3A_23, %get3A_24] : memref<1x10000xi32, #tpu.memory_space<vmem>>, vector<1x10000xi32>
    %eq3A_26 = vector.broadcast %get3A_25 : vector<1x10000xi32> to vector<64x10000xi32>
    %eq3A_27 = arith.cmpi eq, %eq3A_26, %iota3A_22 : vector<64x10000xi32>
    %jit3A_28 = arith.constant 1.000000e+00 : f32
    %jit3A_29 = arith.constant 0.000000e+00 : f32
    %broadcast_in_dim3A_30 = vector.broadcast %jit3A_28 : f32 to vector<64x10000xf32>
    %broadcast_in_dim3A_31 = vector.broadcast %jit3A_29 : f32 to vector<64x10000xf32>
    %select_n3A_32 = arith.select %eq3A_27, %broadcast_in_dim3A_30, %broadcast_in_dim3A_31 : vector<64x10000xi1>, vector<64x10000xf32>
    %dot_general3A_33 = arith.constant dense<0.000000e+00> : vector<64x64xf32>
    %dot_general3A_34 = tpu.matmul %select_n3A_32, %max3A_21, %dot_general3A_33 {dimension_numbers = #tpu.dot_dimension_numbers<[1], [0], [0], [1], [0, 0, 1, 1], [], []>, precision = #tpu.contract_precision<fp32>, transpose_lhs_hint = false} : vector<64x10000xf32>, vector<10000x64xf32>, vector<64x64xf32> -> vector<64x64xf32>
    %get3A_35 = arith.constant 0 : index
    %get3A_36 = arith.constant 0 : index
    %get3A_37 = vector.load %arg6[%get3A_35, %get3A_36] : memref<64x1xf32, #tpu.memory_space<vmem>>, vector<64x1xf32>
    %div3A_38 = vector.broadcast %get3A_37 : vector<64x1xf32> to vector<64x64xf32>
    %div3A_39 = arith.divf %dot_general3A_34, %div3A_38 : vector<64x64xf32>
    %swap3A = arith.constant 0 : index
    %swap3A_40 = arith.constant 0 : index
    %swap3A_41 = vector.load %arg7[%swap3A, %swap3A_40] : memref<64x64xf32, #tpu.memory_space<vmem>>, vector<64x64xf32>
    tpu.vector_store %arg7[%swap3A, %swap3A_40], %div3A_39 {strides = array<i32>} : memref<64x64xf32, #tpu.memory_space<vmem>>, vector<64x64xf32>,
    return
  }
}

</mosaic_0001>

<sc_bundles>
// kernel: kernel.13.cloned.1.call-start
scs
__scs_entry_jumppad:
0x0: {  	(pc) =	sbr.rel $0x88, $3  }
0x1: {  	(tag) =	ssettag $0x0;
	lr =	simm.s32 $0x1  }
0x2: {  	[smem:$0x3F94] =	sst lr;
	_ =	strace $0xD0000000  }
0x3: {  	_ = 	snop  }
0x4: {  	_ = 	snop  }
0x5: {  	_ = 	snop  }
0x6: {  	_ = 	snop  }
0x7: {  	_ = 	snop  }
__scs_overlays_trampoline_lowered:
0x8: {  	[smem:$0x3FA3] =	sst s0  }
0x9: {  	[smem:$0x3FA4] =	sst s1  }
0xa: {  	[smem:$0x3FA5] =	sst s2  }
0xb: {  	[smem:$0x3FA6] =	sst s3  }
0xc: {  	[smem:$0x3FA7] =	sst s4  }
0xd: {  	[smem:$0x3FA8] =	sst s5  }
0xe: {  	[smem:$0x3FA9] =	sst s6  }
0xf: {  	[smem:$0x3FAA] =	sst s7  }
0x10: {  	[smem:$0x3FAB] =	sst s8  }
0x11: {  	[smem:$0x3FAC] =	sst s9;
	s0 =	simm.s32 @!p0 $0x0  }
0x12: {  	s1 =	sld [smem:$0x3F92];
	s0 =	simm.s32 @p0 $0x1  }
0x13: {  	[smem:$0x3FAD] =	sst s0;
	s0 =	simm.s32 @!p1 $0x0  }
0x14: {  	s2 =	sld [smem:$0x3F91];
	s0 =	simm.s32 @p1 $0x1  }
0x15: {  	[smem:$0x3FAE] =	sst s0;
	s0 =	simm.s32 @!p2 $0x0  }
0x16: {  	s3 =	sld [smem:$0x3FDB];
	s0 =	simm.s32 @p2 $0x1  }
0x17: {  	s4 =	simm.s32 $0x1BF5;
	[smem:$0x3FB0] =	sst s0  }
0x18: {  	s0 =	sld [smem:$0x3F93];
	_ =	swait.ge [sflag:s4], $0x0  }
0x19: {  	s7 =	sld [smem:$0x3F94]  }
0x1a: {  	s8 =	sadd.s32 $0xFFFFE003, lr  }
0x1b: {  	s9 =	sadd.s32 $0xFFFFFEF7, lr;
	s5 =	simm.s32 $0xFFFFFFFF;
	p2 =	slt.u32 s8, $0xFFFFF086  }
0x1c: {  	p1 =	slt.u32 s9, $0xF7A;
	s5 =	simm.s32 @!p2 $0x0  }
0x1d: {  	s5 =	simm.s32 @p1 $0x1;
	p0 =	seq.s32 s7, s2  }
0x1e: {  	s7 =	smul.u32 @!p0 $0xF7A, s2;
	p2 =	seq.s32 @!p0 s5, $0x0  }
0x1f: {  	s9 =	smul.u32 $0xF7A, s1;
	s8 =	simm.s32 @!p0 $0x1BF5;
	p2 =	por !p2, p0  }
0x20: {  	[sflag:s8] =	ssyncset.s32 @!p0 $0xFFFFF086;
	s6 =	sadd.s32 @!p0 s3, s7;
	s7 =	simm.s32 @!p0 $0x108  }
0x21: {  	s3 =	sadd.s32 s3, s9;
	s6 =	sadd.s32 @!p0 $0x88, s6;
	s7 =	simm.s32 @p2 $0x1082  }
0x22: {  	[simem:s7], [sflag:s8] =	dma.local @!p0 [hbm:s6], $0xF7A  }
0x23: {  	s9 =	sor.u32 $0xD0000000, s2;
	s6 =	simm.s32 $0x108;
	_ =	swait.ge @!p0 [sflag:s8], $0x0  }
0x24: {  	s3 =	sadd.s32 $0x88, s3;
	s6 =	simm.s32 @!p1 $0x1082;
	[sflag:s4] =	ssyncset.s32 $0xFFFFF086  }
0x25: {  	[simem:s6], [sflag:s4] =	dma.local [hbm:s3], $0xF7A  }
0x26: {  	[smem:$0x3F94] =	sst s1;
	(tag) =	ssettag s2;
	_ =	strace s9  }
0x27: {  	s1 =	sld [smem:$0x3FA4]  }
0x28: {  	s2 =	sld [smem:$0x3FA5]  }
0x29: {  	s4 =	sld [smem:$0x3FA7]  }
0x2a: {  	p0 =	seq.s32 s5, $0x0;
	s5 =	sld [smem:$0x3FA8]  }
0x2b: {  	s6 =	sld [smem:$0x3FA9]  }
0x2c: {  	s7 =	sld [smem:$0x3FAA]  }
0x2d: {  	s3 =	simm.s32 $0x108;
	s8 =	sld [smem:$0x3FAB]  }
0x2e: {  	s3 =	simm.s32 @!p0 $0x1082;
	s9 =	sld [smem:$0x3FAC]  }
0x2f: {  	lr =	sadd.s32 s0, s3;
	s0 =	sld [smem:$0x3FA3]  }
0x30: {  	s3 =	sld [smem:$0x3FA6]  }
0x31: {  	[smem:$0x3FAF] =	sst s10  }
0x32: {  	s10 =	sld [smem:$0x3FAD];
	_ =	sdelay $0x3  }
0x33: {  	p0 =	seq.s32 s10, $0x1;
	s10 =	sld [smem:$0x3FAF];
	_ =	sdelay $0x3  }
0x34: {  	[smem:$0x3FAF] =	sst s10  }
0x35: {  	s10 =	sld [smem:$0x3FAE];
	_ =	sdelay $0x3  }
0x36: {  	p1 =	seq.s32 s10, $0x1;
	s10 =	sld [smem:$0x3FAF];
	_ =	sdelay $0x3  }
0x37: {  	[smem:$0x3FAF] =	sst s10  }
0x38: {  	s10 =	sld [smem:$0x3FB0]  }
0x39: {  	_ = 	snop;
	(pc) =	sbr.ind lr, $3  }
0x3a: {  	_ = 	snop  }
0x3b: {  	_ = 	snop  }
0x3c: {  	p2 =	seq.s32 s10, $0x1;
	s10 =	sld [smem:$0x3FAF]  }
0x3d: {  	_ =	shalt  }
0x3e: {  	_ =	shalt  }
0x3f: {  	_ =	shalt  }
0x40: {  	_ =	shalt  }
0x41: {  	_ =	shalt  }
0x42: {  	_ =	shalt  }
0x43: {  	_ =	shalt  }
0x44: {  	_ =	shalt  }
0x45: {  	_ =	shalt  }
0x46: {  	_ =	shalt  }
0x47: {  	_ =	shalt  }
0x48: {  	_ =	shalt  }
0x49: {  	_ =	shalt  }
0x4a: {  	_ =	shalt  }
0x4b: {  	_ =	shalt  }
0x4c: {  	_ =	shalt  }
0x4d: {  	_ =	shalt  }
0x4e: {  	_ =	shalt  }
0x4f: {  	_ =	shalt  }
0x50: {  	_ =	shalt  }
0x51: {  	_ =	shalt  }
0x52: {  	_ =	shalt  }
0x53: {  	_ =	shalt  }
0x54: {  	_ =	shalt  }
0x55: {  	_ =	shalt  }
0x56: {  	_ =	shalt  }
0x57: {  	_ =	shalt  }
0x58: {  	_ =	shalt  }
0x59: {  	_ =	shalt  }
0x5a: {  	_ =	shalt  }
0x5b: {  	_ =	shalt  }
0x5c: {  	_ =	shalt  }
0x5d: {  	_ =	shalt  }
0x5e: {  	_ =	shalt  }
0x5f: {  	_ =	shalt  }
0x60: {  	_ =	shalt  }
0x61: {  	_ =	shalt  }
0x62: {  	_ =	shalt  }
0x63: {  	_ =	shalt  }
0x64: {  	_ =	shalt  }
0x65: {  	_ =	shalt  }
0x66: {  	_ =	shalt  }
0x67: {  	_ =	shalt  }
0x68: {  	_ =	shalt  }
0x69: {  	_ =	shalt  }
0x6a: {  	_ =	shalt  }
0x6b: {  	_ =	shalt  }
0x6c: {  	_ =	shalt  }
0x6d: {  	_ =	shalt  }
0x6e: {  	_ =	shalt  }
0x6f: {  	_ =	shalt  }
0x70: {  	_ =	shalt  }
0x71: {  	_ =	shalt  }
0x72: {  	_ =	shalt  }
0x73: {  	_ =	shalt  }
0x74: {  	_ =	shalt  }
0x75: {  	_ =	shalt  }
0x76: {  	_ =	shalt  }
0x77: {  	_ =	shalt  }
0x78: {  	_ =	shalt  }
0x79: {  	_ =	shalt  }
0x7a: {  	_ =	shalt  }
0x7b: {  	_ =	shalt  }
0x7c: {  	_ =	shalt  }
0x7d: {  	_ =	shalt  }
0x7e: {  	_ =	shalt  }
0x7f: {  	_ =	shalt  }
0x80: {  	_ =	shalt  }
0x81: {  	_ =	shalt  }
0x82: {  	_ =	shalt  }
0x83: {  	_ =	shalt  }
0x84: {  	_ =	shalt  }
0x85: {  	_ =	shalt  }
0x86: {  	_ =	shalt  }
0x87: {  	_ =	shalt  }
.Lfunc_end0:
.L_simem_size_0:
called_computation_lowered:
.L_overlay_start_0:
0x88: {  	s2 =	sld [smem:$0x3FD9]  }
0x89: {  	s3 =	sld [smem:$0x3FFE];
	_ =	sdelay $0x1  }
0x8a: {  	s1 =	srdreg.scid  }
0x8b: {  	s0 =	sand.u32 $0x1, s1  }
0x8c: {  	s16 =	sshll.u32 s0, $0xA;
	s2 =	sadd.s32 s3, s2  }
0x8d: {  	s2 =	sadd.s32 s2, s16  }
0x8e: {  	[smem:$0x3FBB] =	sst s2  }
0x8f: {  	_ = 	snop  }
0x90: {  	(tm) =	ssettm $0x1  }
0x91: {  	s17 =	sld [smem:$0x3FFB];
	_ =	sdelay $0x3  }
0x92: {  	_ =	strace s17  }
0x93: {  	s2 =	sld [smem:$0x3FFC];
	_ =	sdelay $0x3  }
0x94: {  	_ =	strace s2  }
0x95: {  	s2 =	sld [smem:$0x3FFD];
	_ =	sdelay $0x3  }
0x96: {  	_ =	strace s2  }
0x97: {  	_ =	strace $0x8FFFFFFF  }
0x98: {  	s18 =	sld [smem:$0x3FDB];
	_ =	sdelay $0x1  }
0x99: {  	s19 =	simm.s32 $_scs_section_size  }
0x9a: {  	s4 =	simm.s32 $_size__tile_overlayer_lowered;
	s5 =	simm.s32 $_tile_overlayer_lowered  }
0x9b: {  	s22 =	simm.s32 $0x1BFF;
	s21 =	sshll.u32 s5, $0x1;
	s2 =	sadd.s32 s19, s18  }
0x9c: {  	s6 =	simm.s32 $0x0;
	s20 =	sshll.u32 s4, $0x1;
	s4 =	sadd.s32 s21, s2  }
0x9d: {  	[timem:s6], [sflag:s22] =	dma.local [hbm:s4], s20  }
0x9e: {  	_ =	swait.ge [sflag:s22], s20  }
0x9f: {  	s3 =	ssub.s32 $0x0, s20;
	[sflag:s22] =	ssyncset.done $0x0  }
0xa0: {  	[sflag:s22] =	ssyncadd.s32 s3;
	_ =	sdelay $0x1  }
0xa1: {  	s23 =	simm.s32 $0x1B8B  }
0xa2: {  	_ =	swait.ge [sflag:s23], $0x1  }
0xa3: {  	[sflag:s23] =	ssyncset.done $0x0  }
0xa4: {  	s25 =	simm.s32 $0x1B8E;
	s24 =	sld [smem:$0x3FFE];
	[sflag:s23] =	ssyncadd.s32 $0xFFFFFFFF  }
0xa5: {  	s26 =	simm.s32 $execute0_lowered;
	[smem:$0x3FD2] =	sst s25  }
0xa6: {  	s4 =	sshll.u32 s26, $0x1;
	_ =	strace $0x80000046;
	[dreg:$0x1] =	wrdreg $0xFFFFFFFF  }
0xa7: {  	s28 =	simm.s32 $_size_execute0_lowered;
	s2 =	sadd.s32 s2, s4;
	[dreg:$0x0] =	wrdreg $0x0  }
0xa8: {  	s4 =	sshll.u32 s28, $0x1;
	[dreg:$0x2] =	wrdreg s2  }
0xa9: {  	[dreg:$0x3] =	wrdreg s4  }
0xaa: {  	[dreg:$0x4] =	wrdreg $0xC0  }
0xab: {  	_ =	task [dreg:s6], $0x5FFFF  }
0xac: {  	[dreg:$0x1] =	wrdreg $0xFFFFFFFF  }
0xad: {  	[dreg:$0x0] =	wrdreg $0x60  }
0xae: {  	[dreg:$0x2] =	wrdreg s24  }
0xaf: {  	[dreg:$0x3] =	wrdreg $0x0  }
0xb0: {  	[dreg:$0x4] =	wrdreg $0x9  }
0xb1: {  	_ =	task.clear_ibuf [dreg:s6], $0x5FFFF;
	_ =	strace $0x90000046  }
0xb2: {  	s29 =	simm.s32 $0x9;
	_ =	strace $0x80000048  }
0xb3: {  	_ =	swait.ge [sflag:s29], $0x1  }
0xb4: {  	[sflag:s29] =	ssyncadd.s32 $0xFFFFFFFF  }
0xb5: {  	_ =	strace $0x90000048  }
0xb6: {  	_ =	sfence  }
0xb7: {  	s30 =	sld [smem:$0x0];
	_ =	sdelay $0x2  }
0xb8: {  	s31 =	sshll.u32 s1, $0xD;
	s1 =	sshrl.u32 s1, $0x2  }
0xb9: {  	s3 =	sand.u32 $0x4000, s31;
	s1 =	sadd.s32 s1, s30  }
0xba: {  	s0 =	sor.u32 s3, s0;
	s1 =	sshll.u32 s1, $0x11  }
0xbb: {  	s0 =	sor.u32 s1, s0  }
0xbc: {  	s0 =	sadd.s32 $0x8F2B, s0  }
0xbd: {  	[sflag:s0] =	ssyncadd.remote.s32 $0x1  }
0xbe: {  	_ =	sfence.sel $0xFFFF  }
0xbf: {  	[dreg:$0x0] =	wrdreg $0xFFFFFFFF;
	(pc) =	sbr.abs _section_cstart, $3  }
0xc0: {  	[dreg:$0x1] =	wrdreg $0xFFFFFFFF  }
0xc1: {  	_ =	task.clear_ibuf [dreg:s6], $0x2FFFF;
	_ =	strace $0x9FFFFFFF  }
0xc2: {  	(tm) =	ssettm $0x7FFFFFFF  }
0xc3: {  	_ =	shalt  }
tec
execute0_lowered:
.L_overlay_start_1:
0x0: {  	(tag) =	ssettag $0x1  }
0x1: {  	s1 =	srdreg.scid;
	s5 =	rddreg [dreg:$0x0]  }
0x2: {  	s0 =	stileid.u32;
	s2 =	rddreg [dreg:$0x1]  }
0x3: {  	s4 =	sand.u32 $0x1, s1;
	s30 =	sshll.u32 s0, $0x1;
	s10 =	smul.u32 $0x2800, s0  }
0x4: {  	s3 =	simm.s32 $0x0;
	s1 =	sor.u32 s4, s30;
	s7 =	smul.u32 $0x5000, s4  }
0x5: {  	[smem:$0x7FF] =	sst s3;
	s4 =	ssub.s32 $0x2, s4;
	s6 =	smul.u32 $0x4F0, s1  }
0x6: {  	s1 =	rddreg [dreg:$0x2];
	_ =	strace $0x80000047;
	s31 =	sshrl.u32 s4, $0x1  }
0x7: {  	s12 =	sadd.s32 $0x800, s10;
	s14 =	sadd.s32 $0x1000, s10;
	s15 =	sadd.s32 $0x1800, s10  }
0x8: {  	s16 =	sadd.s32 $0x2000, s10;
	s17 =	sshrl.u32 s10, $0x3;
	s11 =	sadd.s32 s7, s5  }
0x9: {  	s13 =	ssub.s32 s4, s31;
	s4 =	sadd.s32 s10, s2;
	s7 =	sadd.s32 s15, s2  }
0xa: {  	s8 =	sadd.s32 s16, s2;
	s18 =	sshrl.u32 s12, $0x3;
	s19 =	sshrl.u32 s14, $0x3  }
0xb: {  	s21 =	sshrl.u32 s15, $0x3;
	s22 =	sshrl.u32 s16, $0x3;
	s15 =	simm.s32 $0x4F80  }
0xc: {  	s9 =	sadd.s32 s6, s5;
	s5 =	sadd.s32 s12, s2;
	s6 =	sadd.s32 s14, s2  }
0xd: {  	s20 =	sadd.s32 $0xD600, s11;
	s10 =	smax.u32 s13, $0x1;
	s11 =	simm.s32 $0x5780  }
0xe: {  	s12 =	simm.s32 $0x1;
	s13 =	simm.s32 $0x2800;
	s14 =	simm.s32 $0x80  }
0xf: {  	s9 =	sadd.s32 $0x3800, s9;
	s16 =	sadd.s32 s17, s20;
	s17 =	sadd.s32 s18, s20  }
0x10: {  	v0 =	vimm.f32 $1.000000000e+00;
	v1 =	vimm.f32 $0.0e+00;
	s18 =	sadd.s32 s19, s20;
	s19 =	sadd.s32 s21, s20;
	s20 =	sadd.s32 s22, s20  }
.LBB2_1:
0x11: {  	s21 =	simm.s32 $0x40;
	s22 =	simm.s32 $0x0  }
.LBB2_2:
0x12: {  	p0 =	sne.s32 s21, $0x1FC0;
	[tilespmem:s22+$0x4F80] =	vst v0;
	s23 =	smov.u32 s21;
	s21 =	sadd.s32 $0x40, s21  }
.Ltmp0:
0x13: {  	[tilespmem:s22+$0x5780] =	vst v1;
	(pc) =	sbr.rel @p0 .LBB2_2-.Ltmp0, $2  }
0x14: {  	_ =	sdelay $0x2  }
0x15: {  	s22 =	sshra.s32 s23, $0x2  }
0x16: {  	[tilespmem:s22+$0x4F80] =	vst v0  }
0x17: {  	[tilespmem:s22+$0x5780] =	vst v1  }
0x18: {  	[spmem:s4] =	stream.linear.scatter [tilespmem:s11], [sflag:$0x1], $0x800, $0x38;
	[tilespmem:$0x5F80] =	vst v63  }
0x19: {  	_ =	swait.ge [sflag:s12], $0x800  }
0x1a: {  	[sflag:s12] =	ssyncset.done $0x0  }
0x1b: {  	[sflag:s12] =	ssyncadd.s32 $0xFFFFF800  }
0x1c: {  	[spmem:s5] =	stream.linear.scatter [tilespmem:s11], [sflag:$0x1], $0x800, $0x38;
	[tilespmem:$0x5F80] =	vst v63  }
0x1d: {  	_ =	swait.ge [sflag:s12], $0x800  }
0x1e: {  	[sflag:s12] =	ssyncset.done $0x0  }
0x1f: {  	[sflag:s12] =	ssyncadd.s32 $0xFFFFF800  }
0x20: {  	[spmem:s6] =	stream.linear.scatter [tilespmem:s11], [sflag:$0x1], $0x800, $0x38;
	[tilespmem:$0x5F80] =	vst v63  }
0x21: {  	_ =	swait.ge [sflag:s12], $0x800  }
0x22: {  	[sflag:s12] =	ssyncset.done $0x0  }
0x23: {  	[sflag:s12] =	ssyncadd.s32 $0xFFFFF800  }
0x24: {  	[spmem:s7] =	stream.linear.scatter [tilespmem:s11], [sflag:$0x1], $0x800, $0x38;
	[tilespmem:$0x5F80] =	vst v63  }
0x25: {  	_ =	swait.ge [sflag:s12], $0x800  }
0x26: {  	[sflag:s12] =	ssyncset.done $0x0  }
0x27: {  	[sflag:s12] =	ssyncadd.s32 $0xFFFFF800  }
0x28: {  	[spmem:s8] =	stream.linear.scatter [tilespmem:s11], [sflag:$0x1], $0x800, $0x38;
	[tilespmem:$0x5F80] =	vst v63  }
0x29: {  	_ =	swait.ge [sflag:s12], $0x800  }
0x2a: {  	[sflag:s12] =	ssyncset.done $0x0  }
0x2b: {  	[sflag:s12] =	ssyncadd.s32 $0xFFFFF800  }
0x2c: {  	s21 =	simm.s32 $0x0;
	[bflag:$0x0] =	sbarrier.arrive $0xFFFF  }
0x2d: {  	[tilespmem:s13], [sflag:$0x1] =	stream.linear.gather [hbm4b:s9+s21], $0x2780, $0x38;
	[tilespmem:$0x5F80] =	vst v63  }
0x2e: {  	_ =	swait.ge [sflag:s12], $0x2780  }
0x2f: {  	[sflag:s12] =	ssyncset.done $0x0  }
0x30: {  	s31 =	simm.s32 $0x2800;
	[sflag:s12] =	ssyncadd.s32 $0xFFFFD880  }
0x31: {  	[spmem:s2] =	stream.indirect.scatter.add.f32 [tilespmem:s15], [sflag:$0x1], $0x10, s31, s14, $0xb8;
	[tilespmem:$0x5F80] =	vst v63  }
0x32: {  	s21 =	simm.s32 $0x200;
	_ =	swait.ge [sflag:s12], $0x800  }
.LBB2_4:
0x33: {  	s22 =	sshra.s32 s21, $0x2;
	[sflag:s12] =	ssyncset.done $0x0;
	p0 =	sne.s32 s21, $0x9C00  }
.Ltmp1:
0x34: {  	s22 =	sadd.s32 $0x2800, s22;
	[sflag:s12] =	ssyncadd.s32 $0xFFFFF800;
	(pc) =	sbr.rel @p0 .LBB2_4-.Ltmp1, $3  }
0x35: {  	[spmem:s2] =	stream.indirect.scatter.add.f32 [tilespmem:s15], [sflag:$0x1], $0x10, s22, s14, $0xb8;
	[tilespmem:$0x5F80] =	vst v63  }
0x36: {  	s21 =	sadd.s32 $0x200, s21;
	_ =	sdelay $0x1  }
0x37: {  	_ =	swait.ge [sflag:s12], $0x800  }
0x38: {  	[sflag:s12] =	ssyncset.done $0x0  }
0x39: {  	s21 =	sshll.u32 s0, $0x6;
	[sflag:s12] =	ssyncadd.s32 $0xFFFFF800  }
0x3a: {  	s22 =	sshrl.u32 s4, $0x3;
	s21 =	sor.u32 $0x1C01, s21;
	[bflag:$0x0] =	sbarrier.arrive $0xFFFF  }
0x3b: {  	[hbm:s16], [sflag:s21] =	dma.local [spmem:s22], $0x100  }
0x3c: {  	_ =	swait.ge [sflag:s12], $0x100  }
0x3d: {  	[sflag:s12] =	ssyncset.done $0x0  }
0x3e: {  	s28 =	sshrl.u32 s5, $0x3;
	[sflag:s12] =	ssyncadd.s32 $0xFFFFFF00  }
0x3f: {  	[hbm:s17], [sflag:s21] =	dma.local [spmem:s28], $0x100  }
0x40: {  	_ =	swait.ge [sflag:s12], $0x100  }
0x41: {  	[sflag:s12] =	ssyncset.done $0x0  }
0x42: {  	s29 =	sshrl.u32 s6, $0x3;
	[sflag:s12] =	ssyncadd.s32 $0xFFFFFF00  }
0x43: {  	[hbm:s18], [sflag:s21] =	dma.local [spmem:s29], $0x100  }
0x44: {  	_ =	swait.ge [sflag:s12], $0x100  }
0x45: {  	[sflag:s12] =	ssyncset.done $0x0  }
0x46: {  	s30 =	sshrl.u32 s7, $0x3;
	[sflag:s12] =	ssyncadd.s32 $0xFFFFFF00  }
0x47: {  	[hbm:s19], [sflag:s21] =	dma.local [spmem:s30], $0x100  }
0x48: {  	s3 =	sadd.s32 $0x1, s3;
	_ =	swait.ge [sflag:s12], $0x100  }
0x49: {  	p0 =	sne.s32 s3, s10;
	[sflag:s12] =	ssyncset.done $0x0  }
.Ltmp2:
0x4a: {  	s31 =	sshrl.u32 s8, $0x3;
	[sflag:s12] =	ssyncadd.s32 $0xFFFFFF00;
	(pc) =	sbr.rel @p0 .LBB2_1-.Ltmp2, $4  }
0x4b: {  	[hbm:s20], [sflag:s21] =	dma.local [spmem:s31], $0x100  }
0x4c: {  	_ =	swait.ge [sflag:s12], $0x100  }
0x4d: {  	[sflag:s12] =	ssyncset.done $0x0  }
0x4e: {  	[sflag:s12] =	ssyncadd.s32 $0xFFFFFF00  }
0x4f: {  	_ =	sfence.sel $0x180000  }
0x50: {  	[bflag:$0x0] =	sbarrier.arrive $0xFFFF  }
0x51: {  	p0 =	sne.s32 s0, $0x0;
	_ =	strace $0x90000047  }
0x52: {  	s0 =	sadd.s32 @!p0 $0x100000, s1;
	[bflag:$0x2] =	sbarrier.arrive $0xFFFF  }
0x53: {  	[sflag:s0] =	ssyncadd.tile.s32 @!p0 $0x1;
	_ =	shalt  }
.Lfunc_end2:
_tile_overlayer_lowered:
.L_overlay_start_2:
0x54: {  	(tag) =	ssettag $0x2  }
0x55: {  	s0 =	rddreg [dreg:$0x0];
	s2 =	stileid.u32  }
0x56: {  	s1 =	rddreg [dreg:$0x1];
	p0 =	sne.s32 s2, $0x0  }
0x57: {  	s3 =	rddreg [dreg:$0x2];
	[bflag:$0x3] =	sbarrier.arrive $0xFFFF;
	s2 =	simm.s32 @!p0 $0x1C01  }
0x58: {  	[timem:s3], [sflag:s2] =	dma.local @!p0 [hbm:s0], s1  }
0x59: {  	s0 =	simm.s32 @!p0 $0x1  }
0x5a: {  	_ =	swait.ge @!p0 [sflag:s0], s1  }
0x5b: {  	s1 =	ssub.s32 @!p0 $0x0, s1;
	[sflag:s0] =	ssyncset.done @!p0 $0x0  }
0x5c: {  	[sflag:s0] =	ssyncadd.s32 @!p0 s1  }
0x5d: {  	[bflag:$0x3] =	sbarrier.arrive $0xFFFF  }
0x5e: {  	_ =	shalt  }

// kernel: kernel.16.cloned.1.call-start
scs
__scs_entry_jumppad:
0x0: {  	(pc) =	sbr.rel $0x88, $3  }
0x1: {  	(tag) =	ssettag $0x0;
	lr =	simm.s32 $0x1  }
0x2: {  	[smem:$0x3F94] =	sst lr;
	_ =	strace $0xD0000000  }
0x3: {  	_ = 	snop  }
0x4: {  	_ = 	snop  }
0x5: {  	_ = 	snop  }
0x6: {  	_ = 	snop  }
0x7: {  	_ = 	snop  }
__scs_overlays_trampoline_lowered:
0x8: {  	[smem:$0x3FA3] =	sst s0  }
0x9: {  	[smem:$0x3FA4] =	sst s1  }
0xa: {  	[smem:$0x3FA5] =	sst s2  }
0xb: {  	[smem:$0x3FA6] =	sst s3  }
0xc: {  	[smem:$0x3FA7] =	sst s4  }
0xd: {  	[smem:$0x3FA8] =	sst s5  }
0xe: {  	[smem:$0x3FA9] =	sst s6  }
0xf: {  	[smem:$0x3FAA] =	sst s7  }
0x10: {  	[smem:$0x3FAB] =	sst s8  }
0x11: {  	[smem:$0x3FAC] =	sst s9;
	s0 =	simm.s32 @!p0 $0x0  }
0x12: {  	s1 =	sld [smem:$0x3F92];
	s0 =	simm.s32 @p0 $0x1  }
0x13: {  	[smem:$0x3FAD] =	sst s0;
	s0 =	simm.s32 @!p1 $0x0  }
0x14: {  	s2 =	sld [smem:$0x3F91];
	s0 =	simm.s32 @p1 $0x1  }
0x15: {  	[smem:$0x3FAE] =	sst s0;
	s0 =	simm.s32 @!p2 $0x0  }
0x16: {  	s3 =	sld [smem:$0x3FDB];
	s0 =	simm.s32 @p2 $0x1  }
0x17: {  	s4 =	simm.s32 $0x1BF5;
	[smem:$0x3FB0] =	sst s0  }
0x18: {  	s0 =	sld [smem:$0x3F93];
	_ =	swait.ge [sflag:s4], $0x0  }
0x19: {  	s7 =	sld [smem:$0x3F94]  }
0x1a: {  	s8 =	sadd.s32 $0xFFFFE003, lr  }
0x1b: {  	s9 =	sadd.s32 $0xFFFFFEF7, lr;
	s5 =	simm.s32 $0xFFFFFFFF;
	p2 =	slt.u32 s8, $0xFFFFF086  }
0x1c: {  	p1 =	slt.u32 s9, $0xF7A;
	s5 =	simm.s32 @!p2 $0x0  }
0x1d: {  	s5 =	simm.s32 @p1 $0x1;
	p0 =	seq.s32 s7, s2  }
0x1e: {  	s7 =	smul.u32 @!p0 $0xF7A, s2;
	p2 =	seq.s32 @!p0 s5, $0x0  }
0x1f: {  	s9 =	smul.u32 $0xF7A, s1;
	s8 =	simm.s32 @!p0 $0x1BF5;
	p2 =	por !p2, p0  }
0x20: {  	[sflag:s8] =	ssyncset.s32 @!p0 $0xFFFFF086;
	s6 =	sadd.s32 @!p0 s3, s7;
	s7 =	simm.s32 @!p0 $0x108  }
0x21: {  	s3 =	sadd.s32 s3, s9;
	s6 =	sadd.s32 @!p0 $0x88, s6;
	s7 =	simm.s32 @p2 $0x1082  }
0x22: {  	[simem:s7], [sflag:s8] =	dma.local @!p0 [hbm:s6], $0xF7A  }
0x23: {  	s9 =	sor.u32 $0xD0000000, s2;
	s6 =	simm.s32 $0x108;
	_ =	swait.ge @!p0 [sflag:s8], $0x0  }
0x24: {  	s3 =	sadd.s32 $0x88, s3;
	s6 =	simm.s32 @!p1 $0x1082;
	[sflag:s4] =	ssyncset.s32 $0xFFFFF086  }
0x25: {  	[simem:s6], [sflag:s4] =	dma.local [hbm:s3], $0xF7A  }
0x26: {  	[smem:$0x3F94] =	sst s1;
	(tag) =	ssettag s2;
	_ =	strace s9  }
0x27: {  	s1 =	sld [smem:$0x3FA4]  }
0x28: {  	s2 =	sld [smem:$0x3FA5]  }
0x29: {  	s4 =	sld [smem:$0x3FA7]  }
0x2a: {  	p0 =	seq.s32 s5, $0x0;
	s5 =	sld [smem:$0x3FA8]  }
0x2b: {  	s6 =	sld [smem:$0x3FA9]  }
0x2c: {  	s7 =	sld [smem:$0x3FAA]  }
0x2d: {  	s3 =	simm.s32 $0x108;
	s8 =	sld [smem:$0x3FAB]  }
0x2e: {  	s3 =	simm.s32 @!p0 $0x1082;
	s9 =	sld [smem:$0x3FAC]  }
0x2f: {  	lr =	sadd.s32 s0, s3;
	s0 =	sld [smem:$0x3FA3]  }
0x30: {  	s3 =	sld [smem:$0x3FA6]  }
0x31: {  	[smem:$0x3FAF] =	sst s10  }
0x32: {  	s10 =	sld [smem:$0x3FAD];
	_ =	sdelay $0x3  }
0x33: {  	p0 =	seq.s32 s10, $0x1;
	s10 =	sld [smem:$0x3FAF];
	_ =	sdelay $0x3  }
0x34: {  	[smem:$0x3FAF] =	sst s10  }
0x35: {  	s10 =	sld [smem:$0x3FAE];
	_ =	sdelay $0x3  }
0x36: {  	p1 =	seq.s32 s10, $0x1;
	s10 =	sld [smem:$0x3FAF];
	_ =	sdelay $0x3  }
0x37: {  	[smem:$0x3FAF] =	sst s10  }
0x38: {  	s10 =	sld [smem:$0x3FB0]  }
0x39: {  	_ = 	snop;
	(pc) =	sbr.ind lr, $3  }
0x3a: {  	_ = 	snop  }
0x3b: {  	_ = 	snop  }
0x3c: {  	p2 =	seq.s32 s10, $0x1;
	s10 =	sld [smem:$0x3FAF]  }
0x3d: {  	_ =	shalt  }
0x3e: {  	_ =	shalt  }
0x3f: {  	_ =	shalt  }
0x40: {  	_ =	shalt  }
0x41: {  	_ =	shalt  }
0x42: {  	_ =	shalt  }
0x43: {  	_ =	shalt  }
0x44: {  	_ =	shalt  }
0x45: {  	_ =	shalt  }
0x46: {  	_ =	shalt  }
0x47: {  	_ =	shalt  }
0x48: {  	_ =	shalt  }
0x49: {  	_ =	shalt  }
0x4a: {  	_ =	shalt  }
0x4b: {  	_ =	shalt  }
0x4c: {  	_ =	shalt  }
0x4d: {  	_ =	shalt  }
0x4e: {  	_ =	shalt  }
0x4f: {  	_ =	shalt  }
0x50: {  	_ =	shalt  }
0x51: {  	_ =	shalt  }
0x52: {  	_ =	shalt  }
0x53: {  	_ =	shalt  }
0x54: {  	_ =	shalt  }
0x55: {  	_ =	shalt  }
0x56: {  	_ =	shalt  }
0x57: {  	_ =	shalt  }
0x58: {  	_ =	shalt  }
0x59: {  	_ =	shalt  }
0x5a: {  	_ =	shalt  }
0x5b: {  	_ =	shalt  }
0x5c: {  	_ =	shalt  }
0x5d: {  	_ =	shalt  }
0x5e: {  	_ =	shalt  }
0x5f: {  	_ =	shalt  }
0x60: {  	_ =	shalt  }
0x61: {  	_ =	shalt  }
0x62: {  	_ =	shalt  }
0x63: {  	_ =	shalt  }
0x64: {  	_ =	shalt  }
0x65: {  	_ =	shalt  }
0x66: {  	_ =	shalt  }
0x67: {  	_ =	shalt  }
0x68: {  	_ =	shalt  }
0x69: {  	_ =	shalt  }
0x6a: {  	_ =	shalt  }
0x6b: {  	_ =	shalt  }
0x6c: {  	_ =	shalt  }
0x6d: {  	_ =	shalt  }
0x6e: {  	_ =	shalt  }
0x6f: {  	_ =	shalt  }
0x70: {  	_ =	shalt  }
0x71: {  	_ =	shalt  }
0x72: {  	_ =	shalt  }
0x73: {  	_ =	shalt  }
0x74: {  	_ =	shalt  }
0x75: {  	_ =	shalt  }
0x76: {  	_ =	shalt  }
0x77: {  	_ =	shalt  }
0x78: {  	_ =	shalt  }
0x79: {  	_ =	shalt  }
0x7a: {  	_ =	shalt  }
0x7b: {  	_ =	shalt  }
0x7c: {  	_ =	shalt  }
0x7d: {  	_ =	shalt  }
0x7e: {  	_ =	shalt  }
0x7f: {  	_ =	shalt  }
0x80: {  	_ =	shalt  }
0x81: {  	_ =	shalt  }
0x82: {  	_ =	shalt  }
0x83: {  	_ =	shalt  }
0x84: {  	_ =	shalt  }
0x85: {  	_ =	shalt  }
0x86: {  	_ =	shalt  }
0x87: {  	_ =	shalt  }
.Lfunc_end0:
.L_simem_size_0:
called_computation.1_lowered:
.L_overlay_start_0:
0x88: {  	s2 =	sld [smem:$0x3FD9]  }
0x89: {  	s3 =	sld [smem:$0x3FFE];
	_ =	sdelay $0x1  }
0x8a: {  	s1 =	srdreg.scid  }
0x8b: {  	s0 =	sand.u32 $0x1, s1  }
0x8c: {  	s16 =	sshll.u32 s0, $0xA;
	s2 =	sadd.s32 s3, s2  }
0x8d: {  	s2 =	sadd.s32 s2, s16  }
0x8e: {  	[smem:$0x3FBB] =	sst s2  }
0x8f: {  	_ = 	snop  }
0x90: {  	(tm) =	ssettm $0x1  }
0x91: {  	s17 =	sld [smem:$0x3FFB];
	_ =	sdelay $0x3  }
0x92: {  	_ =	strace s17  }
0x93: {  	s2 =	sld [smem:$0x3FFC];
	_ =	sdelay $0x3  }
0x94: {  	_ =	strace s2  }
0x95: {  	s2 =	sld [smem:$0x3FFD];
	_ =	sdelay $0x3  }
0x96: {  	_ =	strace s2  }
0x97: {  	_ =	strace $0x8FFFFFFF  }
0x98: {  	s18 =	sld [smem:$0x3FDB];
	_ =	sdelay $0x1  }
0x99: {  	s19 =	simm.s32 $_scs_section_size  }
0x9a: {  	s4 =	simm.s32 $_size__tile_overlayer_lowered;
	s5 =	simm.s32 $_tile_overlayer_lowered  }
0x9b: {  	s22 =	simm.s32 $0x1BFF;
	s21 =	sshll.u32 s5, $0x1;
	s2 =	sadd.s32 s19, s18  }
0x9c: {  	s6 =	simm.s32 $0x0;
	s20 =	sshll.u32 s4, $0x1;
	s4 =	sadd.s32 s21, s2  }
0x9d: {  	[timem:s6], [sflag:s22] =	dma.local [hbm:s4], s20  }
0x9e: {  	_ =	swait.ge [sflag:s22], s20  }
0x9f: {  	s3 =	ssub.s32 $0x0, s20;
	[sflag:s22] =	ssyncset.done $0x0  }
0xa0: {  	[sflag:s22] =	ssyncadd.s32 s3;
	_ =	sdelay $0x1  }
0xa1: {  	s23 =	simm.s32 $0x1B8B  }
0xa2: {  	_ =	swait.ge [sflag:s23], $0x1  }
0xa3: {  	[sflag:s23] =	ssyncset.done $0x0  }
0xa4: {  	s25 =	simm.s32 $0x1B8E;
	s24 =	sld [smem:$0x3FFE];
	[sflag:s23] =	ssyncadd.s32 $0xFFFFFFFF  }
0xa5: {  	s26 =	simm.s32 $execute0_lowered;
	[smem:$0x3FD2] =	sst s25  }
0xa6: {  	s4 =	sshll.u32 s26, $0x1;
	_ =	strace $0x80000049;
	[dreg:$0x1] =	wrdreg $0xFFFFFFFF  }
0xa7: {  	s28 =	simm.s32 $_size_execute0_lowered;
	s2 =	sadd.s32 s2, s4;
	[dreg:$0x0] =	wrdreg $0x0  }
0xa8: {  	s4 =	sshll.u32 s28, $0x1;
	[dreg:$0x2] =	wrdreg s2  }
0xa9: {  	[dreg:$0x3] =	wrdreg s4  }
0xaa: {  	[dreg:$0x4] =	wrdreg $0xC0  }
0xab: {  	_ =	task [dreg:s6], $0x5FFFF  }
0xac: {  	[dreg:$0x1] =	wrdreg $0xFFFFFFFF  }
0xad: {  	[dreg:$0x0] =	wrdreg $0x60  }
0xae: {  	[dreg:$0x2] =	wrdreg s24  }
0xaf: {  	[dreg:$0x3] =	wrdreg $0x0  }
0xb0: {  	[dreg:$0x4] =	wrdreg $0x9  }
0xb1: {  	_ =	task.clear_ibuf [dreg:s6], $0x5FFFF;
	_ =	strace $0x90000049  }
0xb2: {  	s29 =	simm.s32 $0x9;
	_ =	strace $0x8000004B  }
0xb3: {  	_ =	swait.ge [sflag:s29], $0x1  }
0xb4: {  	[sflag:s29] =	ssyncadd.s32 $0xFFFFFFFF  }
0xb5: {  	_ =	strace $0x9000004B  }
0xb6: {  	_ =	sfence  }
0xb7: {  	s30 =	sld [smem:$0x0];
	_ =	sdelay $0x2  }
0xb8: {  	s31 =	sshll.u32 s1, $0xD;
	s1 =	sshrl.u32 s1, $0x2  }
0xb9: {  	s3 =	sand.u32 $0x4000, s31;
	s1 =	sadd.s32 s1, s30  }
0xba: {  	s0 =	sor.u32 s3, s0;
	s1 =	sshll.u32 s1, $0x11  }
0xbb: {  	s0 =	sor.u32 s1, s0  }
0xbc: {  	s0 =	sadd.s32 $0x8F2B, s0  }
0xbd: {  	[sflag:s0] =	ssyncadd.remote.s32 $0x1  }
0xbe: {  	_ =	sfence.sel $0xFFFF  }
0xbf: {  	[dreg:$0x0] =	wrdreg $0xFFFFFFFF;
	(pc) =	sbr.abs _section_cstart, $3  }
0xc0: {  	[dreg:$0x1] =	wrdreg $0xFFFFFFFF  }
0xc1: {  	_ =	task.clear_ibuf [dreg:s6], $0x2FFFF;
	_ =	strace $0x9FFFFFFF  }
0xc2: {  	(tm) =	ssettm $0x7FFFFFFF  }
0xc3: {  	_ =	shalt  }
tec
execute0_lowered:
.L_overlay_start_1:
0x0: {  	(tag) =	ssettag $0x1  }
0x1: {  	s1 =	srdreg.scid;
	s5 =	rddreg [dreg:$0x0]  }
0x2: {  	s0 =	stileid.u32;
	s2 =	rddreg [dreg:$0x1];
	s18 =	simm.s32 $0xEF00  }
0x3: {  	s19 =	simm.s32 $0x1;
	s26 =	simm.s32 $0x2;
	s28 =	simm.s32 $0xEE80  }
0x4: {  	s1 =	sand.u32 $0x1, s1;
	s3 =	sshll.u32 s0, $0x1;
	s12 =	smul.u32 $0xA000, s0  }
0x5: {  	s29 =	simm.s32 $0x0;
	s4 =	sor.u32 s1, s3;
	s7 =	smul.u32 $0x14000, s1  }
0x6: {  	s3 =	simm.s32 $0x0;
	s1 =	ssub.s32 $0x2, s1;
	s6 =	smul.u32 $0x4F0, s4  }
0x7: {  	[smem:$0x7FF] =	sst s3;
	s4 =	sadd.s32 $0x48600, s5;
	s31 =	sshrl.u32 s1, $0x1  }
0x8: {  	s14 =	sadd.s32 $0x2000, s12;
	s15 =	sadd.s32 $0x4000, s12;
	s16 =	sadd.s32 $0x6000, s12  }
0x9: {  	s17 =	sadd.s32 $0x8000, s12;
	s20 =	sshrl.u32 s12, $0x3;
	_ =	strace $0x8000004A  }
0xa: {  	s13 =	sadd.s32 s7, s5;
	s1 =	ssub.s32 s1, s31;
	s7 =	sadd.s32 s15, s2  }
0xb: {  	s8 =	sadd.s32 s16, s2;
	s9 =	sadd.s32 s17, s2;
	s21 =	sshrl.u32 s14, $0x3  }
0xc: {  	s22 =	sshrl.u32 s15, $0x3;
	s23 =	sshrl.u32 s16, $0x3;
	s25 =	sshrl.u32 s17, $0x3  }
0xd: {  	s15 =	simm.s32 $0xA000;
	s16 =	simm.s32 $0xC780;
	s17 =	simm.s32 $0x80  }
0xe: {  	s11 =	sadd.s32 s6, s5;
	s5 =	sadd.s32 s12, s2;
	s6 =	sadd.s32 s14, s2  }
0xf: {  	s24 =	sadd.s32 $0x5C000, s13;
	s12 =	smax.u32 s1, $0x1;
	s13 =	simm.s32 $0x12F00  }
0x10: {  	s14 =	simm.s32 $0x3;
	s10 =	sadd.s32 $0x17600, s11;
	s11 =	sadd.s32 $0x3800, s11  }
0x11: {  	s20 =	sadd.s32 s20, s24;
	s21 =	sadd.s32 s21, s24;
	s22 =	sadd.s32 s22, s24  }
0x12: {  	v0 =	vimm.f32 $0.0e+00;
	s23 =	sadd.s32 s23, s24;
	s24 =	sadd.s32 s25, s24;
	s25 =	simm.s32 $0x10F00  }
.LBB2_1:
0x13: {  	s1 =	sand.u32 $0x7F00, s3  }
0x14: {  	s31 =	sand.u32 $0x30, s3;
	s1 =	sshrl.u32 s1, $0x2  }
0x15: {  	s30 =	simm.s32 $0x40;
	s1 =	sor.u32 s31, s1;
	s31 =	simm.s32 $0x0  }
.LBB2_2:
0x16: {  	p0 =	sne.s32 s30, $0x7FC0  }
0x17: {  	[tilespmem:s1+$0x12F00] =	vst v0;
	s31 =	sadd.s32 $0x10, s31;
	s1 =	smov.u32 s30;
	s30 =	sadd.s32 $0x40, s30  }
.Ltmp0:
0x18: {  	(pc) =	sbr.rel @p0 .LBB2_2-.Ltmp0, $4  }
0x19: {  	_ = 	snop  }
0x1a: {  	s1 =	sand.u32 $0x7F00, s1  }
0x1b: {  	s0 =	sand.u32 $0x30, s31;
	s1 =	sshrl.u32 s1, $0x2  }
0x1c: {  	s1 =	sor.u32 s0, s1  }
0x1d: {  	[tilespmem:s1+$0x12F00] =	vst v0  }
0x1e: {  	[spmem:s5] =	stream.linear.scatter [tilespmem:s13], [sflag:$0x3], $0x2000, $0x38;
	[tilespmem:$0x14F00] =	vst v63  }
0x1f: {  	_ =	swait.ge [sflag:s14], $0x2000  }
0x20: {  	[sflag:s14] =	ssyncset.done $0x0  }
0x21: {  	[sflag:s14] =	ssyncadd.s32 $0xFFFFE000  }
0x22: {  	[spmem:s6] =	stream.linear.scatter [tilespmem:s13], [sflag:$0x3], $0x2000, $0x38;
	[tilespmem:$0x14F00] =	vst v63  }
0x23: {  	_ =	swait.ge [sflag:s14], $0x2000  }
0x24: {  	[sflag:s14] =	ssyncset.done $0x0  }
0x25: {  	[sflag:s14] =	ssyncadd.s32 $0xFFFFE000  }
0x26: {  	[spmem:s7] =	stream.linear.scatter [tilespmem:s13], [sflag:$0x3], $0x2000, $0x38;
	[tilespmem:$0x14F00] =	vst v63  }
0x27: {  	_ =	swait.ge [sflag:s14], $0x2000  }
0x28: {  	[sflag:s14] =	ssyncset.done $0x0  }
0x29: {  	[sflag:s14] =	ssyncadd.s32 $0xFFFFE000  }
0x2a: {  	[spmem:s8] =	stream.linear.scatter [tilespmem:s13], [sflag:$0x3], $0x2000, $0x38;
	[tilespmem:$0x14F00] =	vst v63  }
0x2b: {  	_ =	swait.ge [sflag:s14], $0x2000  }
0x2c: {  	[sflag:s14] =	ssyncset.done $0x0  }
0x2d: {  	[sflag:s14] =	ssyncadd.s32 $0xFFFFE000  }
0x2e: {  	[spmem:s9] =	stream.linear.scatter [tilespmem:s13], [sflag:$0x3], $0x2000, $0x38;
	[tilespmem:$0x14F00] =	vst v63  }
0x2f: {  	_ =	swait.ge [sflag:s14], $0x2000  }
0x30: {  	[sflag:s14] =	ssyncset.done $0x0  }
0x31: {  	[sflag:s14] =	ssyncadd.s32 $0xFFFFE000  }
0x32: {  	s0 =	simm.s32 $0x0;
	[bflag:$0x0] =	sbarrier.arrive $0xFFFF  }
0x33: {  	[tilespmem:s15], [sflag:$0x3] =	stream.linear.gather [hbm4b:s10+s0], $0x2780, $0x38;
	[tilespmem:$0x14F00] =	vst v63  }
0x34: {  	_ =	swait.ge [sflag:s14], $0x2780  }
0x35: {  	[sflag:s14] =	ssyncset.done $0x0  }
0x36: {  	[sflag:s14] =	ssyncadd.s32 $0xFFFFD880  }
0x37: {  	[tilespmem:s16], [sflag:$0x3] =	stream.linear.gather [hbm4b:s11+s0], $0x2780, $0x38;
	[tilespmem:$0x14F00] =	vst v63  }
0x38: {  	_ =	swait.ge [sflag:s14], $0x2780  }
0x39: {  	[sflag:s14] =	ssyncset.done $0x0  }
0x3a: {  	[sflag:s14] =	ssyncadd.s32 $0xFFFFD880  }
0x3b: {  	[tilespmem:s18], [sflag:$0x1] =	stream.indirect.gather [hbm4b:s4+s17], $0x40, s15, s17, $0xb8;
	[tilespmem:$0x14F00] =	vst v63  }
0x3c: {  	_ =	swait.ge [sflag:s19], $0x2000  }
0x3d: {  	[sflag:s19] =	ssyncset.done $0x0  }
0x3e: {  	s1 =	simm.s32 $0xA080;
	[sflag:s19] =	ssyncadd.s32 $0xFFFFE000  }
0x3f: {  	[tilespmem:s25], [sflag:$0x2] =	stream.indirect.gather [hbm4b:s4+s17], $0x40, s1, s17, $0xb8;
	[tilespmem:$0x14F00] =	vst v63  }
0x40: {  	s31 =	simm.s32 $0xC780  }
0x41: {  	[spmem:s2] =	stream.indirect.scatter.add.f32 [tilespmem:s18], [sflag:$0x3], $0x40, s31, s17, $0xb8;
	[tilespmem:$0x14F00] =	vst v63  }
0x42: {  	_ =	swait.ge [sflag:s14], $0x2000  }
0x43: {  	[sflag:s14] =	ssyncset.done $0x0  }
0x44: {  	[sflag:s14] =	ssyncadd.s32 $0xFFFFE000  }
0x45: {  	_ =	swait.ge [sflag:s26], $0x2000  }
0x46: {  	[sflag:s26] =	ssyncset.done $0x0  }
0x47: {  	s1 =	simm.s32 $0xA100;
	[sflag:s26] =	ssyncadd.s32 $0xFFFFE000  }
0x48: {  	[tilespmem:s18], [sflag:$0x1] =	stream.indirect.gather [hbm4b:s4+s17], $0x40, s1, s17, $0xb8;
	[tilespmem:$0x14F00] =	vst v63  }
0x49: {  	s31 =	simm.s32 $0xC800  }
0x4a: {  	[spmem:s2] =	stream.indirect.scatter.add.f32 [tilespmem:s25], [sflag:$0x3], $0x40, s31, s17, $0xb8;
	[tilespmem:$0x14F00] =	vst v63  }
0x4b: {  	_ =	swait.ge [sflag:s14], $0x2000  }
0x4c: {  	s30 =	simm.s32 $0x400;
	[sflag:s14] =	ssyncset.done $0x0  }
.LBB2_4:
0x4d: {  	p0 =	sne.s32 s30, $0x9800  }
0x4e: {  	[sflag:s14] =	ssyncadd.s32 $0xFFFFE000;
	s0 =	smov.u32 s30;
	s30 =	sadd.s32 $0x400, s30  }
0x4f: {  	_ = 	snop  }
0x50: {  	_ =	swait.ge [sflag:s19], $0x2000  }
0x51: {  	s0 =	sshra.s32 s0, $0x2;
	[sflag:s19] =	ssyncset.done $0x0  }
0x52: {  	s1 =	sadd.s32 $0xA080, s0;
	[sflag:s19] =	ssyncadd.s32 $0xFFFFE000  }
0x53: {  	[tilespmem:s25], [sflag:$0x2] =	stream.indirect.gather [hbm4b:s4+s17], $0x40, s1, s17, $0xb8;
	[tilespmem:$0x14F00] =	vst v63  }
0x54: {  	s1 =	sadd.s32 $0xC780, s0  }
0x55: {  	[spmem:s2] =	stream.indirect.scatter.add.f32 [tilespmem:s18], [sflag:$0x3], $0x40, s1, s17, $0xb8;
	[tilespmem:$0x14F00] =	vst v63  }
0x56: {  	_ =	swait.ge [sflag:s14], $0x2000  }
0x57: {  	[sflag:s14] =	ssyncset.done $0x0  }
0x58: {  	[sflag:s14] =	ssyncadd.s32 $0xFFFFE000  }
0x59: {  	_ =	swait.ge [sflag:s26], $0x2000  }
0x5a: {  	[sflag:s26] =	ssyncset.done $0x0  }
0x5b: {  	s1 =	sadd.s32 $0xA100, s0;
	[sflag:s26] =	ssyncadd.s32 $0xFFFFE000  }
0x5c: {  	[tilespmem:s18], [sflag:$0x1] =	stream.indirect.gather [hbm4b:s4+s17], $0x40, s1, s17, $0xb8;
	[tilespmem:$0x14F00] =	vst v63  }
.Ltmp1:
0x5d: {  	_ = 	snop;
	(pc) =	sbr.rel @p0 .LBB2_4-.Ltmp1, $4  }
0x5e: {  	s0 =	sadd.s32 $0xC800, s0  }
0x5f: {  	[spmem:s2] =	stream.indirect.scatter.add.f32 [tilespmem:s25], [sflag:$0x3], $0x40, s0, s17, $0xb8;
	[tilespmem:$0x14F00] =	vst v63  }
0x60: {  	_ =	swait.ge [sflag:s14], $0x2000  }
0x61: {  	[sflag:s14] =	ssyncset.done $0x0  }
0x62: {  	[sflag:s14] =	ssyncadd.s32 $0xFFFFE000  }
0x63: {  	_ =	swait.ge [sflag:s19], $0x2000  }
0x64: {  	[sflag:s19] =	ssyncset.done $0x0  }
0x65: {  	[sflag:s19] =	ssyncadd.s32 $0xFFFFE000  }
0x66: {  	[spmem:s2] =	stream.indirect.scatter.add.f32 [tilespmem:s18], [sflag:$0x3], $0x40, s28, s17, $0xb8;
	[tilespmem:$0x14F00] =	vst v63  }
0x67: {  	_ =	swait.ge [sflag:s14], $0x2000  }
0x68: {  	s0 =	stileid.u32;
	[sflag:s14] =	ssyncset.done $0x0  }
0x69: {  	s0 =	sshll.u32 s0, $0x6;
	[sflag:s14] =	ssyncadd.s32 $0xFFFFE000  }
0x6a: {  	s1 =	sshrl.u32 s5, $0x3;
	s0 =	sor.u32 $0x1C03, s0;
	[bflag:$0x0] =	sbarrier.arrive $0xFFFF  }
0x6b: {  	[hbm:s20], [sflag:s0] =	dma.local [spmem:s1], $0x400  }
0x6c: {  	_ =	swait.ge [sflag:s14], $0x400  }
0x6d: {  	[sflag:s14] =	ssyncset.done $0x0  }
0x6e: {  	s30 =	sshrl.u32 s6, $0x3;
	[sflag:s14] =	ssyncadd.s32 $0xFFFFFC00  }
0x6f: {  	[hbm:s21], [sflag:s0] =	dma.local [spmem:s30], $0x400  }
0x70: {  	_ =	swait.ge [sflag:s14], $0x400  }
0x71: {  	[sflag:s14] =	ssyncset.done $0x0  }
0x72: {  	s31 =	sshrl.u32 s7, $0x3;
	[sflag:s14] =	ssyncadd.s32 $0xFFFFFC00  }
0x73: {  	[hbm:s22], [sflag:s0] =	dma.local [spmem:s31], $0x400  }
0x74: {  	_ =	swait.ge [sflag:s14], $0x400  }
0x75: {  	[sflag:s14] =	ssyncset.done $0x0  }
0x76: {  	s30 =	sshrl.u32 s8, $0x3;
	[sflag:s14] =	ssyncadd.s32 $0xFFFFFC00  }
0x77: {  	[hbm:s23], [sflag:s0] =	dma.local [spmem:s30], $0x400  }
0x78: {  	s29 =	sadd.s32 $0x1, s29;
	_ =	swait.ge [sflag:s14], $0x400  }
0x79: {  	p0 =	sne.s32 s29, s12;
	[sflag:s14] =	ssyncset.done $0x0  }
.Ltmp2:
0x7a: {  	s31 =	sshrl.u32 s9, $0x3;
	[sflag:s14] =	ssyncadd.s32 $0xFFFFFC00;
	(pc) =	sbr.rel @p0 .LBB2_1-.Ltmp2, $4  }
0x7b: {  	[hbm:s24], [sflag:s0] =	dma.local [spmem:s31], $0x400  }
0x7c: {  	_ =	swait.ge [sflag:s14], $0x400  }
0x7d: {  	[sflag:s14] =	ssyncset.done $0x0  }
0x7e: {  	[sflag:s14] =	ssyncadd.s32 $0xFFFFFC00  }
0x7f: {  	_ =	sfence.sel $0x180000  }
0x80: {  	[bflag:$0x0] =	sbarrier.arrive $0xFFFF  }
0x81: {  	_ =	strace $0x9000004A  }
0x82: {  	s0 =	stileid.u32;
	[bflag:$0x2] =	sbarrier.arrive $0xFFFF  }
0x83: {  	p0 =	sne.s32 s0, $0x0;
	s0 =	rddreg [dreg:$0x2]  }
0x84: {  	s0 =	sadd.s32 @!p0 $0x100000, s0  }
0x85: {  	[sflag:s0] =	ssyncadd.tile.s32 @!p0 $0x1;
	_ =	shalt  }
.Lfunc_end2:
_tile_overlayer_lowered:
.L_overlay_start_2:
0x86: {  	(tag) =	ssettag $0x2  }
0x87: {  	s0 =	rddreg [dreg:$0x0];
	s2 =	stileid.u32  }
0x88: {  	s1 =	rddreg [dreg:$0x1];
	p0 =	sne.s32 s2, $0x0  }
0x89: {  	s3 =	rddreg [dreg:$0x2];
	[bflag:$0x3] =	sbarrier.arrive $0xFFFF;
	s2 =	simm.s32 @!p0 $0x1C03  }
0x8a: {  	[timem:s3], [sflag:s2] =	dma.local @!p0 [hbm:s0], s1  }
0x8b: {  	s0 =	simm.s32 @!p0 $0x3  }
0x8c: {  	_ =	swait.ge @!p0 [sflag:s0], s1  }
0x8d: {  	s1 =	ssub.s32 @!p0 $0x0, s1;
	[sflag:s0] =	ssyncset.done @!p0 $0x0  }
0x8e: {  	[sflag:s0] =	ssyncadd.s32 @!p0 s1  }
0x8f: {  	[bflag:$0x3] =	sbarrier.arrive $0xFFFF  }
0x90: {  	_ =	shalt  }

// kernel: kernel.19.cloned.1.call-start
scs
__scs_entry_jumppad:
0x0: {  	(pc) =	sbr.rel $0x88, $3  }
0x1: {  	(tag) =	ssettag $0x0;
	lr =	simm.s32 $0x1  }
0x2: {  	[smem:$0x3F94] =	sst lr;
	_ =	strace $0xD0000000  }
0x3: {  	_ = 	snop  }
0x4: {  	_ = 	snop  }
0x5: {  	_ = 	snop  }
0x6: {  	_ = 	snop  }
0x7: {  	_ = 	snop  }
__scs_overlays_trampoline_lowered:
0x8: {  	[smem:$0x3FA3] =	sst s0  }
0x9: {  	[smem:$0x3FA4] =	sst s1  }
0xa: {  	[smem:$0x3FA5] =	sst s2  }
0xb: {  	[smem:$0x3FA6] =	sst s3  }
0xc: {  	[smem:$0x3FA7] =	sst s4  }
0xd: {  	[smem:$0x3FA8] =	sst s5  }
0xe: {  	[smem:$0x3FA9] =	sst s6  }
0xf: {  	[smem:$0x3FAA] =	sst s7  }
0x10: {  	[smem:$0x3FAB] =	sst s8  }
0x11: {  	[smem:$0x3FAC] =	sst s9;
	s0 =	simm.s32 @!p0 $0x0  }
0x12: {  	s1 =	sld [smem:$0x3F92];
	s0 =	simm.s32 @p0 $0x1  }
0x13: {  	[smem:$0x3FAD] =	sst s0;
	s0 =	simm.s32 @!p1 $0x0  }
0x14: {  	s2 =	sld [smem:$0x3F91];
	s0 =	simm.s32 @p1 $0x1  }
0x15: {  	[smem:$0x3FAE] =	sst s0;
	s0 =	simm.s32 @!p2 $0x0  }
0x16: {  	s3 =	sld [smem:$0x3FDB];
	s0 =	simm.s32 @p2 $0x1  }
0x17: {  	s4 =	simm.s32 $0x1BF5;
	[smem:$0x3FB0] =	sst s0  }
0x18: {  	s0 =	sld [smem:$0x3F93];
	_ =	swait.ge [sflag:s4], $0x0  }
0x19: {  	s7 =	sld [smem:$0x3F94]  }
0x1a: {  	s8 =	sadd.s32 $0xFFFFE003, lr  }
0x1b: {  	s9 =	sadd.s32 $0xFFFFFEF7, lr;
	s5 =	simm.s32 $0xFFFFFFFF;
	p2 =	slt.u32 s8, $0xFFFFF086  }
0x1c: {  	p1 =	slt.u32 s9, $0xF7A;
	s5 =	simm.s32 @!p2 $0x0  }
0x1d: {  	s5 =	simm.s32 @p1 $0x1;
	p0 =	seq.s32 s7, s2  }
0x1e: {  	s7 =	smul.u32 @!p0 $0xF7A, s2;
	p2 =	seq.s32 @!p0 s5, $0x0  }
0x1f: {  	s9 =	smul.u32 $0xF7A, s1;
	s8 =	simm.s32 @!p0 $0x1BF5;
	p2 =	por !p2, p0  }
0x20: {  	[sflag:s8] =	ssyncset.s32 @!p0 $0xFFFFF086;
	s6 =	sadd.s32 @!p0 s3, s7;
	s7 =	simm.s32 @!p0 $0x108  }
0x21: {  	s3 =	sadd.s32 s3, s9;
	s6 =	sadd.s32 @!p0 $0x88, s6;
	s7 =	simm.s32 @p2 $0x1082  }
0x22: {  	[simem:s7], [sflag:s8] =	dma.local @!p0 [hbm:s6], $0xF7A  }
0x23: {  	s9 =	sor.u32 $0xD0000000, s2;
	s6 =	simm.s32 $0x108;
	_ =	swait.ge @!p0 [sflag:s8], $0x0  }
0x24: {  	s3 =	sadd.s32 $0x88, s3;
	s6 =	simm.s32 @!p1 $0x1082;
	[sflag:s4] =	ssyncset.s32 $0xFFFFF086  }
0x25: {  	[simem:s6], [sflag:s4] =	dma.local [hbm:s3], $0xF7A  }
0x26: {  	[smem:$0x3F94] =	sst s1;
	(tag) =	ssettag s2;
	_ =	strace s9  }
0x27: {  	s1 =	sld [smem:$0x3FA4]  }
0x28: {  	s2 =	sld [smem:$0x3FA5]  }
0x29: {  	s4 =	sld [smem:$0x3FA7]  }
0x2a: {  	p0 =	seq.s32 s5, $0x0;
	s5 =	sld [smem:$0x3FA8]  }
0x2b: {  	s6 =	sld [smem:$0x3FA9]  }
0x2c: {  	s7 =	sld [smem:$0x3FAA]  }
0x2d: {  	s3 =	simm.s32 $0x108;
	s8 =	sld [smem:$0x3FAB]  }
0x2e: {  	s3 =	simm.s32 @!p0 $0x1082;
	s9 =	sld [smem:$0x3FAC]  }
0x2f: {  	lr =	sadd.s32 s0, s3;
	s0 =	sld [smem:$0x3FA3]  }
0x30: {  	s3 =	sld [smem:$0x3FA6]  }
0x31: {  	[smem:$0x3FAF] =	sst s10  }
0x32: {  	s10 =	sld [smem:$0x3FAD];
	_ =	sdelay $0x3  }
0x33: {  	p0 =	seq.s32 s10, $0x1;
	s10 =	sld [smem:$0x3FAF];
	_ =	sdelay $0x3  }
0x34: {  	[smem:$0x3FAF] =	sst s10  }
0x35: {  	s10 =	sld [smem:$0x3FAE];
	_ =	sdelay $0x3  }
0x36: {  	p1 =	seq.s32 s10, $0x1;
	s10 =	sld [smem:$0x3FAF];
	_ =	sdelay $0x3  }
0x37: {  	[smem:$0x3FAF] =	sst s10  }
0x38: {  	s10 =	sld [smem:$0x3FB0]  }
0x39: {  	_ = 	snop;
	(pc) =	sbr.ind lr, $3  }
0x3a: {  	_ = 	snop  }
0x3b: {  	_ = 	snop  }
0x3c: {  	p2 =	seq.s32 s10, $0x1;
	s10 =	sld [smem:$0x3FAF]  }
0x3d: {  	_ =	shalt  }
0x3e: {  	_ =	shalt  }
0x3f: {  	_ =	shalt  }
0x40: {  	_ =	shalt  }
0x41: {  	_ =	shalt  }
0x42: {  	_ =	shalt  }
0x43: {  	_ =	shalt  }
0x44: {  	_ =	shalt  }
0x45: {  	_ =	shalt  }
0x46: {  	_ =	shalt  }
0x47: {  	_ =	shalt  }
0x48: {  	_ =	shalt  }
0x49: {  	_ =	shalt  }
0x4a: {  	_ =	shalt  }
0x4b: {  	_ =	shalt  }
0x4c: {  	_ =	shalt  }
0x4d: {  	_ =	shalt  }
0x4e: {  	_ =	shalt  }
0x4f: {  	_ =	shalt  }
0x50: {  	_ =	shalt  }
0x51: {  	_ =	shalt  }
0x52: {  	_ =	shalt  }
0x53: {  	_ =	shalt  }
0x54: {  	_ =	shalt  }
0x55: {  	_ =	shalt  }
0x56: {  	_ =	shalt  }
0x57: {  	_ =	shalt  }
0x58: {  	_ =	shalt  }
0x59: {  	_ =	shalt  }
0x5a: {  	_ =	shalt  }
0x5b: {  	_ =	shalt  }
0x5c: {  	_ =	shalt  }
0x5d: {  	_ =	shalt  }
0x5e: {  	_ =	shalt  }
0x5f: {  	_ =	shalt  }
0x60: {  	_ =	shalt  }
0x61: {  	_ =	shalt  }
0x62: {  	_ =	shalt  }
0x63: {  	_ =	shalt  }
0x64: {  	_ =	shalt  }
0x65: {  	_ =	shalt  }
0x66: {  	_ =	shalt  }
0x67: {  	_ =	shalt  }
0x68: {  	_ =	shalt  }
0x69: {  	_ =	shalt  }
0x6a: {  	_ =	shalt  }
0x6b: {  	_ =	shalt  }
0x6c: {  	_ =	shalt  }
0x6d: {  	_ =	shalt  }
0x6e: {  	_ =	shalt  }
0x6f: {  	_ =	shalt  }
0x70: {  	_ =	shalt  }
0x71: {  	_ =	shalt  }
0x72: {  	_ =	shalt  }
0x73: {  	_ =	shalt  }
0x74: {  	_ =	shalt  }
0x75: {  	_ =	shalt  }
0x76: {  	_ =	shalt  }
0x77: {  	_ =	shalt  }
0x78: {  	_ =	shalt  }
0x79: {  	_ =	shalt  }
0x7a: {  	_ =	shalt  }
0x7b: {  	_ =	shalt  }
0x7c: {  	_ =	shalt  }
0x7d: {  	_ =	shalt  }
0x7e: {  	_ =	shalt  }
0x7f: {  	_ =	shalt  }
0x80: {  	_ =	shalt  }
0x81: {  	_ =	shalt  }
0x82: {  	_ =	shalt  }
0x83: {  	_ =	shalt  }
0x84: {  	_ =	shalt  }
0x85: {  	_ =	shalt  }
0x86: {  	_ =	shalt  }
0x87: {  	_ =	shalt  }
.Lfunc_end0:
.L_simem_size_0:
called_computation.2_lowered:
.L_overlay_start_0:
0x88: {  	s2 =	sld [smem:$0x3FD9]  }
0x89: {  	s3 =	sld [smem:$0x3FFE];
	_ =	sdelay $0x1  }
0x8a: {  	s1 =	srdreg.scid  }
0x8b: {  	s0 =	sand.u32 $0x1, s1  }
0x8c: {  	s16 =	sshll.u32 s0, $0xA;
	s2 =	sadd.s32 s3, s2  }
0x8d: {  	s2 =	sadd.s32 s2, s16  }
0x8e: {  	[smem:$0x3FBB] =	sst s2  }
0x8f: {  	_ = 	snop  }
0x90: {  	(tm) =	ssettm $0x1  }
0x91: {  	s17 =	sld [smem:$0x3FFB];
	_ =	sdelay $0x3  }
0x92: {  	_ =	strace s17  }
0x93: {  	s2 =	sld [smem:$0x3FFC];
	_ =	sdelay $0x3  }
0x94: {  	_ =	strace s2  }
0x95: {  	s2 =	sld [smem:$0x3FFD];
	_ =	sdelay $0x3  }
0x96: {  	_ =	strace s2  }
0x97: {  	_ =	strace $0x8FFFFFFF  }
0x98: {  	s18 =	sld [smem:$0x3FDB];
	_ =	sdelay $0x1  }
0x99: {  	s19 =	simm.s32 $_scs_section_size  }
0x9a: {  	s4 =	simm.s32 $_size__tile_overlayer_lowered;
	s5 =	simm.s32 $_tile_overlayer_lowered  }
0x9b: {  	s22 =	simm.s32 $0x1BFF;
	s21 =	sshll.u32 s5, $0x1;
	s2 =	sadd.s32 s19, s18  }
0x9c: {  	s6 =	simm.s32 $0x0;
	s20 =	sshll.u32 s4, $0x1;
	s4 =	sadd.s32 s21, s2  }
0x9d: {  	[timem:s6], [sflag:s22] =	dma.local [hbm:s4], s20  }
0x9e: {  	_ =	swait.ge [sflag:s22], s20  }
0x9f: {  	s3 =	ssub.s32 $0x0, s20;
	[sflag:s22] =	ssyncset.done $0x0  }
0xa0: {  	[sflag:s22] =	ssyncadd.s32 s3;
	_ =	sdelay $0x1  }
0xa1: {  	s23 =	simm.s32 $0x1B8B  }
0xa2: {  	_ =	swait.ge [sflag:s23], $0x1  }
0xa3: {  	[sflag:s23] =	ssyncset.done $0x0  }
0xa4: {  	s25 =	simm.s32 $0x1B8E;
	s24 =	sld [smem:$0x3FFE];
	[sflag:s23] =	ssyncadd.s32 $0xFFFFFFFF  }
0xa5: {  	s26 =	simm.s32 $execute0_lowered;
	[smem:$0x3FD2] =	sst s25  }
0xa6: {  	s4 =	sshll.u32 s26, $0x1;
	_ =	strace $0x8000004C;
	[dreg:$0x1] =	wrdreg $0xFFFFFFFF  }
0xa7: {  	s28 =	simm.s32 $_size_execute0_lowered;
	s2 =	sadd.s32 s2, s4;
	[dreg:$0x0] =	wrdreg $0x0  }
0xa8: {  	s4 =	sshll.u32 s28, $0x1;
	[dreg:$0x2] =	wrdreg s2  }
0xa9: {  	[dreg:$0x3] =	wrdreg s4  }
0xaa: {  	[dreg:$0x4] =	wrdreg $0xC0  }
0xab: {  	_ =	task [dreg:s6], $0x5FFFF  }
0xac: {  	[dreg:$0x1] =	wrdreg $0xFFFFFFFF  }
0xad: {  	[dreg:$0x0] =	wrdreg $0x60  }
0xae: {  	[dreg:$0x2] =	wrdreg s24  }
0xaf: {  	[dreg:$0x3] =	wrdreg $0x0  }
0xb0: {  	[dreg:$0x4] =	wrdreg $0x9  }
0xb1: {  	_ =	task.clear_ibuf [dreg:s6], $0x5FFFF;
	_ =	strace $0x9000004C  }
0xb2: {  	s29 =	simm.s32 $0x9;
	_ =	strace $0x8000004E  }
0xb3: {  	_ =	swait.ge [sflag:s29], $0x1  }
0xb4: {  	[sflag:s29] =	ssyncadd.s32 $0xFFFFFFFF  }
0xb5: {  	_ =	strace $0x9000004E  }
0xb6: {  	_ =	sfence  }
0xb7: {  	s30 =	sld [smem:$0x0];
	_ =	sdelay $0x2  }
0xb8: {  	s31 =	sshll.u32 s1, $0xD;
	s1 =	sshrl.u32 s1, $0x2  }
0xb9: {  	s3 =	sand.u32 $0x4000, s31;
	s1 =	sadd.s32 s1, s30  }
0xba: {  	s0 =	sor.u32 s3, s0;
	s1 =	sshll.u32 s1, $0x11  }
0xbb: {  	s0 =	sor.u32 s1, s0  }
0xbc: {  	s0 =	sadd.s32 $0x8F2B, s0  }
0xbd: {  	[sflag:s0] =	ssyncadd.remote.s32 $0x1  }
0xbe: {  	_ =	sfence.sel $0xFFFF  }
0xbf: {  	[dreg:$0x0] =	wrdreg $0xFFFFFFFF;
	(pc) =	sbr.abs _section_cstart, $3  }
0xc0: {  	[dreg:$0x1] =	wrdreg $0xFFFFFFFF  }
0xc1: {  	_ =	task.clear_ibuf [dreg:s6], $0x2FFFF;
	_ =	strace $0x9FFFFFFF  }
0xc2: {  	(tm) =	ssettm $0x7FFFFFFF  }
0xc3: {  	_ =	shalt  }
tec
execute0_lowered:
.L_overlay_start_1:
0x0: {  	(tag) =	ssettag $0x1  }
0x1: {  	s1 =	srdreg.scid;
	s5 =	rddreg [dreg:$0x0]  }
0x2: {  	s0 =	stileid.u32;
	s2 =	rddreg [dreg:$0x1];
	s18 =	simm.s32 $0xEF00  }
0x3: {  	s19 =	simm.s32 $0x1;
	s26 =	simm.s32 $0x2;
	s28 =	simm.s32 $0xEE80  }
0x4: {  	s1 =	sand.u32 $0x1, s1;
	s3 =	sshll.u32 s0, $0x1;
	s12 =	smul.u32 $0xA000, s0  }
0x5: {  	s29 =	simm.s32 $0x0;
	s4 =	sor.u32 s1, s3;
	s7 =	smul.u32 $0x14000, s1  }
0x6: {  	s3 =	simm.s32 $0x0;
	s1 =	ssub.s32 $0x2, s1;
	s6 =	smul.u32 $0x4F0, s4  }
0x7: {  	[smem:$0x7FF] =	sst s3;
	s4 =	sadd.s32 $0x21400, s5;
	s31 =	sshrl.u32 s1, $0x1  }
0x8: {  	s14 =	sadd.s32 $0x2000, s12;
	s15 =	sadd.s32 $0x4000, s12;
	s16 =	sadd.s32 $0x6000, s12  }
0x9: {  	s17 =	sadd.s32 $0x8000, s12;
	s20 =	sshrl.u32 s12, $0x3;
	_ =	strace $0x8000004D  }
0xa: {  	s13 =	sadd.s32 s7, s5;
	s1 =	ssub.s32 s1, s31;
	s7 =	sadd.s32 s15, s2  }
0xb: {  	s8 =	sadd.s32 s16, s2;
	s9 =	sadd.s32 s17, s2;
	s21 =	sshrl.u32 s14, $0x3  }
0xc: {  	s22 =	sshrl.u32 s15, $0x3;
	s23 =	sshrl.u32 s16, $0x3;
	s25 =	sshrl.u32 s17, $0x3  }
0xd: {  	s15 =	simm.s32 $0xA000;
	s16 =	simm.s32 $0xC780;
	s17 =	simm.s32 $0x80  }
0xe: {  	s11 =	sadd.s32 s6, s5;
	s5 =	sadd.s32 s12, s2;
	s6 =	sadd.s32 s14, s2  }
0xf: {  	s24 =	sadd.s32 $0x34E00, s13;
	s12 =	smax.u32 s1, $0x1;
	s13 =	simm.s32 $0x12F00  }
0x10: {  	s14 =	simm.s32 $0x3;
	s10 =	sadd.s32 $0x17600, s11;
	s11 =	sadd.s32 $0x3800, s11  }
0x11: {  	s20 =	sadd.s32 s20, s24;
	s21 =	sadd.s32 s21, s24;
	s22 =	sadd.s32 s22, s24  }
0x12: {  	v0 =	vimm.f32 $0.0e+00;
	s23 =	sadd.s32 s23, s24;
	s24 =	sadd.s32 s25, s24;
	s25 =	simm.s32 $0x10F00  }
.LBB2_1:
0x13: {  	s1 =	sand.u32 $0x7F00, s3  }
0x14: {  	s31 =	sand.u32 $0x30, s3;
	s1 =	sshrl.u32 s1, $0x2  }
0x15: {  	s30 =	simm.s32 $0x40;
	s1 =	sor.u32 s31, s1;
	s31 =	simm.s32 $0x0  }
.LBB2_2:
0x16: {  	p0 =	sne.s32 s30, $0x7FC0  }
0x17: {  	[tilespmem:s1+$0x12F00] =	vst v0;
	s31 =	sadd.s32 $0x10, s31;
	s1 =	smov.u32 s30;
	s30 =	sadd.s32 $0x40, s30  }
.Ltmp0:
0x18: {  	(pc) =	sbr.rel @p0 .LBB2_2-.Ltmp0, $4  }
0x19: {  	_ = 	snop  }
0x1a: {  	s1 =	sand.u32 $0x7F00, s1  }
0x1b: {  	s0 =	sand.u32 $0x30, s31;
	s1 =	sshrl.u32 s1, $0x2  }
0x1c: {  	s1 =	sor.u32 s0, s1  }
0x1d: {  	[tilespmem:s1+$0x12F00] =	vst v0  }
0x1e: {  	[spmem:s5] =	stream.linear.scatter [tilespmem:s13], [sflag:$0x3], $0x2000, $0x38;
	[tilespmem:$0x14F00] =	vst v63  }
0x1f: {  	_ =	swait.ge [sflag:s14], $0x2000  }
0x20: {  	[sflag:s14] =	ssyncset.done $0x0  }
0x21: {  	[sflag:s14] =	ssyncadd.s32 $0xFFFFE000  }
0x22: {  	[spmem:s6] =	stream.linear.scatter [tilespmem:s13], [sflag:$0x3], $0x2000, $0x38;
	[tilespmem:$0x14F00] =	vst v63  }
0x23: {  	_ =	swait.ge [sflag:s14], $0x2000  }
0x24: {  	[sflag:s14] =	ssyncset.done $0x0  }
0x25: {  	[sflag:s14] =	ssyncadd.s32 $0xFFFFE000  }
0x26: {  	[spmem:s7] =	stream.linear.scatter [tilespmem:s13], [sflag:$0x3], $0x2000, $0x38;
	[tilespmem:$0x14F00] =	vst v63  }
0x27: {  	_ =	swait.ge [sflag:s14], $0x2000  }
0x28: {  	[sflag:s14] =	ssyncset.done $0x0  }
0x29: {  	[sflag:s14] =	ssyncadd.s32 $0xFFFFE000  }
0x2a: {  	[spmem:s8] =	stream.linear.scatter [tilespmem:s13], [sflag:$0x3], $0x2000, $0x38;
	[tilespmem:$0x14F00] =	vst v63  }
0x2b: {  	_ =	swait.ge [sflag:s14], $0x2000  }
0x2c: {  	[sflag:s14] =	ssyncset.done $0x0  }
0x2d: {  	[sflag:s14] =	ssyncadd.s32 $0xFFFFE000  }
0x2e: {  	[spmem:s9] =	stream.linear.scatter [tilespmem:s13], [sflag:$0x3], $0x2000, $0x38;
	[tilespmem:$0x14F00] =	vst v63  }
0x2f: {  	_ =	swait.ge [sflag:s14], $0x2000  }
0x30: {  	[sflag:s14] =	ssyncset.done $0x0  }
0x31: {  	[sflag:s14] =	ssyncadd.s32 $0xFFFFE000  }
0x32: {  	s0 =	simm.s32 $0x0;
	[bflag:$0x0] =	sbarrier.arrive $0xFFFF  }
0x33: {  	[tilespmem:s15], [sflag:$0x3] =	stream.linear.gather [hbm4b:s10+s0], $0x2780, $0x38;
	[tilespmem:$0x14F00] =	vst v63  }
0x34: {  	_ =	swait.ge [sflag:s14], $0x2780  }
0x35: {  	[sflag:s14] =	ssyncset.done $0x0  }
0x36: {  	[sflag:s14] =	ssyncadd.s32 $0xFFFFD880  }
0x37: {  	[tilespmem:s16], [sflag:$0x3] =	stream.linear.gather [hbm4b:s11+s0], $0x2780, $0x38;
	[tilespmem:$0x14F00] =	vst v63  }
0x38: {  	_ =	swait.ge [sflag:s14], $0x2780  }
0x39: {  	[sflag:s14] =	ssyncset.done $0x0  }
0x3a: {  	[sflag:s14] =	ssyncadd.s32 $0xFFFFD880  }
0x3b: {  	[tilespmem:s18], [sflag:$0x1] =	stream.indirect.gather [hbm4b:s4+s17], $0x40, s15, s17, $0xb8;
	[tilespmem:$0x14F00] =	vst v63  }
0x3c: {  	_ =	swait.ge [sflag:s19], $0x2000  }
0x3d: {  	[sflag:s19] =	ssyncset.done $0x0  }
0x3e: {  	s1 =	simm.s32 $0xA080;
	[sflag:s19] =	ssyncadd.s32 $0xFFFFE000  }
0x3f: {  	[tilespmem:s25], [sflag:$0x2] =	stream.indirect.gather [hbm4b:s4+s17], $0x40, s1, s17, $0xb8;
	[tilespmem:$0x14F00] =	vst v63  }
0x40: {  	s31 =	simm.s32 $0xC780  }
0x41: {  	[spmem:s2] =	stream.indirect.scatter.add.f32 [tilespmem:s18], [sflag:$0x3], $0x40, s31, s17, $0xb8;
	[tilespmem:$0x14F00] =	vst v63  }
0x42: {  	_ =	swait.ge [sflag:s14], $0x2000  }
0x43: {  	[sflag:s14] =	ssyncset.done $0x0  }
0x44: {  	[sflag:s14] =	ssyncadd.s32 $0xFFFFE000  }
0x45: {  	_ =	swait.ge [sflag:s26], $0x2000  }
0x46: {  	[sflag:s26] =	ssyncset.done $0x0  }
0x47: {  	s1 =	simm.s32 $0xA100;
	[sflag:s26] =	ssyncadd.s32 $0xFFFFE000  }
0x48: {  	[tilespmem:s18], [sflag:$0x1] =	stream.indirect.gather [hbm4b:s4+s17], $0x40, s1, s17, $0xb8;
	[tilespmem:$0x14F00] =	vst v63  }
0x49: {  	s31 =	simm.s32 $0xC800  }
0x4a: {  	[spmem:s2] =	stream.indirect.scatter.add.f32 [tilespmem:s25], [sflag:$0x3], $0x40, s31, s17, $0xb8;
	[tilespmem:$0x14F00] =	vst v63  }
0x4b: {  	_ =	swait.ge [sflag:s14], $0x2000  }
0x4c: {  	s30 =	simm.s32 $0x400;
	[sflag:s14] =	ssyncset.done $0x0  }
.LBB2_4:
0x4d: {  	p0 =	sne.s32 s30, $0x9800  }
0x4e: {  	[sflag:s14] =	ssyncadd.s32 $0xFFFFE000;
	s0 =	smov.u32 s30;
	s30 =	sadd.s32 $0x400, s30  }
0x4f: {  	_ = 	snop  }
0x50: {  	_ =	swait.ge [sflag:s19], $0x2000  }
0x51: {  	s0 =	sshra.s32 s0, $0x2;
	[sflag:s19] =	ssyncset.done $0x0  }
0x52: {  	s1 =	sadd.s32 $0xA080, s0;
	[sflag:s19] =	ssyncadd.s32 $0xFFFFE000  }
0x53: {  	[tilespmem:s25], [sflag:$0x2] =	stream.indirect.gather [hbm4b:s4+s17], $0x40, s1, s17, $0xb8;
	[tilespmem:$0x14F00] =	vst v63  }
0x54: {  	s1 =	sadd.s32 $0xC780, s0  }
0x55: {  	[spmem:s2] =	stream.indirect.scatter.add.f32 [tilespmem:s18], [sflag:$0x3], $0x40, s1, s17, $0xb8;
	[tilespmem:$0x14F00] =	vst v63  }
0x56: {  	_ =	swait.ge [sflag:s14], $0x2000  }
0x57: {  	[sflag:s14] =	ssyncset.done $0x0  }
0x58: {  	[sflag:s14] =	ssyncadd.s32 $0xFFFFE000  }
0x59: {  	_ =	swait.ge [sflag:s26], $0x2000  }
0x5a: {  	[sflag:s26] =	ssyncset.done $0x0  }
0x5b: {  	s1 =	sadd.s32 $0xA100, s0;
	[sflag:s26] =	ssyncadd.s32 $0xFFFFE000  }
0x5c: {  	[tilespmem:s18], [sflag:$0x1] =	stream.indirect.gather [hbm4b:s4+s17], $0x40, s1, s17, $0xb8;
	[tilespmem:$0x14F00] =	vst v63  }
.Ltmp1:
0x5d: {  	_ = 	snop;
	(pc) =	sbr.rel @p0 .LBB2_4-.Ltmp1, $4  }
0x5e: {  	s0 =	sadd.s32 $0xC800, s0  }
0x5f: {  	[spmem:s2] =	stream.indirect.scatter.add.f32 [tilespmem:s25], [sflag:$0x3], $0x40, s0, s17, $0xb8;
	[tilespmem:$0x14F00] =	vst v63  }
0x60: {  	_ =	swait.ge [sflag:s14], $0x2000  }
0x61: {  	[sflag:s14] =	ssyncset.done $0x0  }
0x62: {  	[sflag:s14] =	ssyncadd.s32 $0xFFFFE000  }
0x63: {  	_ =	swait.ge [sflag:s19], $0x2000  }
0x64: {  	[sflag:s19] =	ssyncset.done $0x0  }
0x65: {  	[sflag:s19] =	ssyncadd.s32 $0xFFFFE000  }
0x66: {  	[spmem:s2] =	stream.indirect.scatter.add.f32 [tilespmem:s18], [sflag:$0x3], $0x40, s28, s17, $0xb8;
	[tilespmem:$0x14F00] =	vst v63  }
0x67: {  	_ =	swait.ge [sflag:s14], $0x2000  }
0x68: {  	s0 =	stileid.u32;
	[sflag:s14] =	ssyncset.done $0x0  }
0x69: {  	s0 =	sshll.u32 s0, $0x6;
	[sflag:s14] =	ssyncadd.s32 $0xFFFFE000  }
0x6a: {  	s1 =	sshrl.u32 s5, $0x3;
	s0 =	sor.u32 $0x1C03, s0;
	[bflag:$0x0] =	sbarrier.arrive $0xFFFF  }
0x6b: {  	[hbm:s20], [sflag:s0] =	dma.local [spmem:s1], $0x400  }
0x6c: {  	_ =	swait.ge [sflag:s14], $0x400  }
0x6d: {  	[sflag:s14] =	ssyncset.done $0x0  }
0x6e: {  	s30 =	sshrl.u32 s6, $0x3;
	[sflag:s14] =	ssyncadd.s32 $0xFFFFFC00  }
0x6f: {  	[hbm:s21], [sflag:s0] =	dma.local [spmem:s30], $0x400  }
0x70: {  	_ =	swait.ge [sflag:s14], $0x400  }
0x71: {  	[sflag:s14] =	ssyncset.done $0x0  }
0x72: {  	s31 =	sshrl.u32 s7, $0x3;
	[sflag:s14] =	ssyncadd.s32 $0xFFFFFC00  }
0x73: {  	[hbm:s22], [sflag:s0] =	dma.local [spmem:s31], $0x400  }
0x74: {  	_ =	swait.ge [sflag:s14], $0x400  }
0x75: {  	[sflag:s14] =	ssyncset.done $0x0  }
0x76: {  	s30 =	sshrl.u32 s8, $0x3;
	[sflag:s14] =	ssyncadd.s32 $0xFFFFFC00  }
0x77: {  	[hbm:s23], [sflag:s0] =	dma.local [spmem:s30], $0x400  }
0x78: {  	s29 =	sadd.s32 $0x1, s29;
	_ =	swait.ge [sflag:s14], $0x400  }
0x79: {  	p0 =	sne.s32 s29, s12;
	[sflag:s14] =	ssyncset.done $0x0  }
.Ltmp2:
0x7a: {  	s31 =	sshrl.u32 s9, $0x3;
	[sflag:s14] =	ssyncadd.s32 $0xFFFFFC00;
	(pc) =	sbr.rel @p0 .LBB2_1-.Ltmp2, $4  }
0x7b: {  	[hbm:s24], [sflag:s0] =	dma.local [spmem:s31], $0x400  }
0x7c: {  	_ =	swait.ge [sflag:s14], $0x400  }
0x7d: {  	[sflag:s14] =	ssyncset.done $0x0  }
0x7e: {  	[sflag:s14] =	ssyncadd.s32 $0xFFFFFC00  }
0x7f: {  	_ =	sfence.sel $0x180000  }
0x80: {  	[bflag:$0x0] =	sbarrier.arrive $0xFFFF  }
0x81: {  	_ =	strace $0x9000004D  }
0x82: {  	s0 =	stileid.u32;
	[bflag:$0x2] =	sbarrier.arrive $0xFFFF  }
0x83: {  	p0 =	sne.s32 s0, $0x0;
	s0 =	rddreg [dreg:$0x2]  }
0x84: {  	s0 =	sadd.s32 @!p0 $0x100000, s0  }
0x85: {  	[sflag:s0] =	ssyncadd.tile.s32 @!p0 $0x1;
	_ =	shalt  }
.Lfunc_end2:
_tile_overlayer_lowered:
.L_overlay_start_2:
0x86: {  	(tag) =	ssettag $0x2  }
0x87: {  	s0 =	rddreg [dreg:$0x0];
	s2 =	stileid.u32  }
0x88: {  	s1 =	rddreg [dreg:$0x1];
	p0 =	sne.s32 s2, $0x0  }
0x89: {  	s3 =	rddreg [dreg:$0x2];
	[bflag:$0x3] =	sbarrier.arrive $0xFFFF;
	s2 =	simm.s32 @!p0 $0x1C03  }
0x8a: {  	[timem:s3], [sflag:s2] =	dma.local @!p0 [hbm:s0], s1  }
0x8b: {  	s0 =	simm.s32 @!p0 $0x3  }
0x8c: {  	_ =	swait.ge @!p0 [sflag:s0], s1  }
0x8d: {  	s1 =	ssub.s32 @!p0 $0x0, s1;
	[sflag:s0] =	ssyncset.done @!p0 $0x0  }
0x8e: {  	[sflag:s0] =	ssyncadd.s32 @!p0 s1  }
0x8f: {  	[bflag:$0x3] =	sbarrier.arrive $0xFFFF  }
0x90: {  	_ =	shalt  }

</sc_bundles>
